<compile_context>
chip_gen: v7x
topology: tpu7x:2x2x1
jax: 0.10.2.dev20260603
libtpu: 0.0.44.dev20260713+nightly
codegen_flags: <defaults>
</compile_context>

<pallas_src>
import functools

import jax
import jax.numpy as jnp
from jax import lax
from jax.experimental import pallas as pl
from jax.experimental.pallas import tpu as pltpu
from jax.experimental.pallas import tpu_sc as plsc

NB = 512
CH = 2048
NH = 2
LANES = 16


def _treeop(vals, op):
    vals = list(vals)
    while len(vals) > 1:
        nxt = [op(vals[i], vals[i + 1]) for i in range(0, len(vals) - 1, 2)]
        if len(vals) % 2:
            nxt.append(vals[-1])
        vals = nxt
    return vals[0]


def _make_sc_hist(B, C, HW, NW):
    TPT = (B * HW) // NW
    TPB = NW // B
    SPAN = HW // TPB
    NCHUNK = TPT // CH
    HSIZE = 2 * C * NB
    assert TPT % CH == 0 and CH % LANES == 0 and NW % B == 0 and HW % TPB == 0

    mesh = plsc.VectorSubcoreMesh(core_axis_name="c", subcore_axis_name="s")

    @functools.partial(
        pl.kernel,
        mesh=mesh,
        out_type=jax.ShapeDtypeStruct((NW, NH, HSIZE), jnp.int32),
        compiler_params=pltpu.CompilerParams(
            use_tc_tiling_on_sc=False, needs_layout_passes=False
        ),
        scratch_types=[
            pltpu.VMEM((2, C, CH), jnp.float32),
            pltpu.VMEM((2, CH), jnp.int32),
            [pltpu.VMEM((HSIZE,), jnp.int32) for _ in range(NH)],
            pltpu.SemaphoreType.DMA,
            pltpu.SemaphoreType.DMA,
        ],
    )
    def sc_hist(logits_hbm, labels_hbm, out_hbm, buf, lbuf, hists, sem0, sem1):
        sems = (sem0, sem1)
        cid = lax.axis_index("c")
        sid = lax.axis_index("s")
        wid = sid * 2 + cid
        b = wid // TPB
        col0 = (wid % TPB) * SPAN

        zeros16 = jnp.zeros((LANES,), jnp.int32)

        def zbody(i, carry):
            for h in range(NH):
                hists[h][pl.ds(i * LANES, LANES)] = zeros16
            return carry

        lax.fori_loop(0, HSIZE // LANES, zbody, 0)

        def logit_copy(chunk, slot):
            col = col0 + chunk * CH
            return pltpu.make_async_copy(
                logits_hbm.at[pl.ds(b * C, C), pl.ds(col, CH)],
                buf.at[slot],
                sems[slot],
            )

        def label_copy(chunk, slot):
            base = b * HW + col0 + chunk * CH
            return pltpu.make_async_copy(
                labels_hbm.at[pl.ds(base, CH)], lbuf.at[slot], sems[slot]
            )

        def compute(slot):
            def px_group(o):
                lab = lbuf[slot, pl.ds(o, LANES)]
                es = [jnp.exp(buf[slot, c, pl.ds(o, LANES)]) for c in range(C)]
                den = _treeop(es, lambda a, b_: a + b_)
                r = 1.0 / den
                for c in range(C):
                    pc = es[c] * r
                    fg = lab == c
                    err = jnp.where(fg, 1.0 - pc, pc)
                    bin_ = ((err + float(c)) * float(NB)).astype(jnp.int32)
                    bin_ = jnp.minimum(bin_, c * NB + (NB - 1))
                    b2 = bin_ + bin_
                    idx = jnp.where(fg, b2 + 1, b2)
                    cnt, last = plsc.scan_count(idx)
                    plsc.addupdate_scatter(hists[c % NH], [idx], cnt, mask=last)

            def px_body(j, carry):
                px_group(j * LANES)
                return carry

            lax.fori_loop(0, CH // LANES, px_body, 0)

        logit_copy(0, 0).start()
        label_copy(0, 0).start()
        logit_copy(1, 1).start()
        label_copy(1, 1).start()

        def chunk_body(i, carry):
            for slot in range(2):
                chunk = 2 * i + slot
                logit_copy(chunk, slot).wait()
                label_copy(chunk, slot).wait()
                compute(slot)
                nxt = chunk + 2

                @pl.when(nxt < NCHUNK)
                def _():
                    logit_copy(nxt, slot).start()
                    label_copy(nxt, slot).start()

            return carry

        lax.fori_loop(0, NCHUNK // 2, chunk_body, 0)
        for h in range(NH):
            pltpu.sync_copy(hists[h], out_hbm.at[wid, h])

    return sc_hist


def _finalize_body(C, hists_ref, out_ref):
    NB2 = 2 * NB
    hf = hists_ref[...].astype(jnp.float32)
    h = jnp.sum(hf, axis=0)

    row = lax.broadcasted_iota(jnp.int32, (NB2, NB2), 0)
    col = lax.broadcasted_iota(jnp.int32, (NB2, NB2), 1)
    colb = jnp.where(col < NB, col, col - NB)
    geq_f = (row >= colb + colb).astype(jnp.float32)
    odd_f = ((row & 1) == 1).astype(jnp.float32)
    isleft = (col < NB).astype(jnp.float32)
    M = geq_f * (isleft + (1.0 - isleft) * odd_f)
    S = jnp.dot(
        h, M, preferred_element_type=jnp.float32,
        precision=jax.lax.Precision.HIGHEST,
    )
    N = S[:, :NB]
    F = S[:, NB:]
    zc = jnp.zeros((C, 1), jnp.float32)
    Nn = jnp.concatenate([N[:, 1:], zc], axis=1)
    Fn = jnp.concatenate([F[:, 1:], zc], axis=1)
    G = F[:, :1]

    def jac(Nv, Fv):
        den = G + Nv - Fv
        safe = jnp.where(den > 0, den, 1.0)
        return jnp.where(den > 0, 1.0 - (G - Fv) / safe, 0.0)

    Jk = jac(N, F)
    Jp = jac(Nn, Fn)
    v = (lax.broadcasted_iota(jnp.int32, (C, NB), 1).astype(jnp.float32) + 0.5) * (
        1.0 / NB
    )
    dots = jnp.sum(v * (Jk - Jp), axis=1)
    present = (G[:, 0] > 0).astype(jnp.float32)
    loss = jnp.sum(dots * present) / jnp.maximum(jnp.sum(present), 1.0)
    out_ref[...] = jnp.reshape(loss, (1, 1))


def kernel(inputs, targets):
    B, C, H, W = inputs.shape
    HW = H * W
    NW = 32
    logits2d = inputs.reshape(B * C, HW)
    labels = targets.reshape(B * HW).astype(jnp.int32)

    sc_hist = _make_sc_hist(B, C, HW, NW)
    hists = sc_hist(logits2d, labels)
    hists3 = hists.reshape(NW * NH, C, 2 * NB)

    finalize = pl.pallas_call(
        functools.partial(_finalize_body, C),
        out_shape=jax.ShapeDtypeStruct((1, 1), jnp.float32),
    )
    return finalize(hists3)[0, 0]

# --- scband reference (transcript-rebuilt; emitter-appended) ---
"""Pipeline reference for scband-lovasz-softmax-41918880809164 (READ-ONLY COPY).

The authoritative reference and input builder live on the scoring server;
editing this copy changes nothing except your own understanding.
"""

import jax, jax.numpy as jnp
import numpy as np

IGNORE_INDEX = 255

def lovasz_grad(gt_sorted):
    # gt_sorted: float [P], sorted by descending error
    gts = jnp.sum(gt_sorted)
    intersection = gts - jnp.cumsum(gt_sorted)
    union = gts + jnp.cumsum(1.0 - gt_sorted)
    jaccard = 1.0 - intersection / union
    jaccard = jnp.concatenate([jaccard[:1], jaccard[1:] - jaccard[:-1]])
    return jaccard

def lovasz_softmax_flat(probas, labels, valid):
    # probas: [P, C] softmax probabilities, labels: int [P], valid: bool [P]
    # Ignored pixels are masked: fg=0 and errors=0 for invalid pixels, so they sort
    # to the tail of the descending order and contribute 0 to the dot product,
    # exactly reproducing the filtered-pixel computation of the torch reference.
    C = probas.shape[1]
    valid_f = valid.astype(probas.dtype)
    losses = []
    present = []
    for c in range(C):
        fg = (labels == c).astype(probas.dtype) * valid_f
        errors = jnp.abs(fg - probas[:, c]) * valid_f
        perm = jnp.argsort(-errors)  # descending sort, like torch.sort(descending=True)
        errors_sorted = errors[perm]
        fg_sorted = fg[perm]
        grad = jax.lax.stop_gradient(lovasz_grad(fg_sorted))
        losses.append(jnp.dot(errors_sorted, grad))
        present.append((jnp.sum(fg) > 0).astype(probas.dtype))
    losses = jnp.stack(losses)
    present = jnp.stack(present)
    # mean over classes that are present (classes='present' default)
    return jnp.sum(losses * present) / jnp.maximum(jnp.sum(present), 1.0)

def reference(inputs, targets):
    # inputs: logits [B, C, H, W]; targets: int labels [B, H, W]
    probas = jax.nn.softmax(inputs, axis=1)
    B, C, H, W = probas.shape
    probas_flat = jnp.transpose(probas, (0, 2, 3, 1)).reshape(-1, C)
    labels_flat = targets.reshape(-1)
    valid = labels_flat != IGNORE_INDEX
    return lovasz_softmax_flat(probas_flat, labels_flat, valid)

def setup_inputs(seed: int = 0) -> dict:
    key = jax.random.key(seed)
    k1, k2 = jax.random.split(key)
    inputs = jax.random.normal(k1, (4, 19, 512, 512), dtype=jnp.float32)
    targets = jax.random.randint(k2, (4, 512, 512), 0, 19, dtype=jnp.int64)
    return {"inputs": inputs, "targets": targets}

if __name__ == "__main__":
    import jax
    _d = setup_inputs()
    print(jax.jit(kernel)(*tuple(_d.values())))

</pallas_src>

<mosaic_0001>
#map = affine_map<(d0, d1) -> (0, 0)>
#map1 = affine_map<(d0, d1) -> (0)>
#map2 = affine_map<(d0, d1) -> (0, 0, 0)>
module attributes {stable_mosaic.version = 14 : i64} {
  func.func @sc_hist(%arg0: i32, %arg1: i32, %arg2: memref<76x262144xf32, #tpu.memory_space<hbm>>, %arg3: memref<1048576xi32, #tpu.memory_space<hbm>>, %arg4: memref<32x2x19456xi32, #tpu.memory_space<hbm>>, %arg5: memref<2x19x2048xf32, #tpu.memory_space<vmem>>, %arg6: memref<2x2048xi32, #tpu.memory_space<vmem>>, %arg7: memref<19456xi32, #tpu.memory_space<vmem>>, %arg8: memref<19456xi32, #tpu.memory_space<vmem>>, %arg9: memref<!tpu.dma_semaphore, #tpu.memory_space<semaphore_mem>>, %arg10: memref<!tpu.dma_semaphore, #tpu.memory_space<semaphore_mem>>) attributes {dimension_semantics = [#tpu.dimension_semantics<core_parallel>, #tpu.dimension_semantics<subcore_parallel>], iteration_bounds = array<i64: 2, 16>, scalar_prefetch = 0 : i64, scratch_operands = 6 : i64, tpu.core_type = #tpu.core_type<sc_vector_subcore>, window_params = [{transform_indices = #map}, {transform_indices = #map1}, {transform_indices = #map2}]} {
    %mul3A = arith.constant 2 : i32
    %mul3A_0 = arith.muli %arg1, %mul3A : i32
    %add3A = arith.addi %mul3A_0, %arg0 : i32
    %jit3A = arith.constant 8 : i32
    %div3A = arith.divsi %add3A, %jit3A : i32
    %sign3A = arith.constant 0 : i32
    %sign3A_1 = arith.cmpi sgt, %add3A, %sign3A : i32
    %sign3A_2 = arith.extui %sign3A_1 : i1 to i32
    %sign3A_3 = arith.constant 0 : i32
    %sign3A_4 = arith.cmpi slt, %add3A, %sign3A_3 : i32
    %sign3A_5 = arith.extui %sign3A_4 : i1 to i32
    %sign3A_6 = arith.subi %sign3A_2, %sign3A_5 : i32
    %sign3A_7 = arith.constant 0 : i32
    %sign3A_8 = arith.cmpi sgt, %jit3A, %sign3A_7 : i32
    %sign3A_9 = arith.extui %sign3A_8 : i1 to i32
    %sign3A_10 = arith.constant 0 : i32
    %sign3A_11 = arith.cmpi slt, %jit3A, %sign3A_10 : i32
    %sign3A_12 = arith.extui %sign3A_11 : i1 to i32
    %sign3A_13 = arith.subi %sign3A_9, %sign3A_12 : i32
    %ne3A = arith.cmpi ne, %sign3A_6, %sign3A_13 : i32
    %rem3A = arith.remsi %add3A, %jit3A : i32
    %ne3A_14 = arith.constant 0 : i32
    %ne3A_15 = arith.cmpi ne, %rem3A, %ne3A_14 : i32
    %and3A = arith.andi %ne3A, %ne3A_15 : i1
    %sub3A = arith.constant 1 : i32
    %sub3A_16 = arith.subi %div3A, %sub3A : i32
    %select_n3A = arith.select %and3A, %sub3A_16, %div3A : i32
    %jit3A_17 = arith.constant 8 : i32
    %eq3A = arith.constant 0 : i32
    %eq3A_18 = arith.cmpi eq, %jit3A_17, %eq3A : i32
    %jit3A_19 = arith.constant 1 : i32
    %select_n3A_20 = arith.select %eq3A_18, %jit3A_19, %jit3A_17 : i32
    %rem3A_21 = arith.remsi %add3A, %select_n3A_20 : i32
    %ne3A_22 = arith.constant 0 : i32
    %ne3A_23 = arith.cmpi ne, %rem3A_21, %ne3A_22 : i32
    %lt3A = arith.constant 0 : i32
    %lt3A_24 = arith.cmpi slt, %rem3A_21, %lt3A : i32
    %lt3A_25 = arith.constant 0 : i32
    %lt3A_26 = arith.cmpi slt, %select_n3A_20, %lt3A_25 : i32
    %ne3A_27 = arith.xori %lt3A_24, %lt3A_26 : i1
    %and3A_28 = arith.andi %ne3A_27, %ne3A_23 : i1
    %add3A_29 = arith.addi %rem3A_21, %select_n3A_20 : i32
    %select_n3A_30 = arith.select %and3A_28, %add3A_29, %rem3A_21 : i32
    %mul3A_31 = arith.constant 32768 : i32
    %mul3A_32 = arith.muli %select_n3A_30, %mul3A_31 : i32
    %broadcast_in_dim3A = arith.constant 0 : i32
    %broadcast_in_dim3A_33 = vector.broadcast %broadcast_in_dim3A : i32 to vector<16xi32>
    %scan3A = arith.constant 0 : i32
    %scan3A_34 = arith.constant 0 : i32
    %scan3A_35 = arith.constant 1216 : i32
    %scan3A_36 = arith.addi %scan3A_34, %scan3A_35 : i32
    %scan3A_37 = arith.constant 1 : i32
    scf.for %scan3A_103 = %scan3A_34 to %scan3A_36 step %scan3A_37  : i32 {
      %mul3A_104 = arith.constant 16 : i32
      %mul3A_105 = arith.muli %scan3A_103, %mul3A_104 : i32
      %swap3A = arith.index_cast %mul3A_105 : i32 to index
      %swap3A_106 = tpu.vector_load %arg7[%swap3A] {strides = array<i32>} : memref<19456xi32, #tpu.memory_space<vmem>>, vector<16xi32>,
      tpu.vector_store %arg7[%swap3A], %broadcast_in_dim3A_33 {strides = array<i32>} : memref<19456xi32, #tpu.memory_space<vmem>>, vector<16xi32>,
      %mul3A_107 = arith.constant 16 : i32
      %mul3A_108 = arith.muli %scan3A_103, %mul3A_107 : i32
      %swap3A_109 = arith.index_cast %mul3A_108 : i32 to index
      %swap3A_110 = tpu.vector_load %arg8[%swap3A_109] {strides = array<i32>} : memref<19456xi32, #tpu.memory_space<vmem>>, vector<16xi32>,
      tpu.vector_store %arg8[%swap3A_109], %broadcast_in_dim3A_33 {strides = array<i32>} : memref<19456xi32, #tpu.memory_space<vmem>>, vector<16xi32>,
    }
    %scan3A_38 = arith.constant 1216 : i32
    %add3A_39 = arith.constant 0 : i32
    %add3A_40 = arith.addi %mul3A_32, %add3A_39 : i32
    %mul3A_41 = arith.constant 19 : i32
    %mul3A_42 = arith.muli %select_n3A, %mul3A_41 : i32
    %dma_start3A = arith.constant 0 : i32
    %dma_start3A_43 = arith.constant 0 : i32
    %dma_start3A_44 = arith.constant 0 : i32
    %dma_start3A_45 = tpu.memref_slice %arg5[%dma_start3A, %dma_start3A_43, %dma_start3A_44] : memref<2x19x2048xf32, #tpu.memory_space<vmem>> -> memref<1x19x2048xf32, #tpu.memory_space<vmem>>
    %dma_start3A_46 = tpu.memref_squeeze %dma_start3A_45 : memref<1x19x2048xf32, #tpu.memory_space<vmem>> -> memref<19x2048xf32, #tpu.memory_space<vmem>>
    %dma_start3A_47 = tpu.memref_slice %arg2[%mul3A_42, %add3A_40] : memref<76x262144xf32, #tpu.memory_space<hbm>> -> memref<19x2048xf32, #tpu.memory_space<hbm>>
    %dma_start3A_48 = arith.constant 0 : i32
    %dma_start3A_49 = arith.constant 0 : i32
    %dma_start3A_50 = tpu.memref_slice %arg5[%dma_start3A, %dma_start3A_48, %dma_start3A_49] : memref<2x19x2048xf32, #tpu.memory_space<vmem>> -> memref<1x19x2048xf32, #tpu.memory_space<vmem>>
    %dma_start3A_51 = tpu.memref_squeeze %dma_start3A_50 : memref<1x19x2048xf32, #tpu.memory_space<vmem>> -> memref<19x2048xf32, #tpu.memory_space<vmem>>
    %dma_start3A_52 = tpu.memref_slice %arg2[%mul3A_42, %add3A_40] : memref<76x262144xf32, #tpu.memory_space<hbm>> -> memref<19x2048xf32, #tpu.memory_space<hbm>>
    tpu.enqueue_dma source(%dma_start3A_52 : memref<19x2048xf32, #tpu.memory_space<hbm>>) target(%dma_start3A_51 : memref<19x2048xf32, #tpu.memory_space<vmem>>) target_semaphore(%arg9 : memref<!tpu.dma_semaphore, #tpu.memory_space<semaphore_mem>>)
    %mul3A_53 = arith.constant 262144 : i32
    %mul3A_54 = arith.muli %select_n3A, %mul3A_53 : i32
    %add3A_55 = arith.addi %mul3A_54, %mul3A_32 : i32
    %add3A_56 = arith.constant 0 : i32
    %add3A_57 = arith.addi %add3A_55, %add3A_56 : i32
    %dma_start3A_58 = arith.constant 0 : i32
    %dma_start3A_59 = arith.constant 0 : i32
    %dma_start3A_60 = tpu.memref_slice %arg6[%dma_start3A_58, %dma_start3A_59] : memref<2x2048xi32, #tpu.memory_space<vmem>> -> memref<1x2048xi32, #tpu.memory_space<vmem>>
    %dma_start3A_61 = tpu.memref_squeeze %dma_start3A_60 : memref<1x2048xi32, #tpu.memory_space<vmem>> -> memref<2048xi32, #tpu.memory_space<vmem>>
    %dma_start3A_62 = tpu.memref_slice %arg3[%add3A_57] : memref<1048576xi32, #tpu.memory_space<hbm>> -> memref<2048xi32, #tpu.memory_space<hbm>>
    %dma_start3A_63 = arith.constant 0 : i32
    %dma_start3A_64 = tpu.memref_slice %arg6[%dma_start3A_58, %dma_start3A_63] : memref<2x2048xi32, #tpu.memory_space<vmem>> -> memref<1x2048xi32, #tpu.memory_space<vmem>>
    %dma_start3A_65 = tpu.memref_squeeze %dma_start3A_64 : memref<1x2048xi32, #tpu.memory_space<vmem>> -> memref<2048xi32, #tpu.memory_space<vmem>>
    %dma_start3A_66 = tpu.memref_slice %arg3[%add3A_57] : memref<1048576xi32, #tpu.memory_space<hbm>> -> memref<2048xi32, #tpu.memory_space<hbm>>
    tpu.enqueue_dma source(%dma_start3A_66 : memref<2048xi32, #tpu.memory_space<hbm>>) target(%dma_start3A_65 : memref<2048xi32, #tpu.memory_space<vmem>>) target_semaphore(%arg9 : memref<!tpu.dma_semaphore, #tpu.memory_space<semaphore_mem>>)
    %add3A_67 = arith.constant 2048 : i32
    %add3A_68 = arith.addi %mul3A_32, %add3A_67 : i32
    %mul3A_69 = arith.constant 19 : i32
    %mul3A_70 = arith.muli %select_n3A, %mul3A_69 : i32
    %dma_start3A_71 = arith.constant 1 : i32
    %dma_start3A_72 = arith.constant 0 : i32
    %dma_start3A_73 = arith.constant 0 : i32
    %dma_start3A_74 = tpu.memref_slice %arg5[%dma_start3A_71, %dma_start3A_72, %dma_start3A_73] : memref<2x19x2048xf32, #tpu.memory_space<vmem>> -> memref<1x19x2048xf32, #tpu.memory_space<vmem>>
    %dma_start3A_75 = tpu.memref_squeeze %dma_start3A_74 : memref<1x19x2048xf32, #tpu.memory_space<vmem>> -> memref<19x2048xf32, #tpu.memory_space<vmem>>
    %dma_start3A_76 = tpu.memref_slice %arg2[%mul3A_70, %add3A_68] : memref<76x262144xf32, #tpu.memory_space<hbm>> -> memref<19x2048xf32, #tpu.memory_space<hbm>>
    %dma_start3A_77 = arith.constant 0 : i32
    %dma_start3A_78 = arith.constant 0 : i32
    %dma_start3A_79 = tpu.memref_slice %arg5[%dma_start3A_71, %dma_start3A_77, %dma_start3A_78] : memref<2x19x2048xf32, #tpu.memory_space<vmem>> -> memref<1x19x2048xf32, #tpu.memory_space<vmem>>
    %dma_start3A_80 = tpu.memref_squeeze %dma_start3A_79 : memref<1x19x2048xf32, #tpu.memory_space<vmem>> -> memref<19x2048xf32, #tpu.memory_space<vmem>>
    %dma_start3A_81 = tpu.memref_slice %arg2[%mul3A_70, %add3A_68] : memref<76x262144xf32, #tpu.memory_space<hbm>> -> memref<19x2048xf32, #tpu.memory_space<hbm>>
    tpu.enqueue_dma source(%dma_start3A_81 : memref<19x2048xf32, #tpu.memory_space<hbm>>) target(%dma_start3A_80 : memref<19x2048xf32, #tpu.memory_space<vmem>>) target_semaphore(%arg10 : memref<!tpu.dma_semaphore, #tpu.memory_space<semaphore_mem>>)
    %mul3A_82 = arith.constant 262144 : i32
    %mul3A_83 = arith.muli %select_n3A, %mul3A_82 : i32
    %add3A_84 = arith.addi %mul3A_83, %mul3A_32 : i32
    %add3A_85 = arith.constant 2048 : i32
    %add3A_86 = arith.addi %add3A_84, %add3A_85 : i32
    %dma_start3A_87 = arith.constant 1 : i32
    %dma_start3A_88 = arith.constant 0 : i32
    %dma_start3A_89 = tpu.memref_slice %arg6[%dma_start3A_87, %dma_start3A_88] : memref<2x2048xi32, #tpu.memory_space<vmem>> -> memref<1x2048xi32, #tpu.memory_space<vmem>>
    %dma_start3A_90 = tpu.memref_squeeze %dma_start3A_89 : memref<1x2048xi32, #tpu.memory_space<vmem>> -> memref<2048xi32, #tpu.memory_space<vmem>>
    %dma_start3A_91 = tpu.memref_slice %arg3[%add3A_86] : memref<1048576xi32, #tpu.memory_space<hbm>> -> memref<2048xi32, #tpu.memory_space<hbm>>
    %dma_start3A_92 = arith.constant 0 : i32
    %dma_start3A_93 = tpu.memref_slice %arg6[%dma_start3A_87, %dma_start3A_92] : memref<2x2048xi32, #tpu.memory_space<vmem>> -> memref<1x2048xi32, #tpu.memory_space<vmem>>
    %dma_start3A_94 = tpu.memref_squeeze %dma_start3A_93 : memref<1x2048xi32, #tpu.memory_space<vmem>> -> memref<2048xi32, #tpu.memory_space<vmem>>
    %dma_start3A_95 = tpu.memref_slice %arg3[%add3A_86] : memref<1048576xi32, #tpu.memory_space<hbm>> -> memref<2048xi32, #tpu.memory_space<hbm>>
    tpu.enqueue_dma source(%dma_start3A_95 : memref<2048xi32, #tpu.memory_space<hbm>>) target(%dma_start3A_94 : memref<2048xi32, #tpu.memory_space<vmem>>) target_semaphore(%arg10 : memref<!tpu.dma_semaphore, #tpu.memory_space<semaphore_mem>>)
    %scan3A_96 = arith.constant 0 : i32
    %scan3A_97 = arith.constant 0 : i32
    %scan3A_98 = arith.constant 8 : i32
    %scan3A_99 = arith.addi %scan3A_97, %scan3A_98 : i32
    %scan3A_100 = arith.constant 1 : i32
    scf.for %scan3A_103 = %scan3A_97 to %scan3A_99 step %scan3A_100  : i32 {
      %mul3A_104 = arith.constant 2 : i32
      %mul3A_105 = arith.muli %mul3A_104, %scan3A_103 : i32
      %add3A_106 = arith.constant 0 : i32
      %add3A_107 = arith.addi %mul3A_105, %add3A_106 : i32
      %mul3A_108 = arith.constant 2048 : i32
      %mul3A_109 = arith.muli %add3A_107, %mul3A_108 : i32
      %add3A_110 = arith.addi %mul3A_32, %mul3A_109 : i32
      %mul3A_111 = arith.constant 19 : i32
      %mul3A_112 = arith.muli %select_n3A, %mul3A_111 : i32
      %dma_wait3A = arith.constant 0 : i32
      %dma_wait3A_113 = arith.constant 0 : i32
      %dma_wait3A_114 = arith.constant 0 : i32
      %dma_wait3A_115 = tpu.memref_slice %arg5[%dma_wait3A, %dma_wait3A_113, %dma_wait3A_114] : memref<2x19x2048xf32, #tpu.memory_space<vmem>> -> memref<1x19x2048xf32, #tpu.memory_space<vmem>>
      %dma_wait3A_116 = tpu.memref_squeeze %dma_wait3A_115 : memref<1x19x2048xf32, #tpu.memory_space<vmem>> -> memref<19x2048xf32, #tpu.memory_space<vmem>>
      %dma_wait3A_117 = tpu.memref_slice %arg2[%mul3A_112, %add3A_110] : memref<76x262144xf32, #tpu.memory_space<hbm>> -> memref<19x2048xf32, #tpu.memory_space<hbm>>
      %dma_wait3A_118 = arith.constant 0 : i32
      %dma_wait3A_119 = arith.constant 0 : i32
      %dma_wait3A_120 = tpu.memref_slice %arg5[%dma_wait3A, %dma_wait3A_118, %dma_wait3A_119] : memref<2x19x2048xf32, #tpu.memory_space<vmem>> -> memref<1x19x2048xf32, #tpu.memory_space<vmem>>
      %dma_wait3A_121 = tpu.memref_squeeze %dma_wait3A_120 : memref<1x19x2048xf32, #tpu.memory_space<vmem>> -> memref<19x2048xf32, #tpu.memory_space<vmem>>
      %dma_wait3A_122 = tpu.memref_slice %arg2[%mul3A_112, %add3A_110] : memref<76x262144xf32, #tpu.memory_space<hbm>> -> memref<19x2048xf32, #tpu.memory_space<hbm>>
      tpu.wait_dma2 semaphore(%arg9 : memref<!tpu.dma_semaphore, #tpu.memory_space<semaphore_mem>>) src(%dma_wait3A_122 : memref<19x2048xf32, #tpu.memory_space<hbm>>) dst(%dma_wait3A_121 : memref<19x2048xf32, #tpu.memory_space<vmem>>)
      %mul3A_123 = arith.constant 262144 : i32
      %mul3A_124 = arith.muli %select_n3A, %mul3A_123 : i32
      %add3A_125 = arith.addi %mul3A_124, %mul3A_32 : i32
      %mul3A_126 = arith.constant 2048 : i32
      %mul3A_127 = arith.muli %add3A_107, %mul3A_126 : i32
      %add3A_128 = arith.addi %add3A_125, %mul3A_127 : i32
      %dma_wait3A_129 = arith.constant 0 : i32
      %dma_wait3A_130 = arith.constant 0 : i32
      %dma_wait3A_131 = tpu.memref_slice %arg6[%dma_wait3A_129, %dma_wait3A_130] : memref<2x2048xi32, #tpu.memory_space<vmem>> -> memref<1x2048xi32, #tpu.memory_space<vmem>>
      %dma_wait3A_132 = tpu.memref_squeeze %dma_wait3A_131 : memref<1x2048xi32, #tpu.memory_space<vmem>> -> memref<2048xi32, #tpu.memory_space<vmem>>
      %dma_wait3A_133 = tpu.memref_slice %arg3[%add3A_128] : memref<1048576xi32, #tpu.memory_space<hbm>> -> memref<2048xi32, #tpu.memory_space<hbm>>
      %dma_wait3A_134 = arith.constant 0 : i32
      %dma_wait3A_135 = tpu.memref_slice %arg6[%dma_wait3A_129, %dma_wait3A_134] : memref<2x2048xi32, #tpu.memory_space<vmem>> -> memref<1x2048xi32, #tpu.memory_space<vmem>>
      %dma_wait3A_136 = tpu.memref_squeeze %dma_wait3A_135 : memref<1x2048xi32, #tpu.memory_space<vmem>> -> memref<2048xi32, #tpu.memory_space<vmem>>
      %dma_wait3A_137 = tpu.memref_slice %arg3[%add3A_128] : memref<1048576xi32, #tpu.memory_space<hbm>> -> memref<2048xi32, #tpu.memory_space<hbm>>
      tpu.wait_dma2 semaphore(%arg9 : memref<!tpu.dma_semaphore, #tpu.memory_space<semaphore_mem>>) src(%dma_wait3A_137 : memref<2048xi32, #tpu.memory_space<hbm>>) dst(%dma_wait3A_136 : memref<2048xi32, #tpu.memory_space<vmem>>)
      %scan3A_138 = arith.constant 0 : i32
      %scan3A_139 = arith.constant 0 : i32
      %scan3A_140 = arith.constant 128 : i32
      %scan3A_141 = arith.addi %scan3A_139, %scan3A_140 : i32
      %scan3A_142 = arith.constant 1 : i32
      scf.for %scan3A_197 = %scan3A_139 to %scan3A_141 step %scan3A_142  : i32 {
        %mul3A_198 = arith.constant 16 : i32
        %mul3A_199 = arith.muli %scan3A_197, %mul3A_198 : i32
        %get3A = arith.constant 0 : i32
        %get3A_200 = arith.index_cast %get3A : i32 to index
        %get3A_201 = arith.index_cast %mul3A_199 : i32 to index
        %get3A_202 = tpu.vector_load %arg6[%get3A_200, %get3A_201] {strides = array<i32>} : memref<2x2048xi32, #tpu.memory_space<vmem>>, vector<16xi32>,
        %get3A_203 = arith.constant 0 : i32
        %get3A_204 = arith.constant 0 : i32
        %get3A_205 = arith.index_cast %get3A_203 : i32 to index
        %get3A_206 = arith.index_cast %get3A_204 : i32 to index
        %get3A_207 = arith.index_cast %mul3A_199 : i32 to index
        %get3A_208 = tpu.vector_load %arg5[%get3A_205, %get3A_206, %get3A_207] {strides = array<i32>} : memref<2x19x2048xf32, #tpu.memory_space<vmem>>, vector<16xf32>,
        %exp3A = math.exp %get3A_208 : vector<16xf32>
        %get3A_209 = arith.constant 0 : i32
        %get3A_210 = arith.constant 1 : i32
        %get3A_211 = arith.index_cast %get3A_209 : i32 to index
        %get3A_212 = arith.index_cast %get3A_210 : i32 to index
        %get3A_213 = arith.index_cast %mul3A_199 : i32 to index
        %get3A_214 = tpu.vector_load %arg5[%get3A_211, %get3A_212, %get3A_213] {strides = array<i32>} : memref<2x19x2048xf32, #tpu.memory_space<vmem>>, vector<16xf32>,
        %exp3A_215 = math.exp %get3A_214 : vector<16xf32>
        %get3A_216 = arith.constant 0 : i32
        %get3A_217 = arith.constant 2 : i32
        %get3A_218 = arith.index_cast %get3A_216 : i32 to index
        %get3A_219 = arith.index_cast %get3A_217 : i32 to index
        %get3A_220 = arith.index_cast %mul3A_199 : i32 to index
        %get3A_221 = tpu.vector_load %arg5[%get3A_218, %get3A_219, %get3A_220] {strides = array<i32>} : memref<2x19x2048xf32, #tpu.memory_space<vmem>>, vector<16xf32>,
        %exp3A_222 = math.exp %get3A_221 : vector<16xf32>
        %get3A_223 = arith.constant 0 : i32
        %get3A_224 = arith.constant 3 : i32
        %get3A_225 = arith.index_cast %get3A_223 : i32 to index
        %get3A_226 = arith.index_cast %get3A_224 : i32 to index
        %get3A_227 = arith.index_cast %mul3A_199 : i32 to index
        %get3A_228 = tpu.vector_load %arg5[%get3A_225, %get3A_226, %get3A_227] {strides = array<i32>} : memref<2x19x2048xf32, #tpu.memory_space<vmem>>, vector<16xf32>,
        %exp3A_229 = math.exp %get3A_228 : vector<16xf32>
        %get3A_230 = arith.constant 0 : i32
        %get3A_231 = arith.constant 4 : i32
        %get3A_232 = arith.index_cast %get3A_230 : i32 to index
        %get3A_233 = arith.index_cast %get3A_231 : i32 to index
        %get3A_234 = arith.index_cast %mul3A_199 : i32 to index
        %get3A_235 = tpu.vector_load %arg5[%get3A_232, %get3A_233, %get3A_234] {strides = array<i32>} : memref<2x19x2048xf32, #tpu.memory_space<vmem>>, vector<16xf32>,
        %exp3A_236 = math.exp %get3A_235 : vector<16xf32>
        %get3A_237 = arith.constant 0 : i32
        %get3A_238 = arith.constant 5 : i32
        %get3A_239 = arith.index_cast %get3A_237 : i32 to index
        %get3A_240 = arith.index_cast %get3A_238 : i32 to index
        %get3A_241 = arith.index_cast %mul3A_199 : i32 to index
        %get3A_242 = tpu.vector_load %arg5[%get3A_239, %get3A_240, %get3A_241] {strides = array<i32>} : memref<2x19x2048xf32, #tpu.memory_space<vmem>>, vector<16xf32>,
        %exp3A_243 = math.exp %get3A_242 : vector<16xf32>
        %get3A_244 = arith.constant 0 : i32
        %get3A_245 = arith.constant 6 : i32
        %get3A_246 = arith.index_cast %get3A_244 : i32 to index
        %get3A_247 = arith.index_cast %get3A_245 : i32 to index
        %get3A_248 = arith.index_cast %mul3A_199 : i32 to index
        %get3A_249 = tpu.vector_load %arg5[%get3A_246, %get3A_247, %get3A_248] {strides = array<i32>} : memref<2x19x2048xf32, #tpu.memory_space<vmem>>, vector<16xf32>,
        %exp3A_250 = math.exp %get3A_249 : vector<16xf32>
        %get3A_251 = arith.constant 0 : i32
        %get3A_252 = arith.constant 7 : i32
        %get3A_253 = arith.index_cast %get3A_251 : i32 to index
        %get3A_254 = arith.index_cast %get3A_252 : i32 to index
        %get3A_255 = arith.index_cast %mul3A_199 : i32 to index
        %get3A_256 = tpu.vector_load %arg5[%get3A_253, %get3A_254, %get3A_255] {strides = array<i32>} : memref<2x19x2048xf32, #tpu.memory_space<vmem>>, vector<16xf32>,
        %exp3A_257 = math.exp %get3A_256 : vector<16xf32>
        %get3A_258 = arith.constant 0 : i32
        %get3A_259 = arith.constant 8 : i32
        %get3A_260 = arith.index_cast %get3A_258 : i32 to index
        %get3A_261 = arith.index_cast %get3A_259 : i32 to index
        %get3A_262 = arith.index_cast %mul3A_199 : i32 to index
        %get3A_263 = tpu.vector_load %arg5[%get3A_260, %get3A_261, %get3A_262] {strides = array<i32>} : memref<2x19x2048xf32, #tpu.memory_space<vmem>>, vector<16xf32>,
        %exp3A_264 = math.exp %get3A_263 : vector<16xf32>
        %get3A_265 = arith.constant 0 : i32
        %get3A_266 = arith.constant 9 : i32
        %get3A_267 = arith.index_cast %get3A_265 : i32 to index
        %get3A_268 = arith.index_cast %get3A_266 : i32 to index
        %get3A_269 = arith.index_cast %mul3A_199 : i32 to index
        %get3A_270 = tpu.vector_load %arg5[%get3A_267, %get3A_268, %get3A_269] {strides = array<i32>} : memref<2x19x2048xf32, #tpu.memory_space<vmem>>, vector<16xf32>,
        %exp3A_271 = math.exp %get3A_270 : vector<16xf32>
        %get3A_272 = arith.constant 0 : i32
        %get3A_273 = arith.constant 10 : i32
        %get3A_274 = arith.index_cast %get3A_272 : i32 to index
        %get3A_275 = arith.index_cast %get3A_273 : i32 to index
        %get3A_276 = arith.index_cast %mul3A_199 : i32 to index
        %get3A_277 = tpu.vector_load %arg5[%get3A_274, %get3A_275, %get3A_276] {strides = array<i32>} : memref<2x19x2048xf32, #tpu.memory_space<vmem>>, vector<16xf32>,
        %exp3A_278 = math.exp %get3A_277 : vector<16xf32>
        %get3A_279 = arith.constant 0 : i32
        %get3A_280 = arith.constant 11 : i32
        %get3A_281 = arith.index_cast %get3A_279 : i32 to index
        %get3A_282 = arith.index_cast %get3A_280 : i32 to index
        %get3A_283 = arith.index_cast %mul3A_199 : i32 to index
        %get3A_284 = tpu.vector_load %arg5[%get3A_281, %get3A_282, %get3A_283] {strides = array<i32>} : memref<2x19x2048xf32, #tpu.memory_space<vmem>>, vector<16xf32>,
        %exp3A_285 = math.exp %get3A_284 : vector<16xf32>
        %get3A_286 = arith.constant 0 : i32
        %get3A_287 = arith.constant 12 : i32
        %get3A_288 = arith.index_cast %get3A_286 : i32 to index
        %get3A_289 = arith.index_cast %get3A_287 : i32 to index
        %get3A_290 = arith.index_cast %mul3A_199 : i32 to index
        %get3A_291 = tpu.vector_load %arg5[%get3A_288, %get3A_289, %get3A_290] {strides = array<i32>} : memref<2x19x2048xf32, #tpu.memory_space<vmem>>, vector<16xf32>,
        %exp3A_292 = math.exp %get3A_291 : vector<16xf32>
        %get3A_293 = arith.constant 0 : i32
        %get3A_294 = arith.constant 13 : i32
        %get3A_295 = arith.index_cast %get3A_293 : i32 to index
        %get3A_296 = arith.index_cast %get3A_294 : i32 to index
        %get3A_297 = arith.index_cast %mul3A_199 : i32 to index
        %get3A_298 = tpu.vector_load %arg5[%get3A_295, %get3A_296, %get3A_297] {strides = array<i32>} : memref<2x19x2048xf32, #tpu.memory_space<vmem>>, vector<16xf32>,
        %exp3A_299 = math.exp %get3A_298 : vector<16xf32>
        %get3A_300 = arith.constant 0 : i32
        %get3A_301 = arith.constant 14 : i32
        %get3A_302 = arith.index_cast %get3A_300 : i32 to index
        %get3A_303 = arith.index_cast %get3A_301 : i32 to index
        %get3A_304 = arith.index_cast %mul3A_199 : i32 to index
        %get3A_305 = tpu.vector_load %arg5[%get3A_302, %get3A_303, %get3A_304] {strides = array<i32>} : memref<2x19x2048xf32, #tpu.memory_space<vmem>>, vector<16xf32>,
        %exp3A_306 = math.exp %get3A_305 : vector<16xf32>
        %get3A_307 = arith.constant 0 : i32
        %get3A_308 = arith.constant 15 : i32
        %get3A_309 = arith.index_cast %get3A_307 : i32 to index
        %get3A_310 = arith.index_cast %get3A_308 : i32 to index
        %get3A_311 = arith.index_cast %mul3A_199 : i32 to index
        %get3A_312 = tpu.vector_load %arg5[%get3A_309, %get3A_310, %get3A_311] {strides = array<i32>} : memref<2x19x2048xf32, #tpu.memory_space<vmem>>, vector<16xf32>,
        %exp3A_313 = math.exp %get3A_312 : vector<16xf32>
        %get3A_314 = arith.constant 0 : i32
        %get3A_315 = arith.constant 16 : i32
        %get3A_316 = arith.index_cast %get3A_314 : i32 to index
        %get3A_317 = arith.index_cast %get3A_315 : i32 to index
        %get3A_318 = arith.index_cast %mul3A_199 : i32 to index
        %get3A_319 = tpu.vector_load %arg5[%get3A_316, %get3A_317, %get3A_318] {strides = array<i32>} : memref<2x19x2048xf32, #tpu.memory_space<vmem>>, vector<16xf32>,
        %exp3A_320 = math.exp %get3A_319 : vector<16xf32>
        %get3A_321 = arith.constant 0 : i32
        %get3A_322 = arith.constant 17 : i32
        %get3A_323 = arith.index_cast %get3A_321 : i32 to index
        %get3A_324 = arith.index_cast %get3A_322 : i32 to index
        %get3A_325 = arith.index_cast %mul3A_199 : i32 to index
        %get3A_326 = tpu.vector_load %arg5[%get3A_323, %get3A_324, %get3A_325] {strides = array<i32>} : memref<2x19x2048xf32, #tpu.memory_space<vmem>>, vector<16xf32>,
        %exp3A_327 = math.exp %get3A_326 : vector<16xf32>
        %get3A_328 = arith.constant 0 : i32
        %get3A_329 = arith.constant 18 : i32
        %get3A_330 = arith.index_cast %get3A_328 : i32 to index
        %get3A_331 = arith.index_cast %get3A_329 : i32 to index
        %get3A_332 = arith.index_cast %mul3A_199 : i32 to index
        %get3A_333 = tpu.vector_load %arg5[%get3A_330, %get3A_331, %get3A_332] {strides = array<i32>} : memref<2x19x2048xf32, #tpu.memory_space<vmem>>, vector<16xf32>,
        %exp3A_334 = math.exp %get3A_333 : vector<16xf32>
        %add3A_335 = arith.addf %exp3A, %exp3A_215 : vector<16xf32>
        %add3A_336 = arith.addf %exp3A_222, %exp3A_229 : vector<16xf32>
        %add3A_337 = arith.addf %exp3A_236, %exp3A_243 : vector<16xf32>
        %add3A_338 = arith.addf %exp3A_250, %exp3A_257 : vector<16xf32>
        %add3A_339 = arith.addf %exp3A_264, %exp3A_271 : vector<16xf32>
        %add3A_340 = arith.addf %exp3A_278, %exp3A_285 : vector<16xf32>
        %add3A_341 = arith.addf %exp3A_292, %exp3A_299 : vector<16xf32>
        %add3A_342 = arith.addf %exp3A_306, %exp3A_313 : vector<16xf32>
        %add3A_343 = arith.addf %exp3A_320, %exp3A_327 : vector<16xf32>
        %add3A_344 = arith.addf %add3A_335, %add3A_336 : vector<16xf32>
        %add3A_345 = arith.addf %add3A_337, %add3A_338 : vector<16xf32>
        %add3A_346 = arith.addf %add3A_339, %add3A_340 : vector<16xf32>
        %add3A_347 = arith.addf %add3A_341, %add3A_342 : vector<16xf32>
        %add3A_348 = arith.addf %add3A_343, %exp3A_334 : vector<16xf32>
        %add3A_349 = arith.addf %add3A_344, %add3A_345 : vector<16xf32>
        %add3A_350 = arith.addf %add3A_346, %add3A_347 : vector<16xf32>
        %add3A_351 = arith.addf %add3A_349, %add3A_350 : vector<16xf32>
        %add3A_352 = arith.addf %add3A_351, %add3A_348 : vector<16xf32>
        %div3A_353 = arith.constant 1.000000e+00 : f32
        %div3A_354 = vector.broadcast %div3A_353 : f32 to vector<16xf32>
        %div3A_355 = arith.divf %div3A_354, %add3A_352 : vector<16xf32>
        %mul3A_356 = arith.mulf %exp3A, %div3A_355 : vector<16xf32>
        %eq3A_357 = arith.constant 0 : i32
        %eq3A_358 = vector.broadcast %eq3A_357 : i32 to vector<16xi32>
        %eq3A_359 = arith.cmpi eq, %get3A_202, %eq3A_358 : vector<16xi32>
        %sub3A_360 = arith.constant 1.000000e+00 : f32
        %sub3A_361 = vector.broadcast %sub3A_360 : f32 to vector<16xf32>
        %sub3A_362 = arith.subf %sub3A_361, %mul3A_356 : vector<16xf32>
        %select_n3A_363 = arith.select %eq3A_359, %sub3A_362, %mul3A_356 : vector<16xi1>, vector<16xf32>
        %add3A_364 = arith.constant 0.000000e+00 : f32
        %add3A_365 = vector.broadcast %add3A_364 : f32 to vector<16xf32>
        %add3A_366 = arith.addf %select_n3A_363, %add3A_365 : vector<16xf32>
        %mul3A_367 = arith.constant 5.120000e+02 : f32
        %mul3A_368 = vector.broadcast %mul3A_367 : f32 to vector<16xf32>
        %mul3A_369 = arith.mulf %add3A_366, %mul3A_368 : vector<16xf32>
        %convert_element_type3A_370 = arith.fptosi %mul3A_369 : vector<16xf32> to vector<16xi32>
        %min3A = arith.constant 511 : i32
        %min3A_371 = vector.broadcast %min3A : i32 to vector<16xi32>
        %min3A_372 = arith.minsi %convert_element_type3A_370, %min3A_371 : vector<16xi32>
        %add3A_373 = arith.addi %min3A_372, %min3A_372 : vector<16xi32>
        %add3A_374 = arith.constant 1 : i32
        %add3A_375 = vector.broadcast %add3A_374 : i32 to vector<16xi32>
        %add3A_376 = arith.addi %add3A_373, %add3A_375 : vector<16xi32>
        %select_n3A_377 = arith.select %eq3A_359, %add3A_376, %add3A_373 : vector<16xi1>, vector<16xi32>
        %broadcast_in_dim3A_378 = arith.constant true
        %broadcast_in_dim3A_379 = vector.broadcast %broadcast_in_dim3A_378 : i1 to vector<16xi1>
        %unique3A, %unique3A_380 = tpu.scan_count mask(%broadcast_in_dim3A_379 : vector<16xi1>) value(%select_n3A_377 : vector<16xi32>) : vector<16xi1>, vector<16xi32>
        tpu.vector_store_idx %arg7[%select_n3A_377], %unique3A_380 masked %unique3A {add = true} : memref<19456xi32, #tpu.memory_space<vmem>>[vector<16xi32>], vector<16xi32>, vector<16xi1>
        %mul3A_381 = arith.mulf %exp3A_215, %div3A_355 : vector<16xf32>
        %eq3A_382 = arith.constant 1 : i32
        %eq3A_383 = vector.broadcast %eq3A_382 : i32 to vector<16xi32>
        %eq3A_384 = arith.cmpi eq, %get3A_202, %eq3A_383 : vector<16xi32>
        %sub3A_385 = arith.constant 1.000000e+00 : f32
        %sub3A_386 = vector.broadcast %sub3A_385 : f32 to vector<16xf32>
        %sub3A_387 = arith.subf %sub3A_386, %mul3A_381 : vector<16xf32>
        %select_n3A_388 = arith.select %eq3A_384, %sub3A_387, %mul3A_381 : vector<16xi1>, vector<16xf32>
        %add3A_389 = arith.constant 1.000000e+00 : f32
        %add3A_390 = vector.broadcast %add3A_389 : f32 to vector<16xf32>
        %add3A_391 = arith.addf %select_n3A_388, %add3A_390 : vector<16xf32>
        %mul3A_392 = arith.constant 5.120000e+02 : f32
        %mul3A_393 = vector.broadcast %mul3A_392 : f32 to vector<16xf32>
        %mul3A_394 = arith.mulf %add3A_391, %mul3A_393 : vector<16xf32>
        %convert_element_type3A_395 = arith.fptosi %mul3A_394 : vector<16xf32> to vector<16xi32>
        %min3A_396 = arith.constant 1023 : i32
        %min3A_397 = vector.broadcast %min3A_396 : i32 to vector<16xi32>
        %min3A_398 = arith.minsi %convert_element_type3A_395, %min3A_397 : vector<16xi32>
        %add3A_399 = arith.addi %min3A_398, %min3A_398 : vector<16xi32>
        %add3A_400 = arith.constant 1 : i32
        %add3A_401 = vector.broadcast %add3A_400 : i32 to vector<16xi32>
        %add3A_402 = arith.addi %add3A_399, %add3A_401 : vector<16xi32>
        %select_n3A_403 = arith.select %eq3A_384, %add3A_402, %add3A_399 : vector<16xi1>, vector<16xi32>
        %broadcast_in_dim3A_404 = arith.constant true
        %broadcast_in_dim3A_405 = vector.broadcast %broadcast_in_dim3A_404 : i1 to vector<16xi1>
        %unique3A_406, %unique3A_407 = tpu.scan_count mask(%broadcast_in_dim3A_405 : vector<16xi1>) value(%select_n3A_403 : vector<16xi32>) : vector<16xi1>, vector<16xi32>
        tpu.vector_store_idx %arg8[%select_n3A_403], %unique3A_407 masked %unique3A_406 {add = true} : memref<19456xi32, #tpu.memory_space<vmem>>[vector<16xi32>], vector<16xi32>, vector<16xi1>
        %mul3A_408 = arith.mulf %exp3A_222, %div3A_355 : vector<16xf32>
        %eq3A_409 = arith.constant 2 : i32
        %eq3A_410 = vector.broadcast %eq3A_409 : i32 to vector<16xi32>
        %eq3A_411 = arith.cmpi eq, %get3A_202, %eq3A_410 : vector<16xi32>
        %sub3A_412 = arith.constant 1.000000e+00 : f32
        %sub3A_413 = vector.broadcast %sub3A_412 : f32 to vector<16xf32>
        %sub3A_414 = arith.subf %sub3A_413, %mul3A_408 : vector<16xf32>
        %select_n3A_415 = arith.select %eq3A_411, %sub3A_414, %mul3A_408 : vector<16xi1>, vector<16xf32>
        %add3A_416 = arith.constant 2.000000e+00 : f32
        %add3A_417 = vector.broadcast %add3A_416 : f32 to vector<16xf32>
        %add3A_418 = arith.addf %select_n3A_415, %add3A_417 : vector<16xf32>
        %mul3A_419 = arith.constant 5.120000e+02 : f32
        %mul3A_420 = vector.broadcast %mul3A_419 : f32 to vector<16xf32>
        %mul3A_421 = arith.mulf %add3A_418, %mul3A_420 : vector<16xf32>
        %convert_element_type3A_422 = arith.fptosi %mul3A_421 : vector<16xf32> to vector<16xi32>
        %min3A_423 = arith.constant 1535 : i32
        %min3A_424 = vector.broadcast %min3A_423 : i32 to vector<16xi32>
        %min3A_425 = arith.minsi %convert_element_type3A_422, %min3A_424 : vector<16xi32>
        %add3A_426 = arith.addi %min3A_425, %min3A_425 : vector<16xi32>
        %add3A_427 = arith.constant 1 : i32
        %add3A_428 = vector.broadcast %add3A_427 : i32 to vector<16xi32>
        %add3A_429 = arith.addi %add3A_426, %add3A_428 : vector<16xi32>
        %select_n3A_430 = arith.select %eq3A_411, %add3A_429, %add3A_426 : vector<16xi1>, vector<16xi32>
        %broadcast_in_dim3A_431 = arith.constant true
        %broadcast_in_dim3A_432 = vector.broadcast %broadcast_in_dim3A_431 : i1 to vector<16xi1>
        %unique3A_433, %unique3A_434 = tpu.scan_count mask(%broadcast_in_dim3A_432 : vector<16xi1>) value(%select_n3A_430 : vector<16xi32>) : vector<16xi1>, vector<16xi32>
        tpu.vector_store_idx %arg7[%select_n3A_430], %unique3A_434 masked %unique3A_433 {add = true} : memref<19456xi32, #tpu.memory_space<vmem>>[vector<16xi32>], vector<16xi32>, vector<16xi1>
        %mul3A_435 = arith.mulf %exp3A_229, %div3A_355 : vector<16xf32>
        %eq3A_436 = arith.constant 3 : i32
        %eq3A_437 = vector.broadcast %eq3A_436 : i32 to vector<16xi32>
        %eq3A_438 = arith.cmpi eq, %get3A_202, %eq3A_437 : vector<16xi32>
        %sub3A_439 = arith.constant 1.000000e+00 : f32
        %sub3A_440 = vector.broadcast %sub3A_439 : f32 to vector<16xf32>
        %sub3A_441 = arith.subf %sub3A_440, %mul3A_435 : vector<16xf32>
        %select_n3A_442 = arith.select %eq3A_438, %sub3A_441, %mul3A_435 : vector<16xi1>, vector<16xf32>
        %add3A_443 = arith.constant 3.000000e+00 : f32
        %add3A_444 = vector.broadcast %add3A_443 : f32 to vector<16xf32>
        %add3A_445 = arith.addf %select_n3A_442, %add3A_444 : vector<16xf32>
        %mul3A_446 = arith.constant 5.120000e+02 : f32
        %mul3A_447 = vector.broadcast %mul3A_446 : f32 to vector<16xf32>
        %mul3A_448 = arith.mulf %add3A_445, %mul3A_447 : vector<16xf32>
        %convert_element_type3A_449 = arith.fptosi %mul3A_448 : vector<16xf32> to vector<16xi32>
        %min3A_450 = arith.constant 2047 : i32
        %min3A_451 = vector.broadcast %min3A_450 : i32 to vector<16xi32>
        %min3A_452 = arith.minsi %convert_element_type3A_449, %min3A_451 : vector<16xi32>
        %add3A_453 = arith.addi %min3A_452, %min3A_452 : vector<16xi32>
        %add3A_454 = arith.constant 1 : i32
        %add3A_455 = vector.broadcast %add3A_454 : i32 to vector<16xi32>
        %add3A_456 = arith.addi %add3A_453, %add3A_455 : vector<16xi32>
        %select_n3A_457 = arith.select %eq3A_438, %add3A_456, %add3A_453 : vector<16xi1>, vector<16xi32>
        %broadcast_in_dim3A_458 = arith.constant true
        %broadcast_in_dim3A_459 = vector.broadcast %broadcast_in_dim3A_458 : i1 to vector<16xi1>
        %unique3A_460, %unique3A_461 = tpu.scan_count mask(%broadcast_in_dim3A_459 : vector<16xi1>) value(%select_n3A_457 : vector<16xi32>) : vector<16xi1>, vector<16xi32>
        tpu.vector_store_idx %arg8[%select_n3A_457], %unique3A_461 masked %unique3A_460 {add = true} : memref<19456xi32, #tpu.memory_space<vmem>>[vector<16xi32>], vector<16xi32>, vector<16xi1>
        %mul3A_462 = arith.mulf %exp3A_236, %div3A_355 : vector<16xf32>
        %eq3A_463 = arith.constant 4 : i32
        %eq3A_464 = vector.broadcast %eq3A_463 : i32 to vector<16xi32>
        %eq3A_465 = arith.cmpi eq, %get3A_202, %eq3A_464 : vector<16xi32>
        %sub3A_466 = arith.constant 1.000000e+00 : f32
        %sub3A_467 = vector.broadcast %sub3A_466 : f32 to vector<16xf32>
        %sub3A_468 = arith.subf %sub3A_467, %mul3A_462 : vector<16xf32>
        %select_n3A_469 = arith.select %eq3A_465, %sub3A_468, %mul3A_462 : vector<16xi1>, vector<16xf32>
        %add3A_470 = arith.constant 4.000000e+00 : f32
        %add3A_471 = vector.broadcast %add3A_470 : f32 to vector<16xf32>
        %add3A_472 = arith.addf %select_n3A_469, %add3A_471 : vector<16xf32>
        %mul3A_473 = arith.constant 5.120000e+02 : f32
        %mul3A_474 = vector.broadcast %mul3A_473 : f32 to vector<16xf32>
        %mul3A_475 = arith.mulf %add3A_472, %mul3A_474 : vector<16xf32>
        %convert_element_type3A_476 = arith.fptosi %mul3A_475 : vector<16xf32> to vector<16xi32>
        %min3A_477 = arith.constant 2559 : i32
        %min3A_478 = vector.broadcast %min3A_477 : i32 to vector<16xi32>
        %min3A_479 = arith.minsi %convert_element_type3A_476, %min3A_478 : vector<16xi32>
        %add3A_480 = arith.addi %min3A_479, %min3A_479 : vector<16xi32>
        %add3A_481 = arith.constant 1 : i32
        %add3A_482 = vector.broadcast %add3A_481 : i32 to vector<16xi32>
        %add3A_483 = arith.addi %add3A_480, %add3A_482 : vector<16xi32>
        %select_n3A_484 = arith.select %eq3A_465, %add3A_483, %add3A_480 : vector<16xi1>, vector<16xi32>
        %broadcast_in_dim3A_485 = arith.constant true
        %broadcast_in_dim3A_486 = vector.broadcast %broadcast_in_dim3A_485 : i1 to vector<16xi1>
        %unique3A_487, %unique3A_488 = tpu.scan_count mask(%broadcast_in_dim3A_486 : vector<16xi1>) value(%select_n3A_484 : vector<16xi32>) : vector<16xi1>, vector<16xi32>
        tpu.vector_store_idx %arg7[%select_n3A_484], %unique3A_488 masked %unique3A_487 {add = true} : memref<19456xi32, #tpu.memory_space<vmem>>[vector<16xi32>], vector<16xi32>, vector<16xi1>
        %mul3A_489 = arith.mulf %exp3A_243, %div3A_355 : vector<16xf32>
        %eq3A_490 = arith.constant 5 : i32
        %eq3A_491 = vector.broadcast %eq3A_490 : i32 to vector<16xi32>
        %eq3A_492 = arith.cmpi eq, %get3A_202, %eq3A_491 : vector<16xi32>
        %sub3A_493 = arith.constant 1.000000e+00 : f32
        %sub3A_494 = vector.broadcast %sub3A_493 : f32 to vector<16xf32>
        %sub3A_495 = arith.subf %sub3A_494, %mul3A_489 : vector<16xf32>
        %select_n3A_496 = arith.select %eq3A_492, %sub3A_495, %mul3A_489 : vector<16xi1>, vector<16xf32>
        %add3A_497 = arith.constant 5.000000e+00 : f32
        %add3A_498 = vector.broadcast %add3A_497 : f32 to vector<16xf32>
        %add3A_499 = arith.addf %select_n3A_496, %add3A_498 : vector<16xf32>
        %mul3A_500 = arith.constant 5.120000e+02 : f32
        %mul3A_501 = vector.broadcast %mul3A_500 : f32 to vector<16xf32>
        %mul3A_502 = arith.mulf %add3A_499, %mul3A_501 : vector<16xf32>
        %convert_element_type3A_503 = arith.fptosi %mul3A_502 : vector<16xf32> to vector<16xi32>
        %min3A_504 = arith.constant 3071 : i32
        %min3A_505 = vector.broadcast %min3A_504 : i32 to vector<16xi32>
        %min3A_506 = arith.minsi %convert_element_type3A_503, %min3A_505 : vector<16xi32>
        %add3A_507 = arith.addi %min3A_506, %min3A_506 : vector<16xi32>
        %add3A_508 = arith.constant 1 : i32
        %add3A_509 = vector.broadcast %add3A_508 : i32 to vector<16xi32>
        %add3A_510 = arith.addi %add3A_507, %add3A_509 : vector<16xi32>
        %select_n3A_511 = arith.select %eq3A_492, %add3A_510, %add3A_507 : vector<16xi1>, vector<16xi32>
        %broadcast_in_dim3A_512 = arith.constant true
        %broadcast_in_dim3A_513 = vector.broadcast %broadcast_in_dim3A_512 : i1 to vector<16xi1>
        %unique3A_514, %unique3A_515 = tpu.scan_count mask(%broadcast_in_dim3A_513 : vector<16xi1>) value(%select_n3A_511 : vector<16xi32>) : vector<16xi1>, vector<16xi32>
        tpu.vector_store_idx %arg8[%select_n3A_511], %unique3A_515 masked %unique3A_514 {add = true} : memref<19456xi32, #tpu.memory_space<vmem>>[vector<16xi32>], vector<16xi32>, vector<16xi1>
        %mul3A_516 = arith.mulf %exp3A_250, %div3A_355 : vector<16xf32>
        %eq3A_517 = arith.constant 6 : i32
        %eq3A_518 = vector.broadcast %eq3A_517 : i32 to vector<16xi32>
        %eq3A_519 = arith.cmpi eq, %get3A_202, %eq3A_518 : vector<16xi32>
        %sub3A_520 = arith.constant 1.000000e+00 : f32
        %sub3A_521 = vector.broadcast %sub3A_520 : f32 to vector<16xf32>
        %sub3A_522 = arith.subf %sub3A_521, %mul3A_516 : vector<16xf32>
        %select_n3A_523 = arith.select %eq3A_519, %sub3A_522, %mul3A_516 : vector<16xi1>, vector<16xf32>
        %add3A_524 = arith.constant 6.000000e+00 : f32
        %add3A_525 = vector.broadcast %add3A_524 : f32 to vector<16xf32>
        %add3A_526 = arith.addf %select_n3A_523, %add3A_525 : vector<16xf32>
        %mul3A_527 = arith.constant 5.120000e+02 : f32
        %mul3A_528 = vector.broadcast %mul3A_527 : f32 to vector<16xf32>
        %mul3A_529 = arith.mulf %add3A_526, %mul3A_528 : vector<16xf32>
        %convert_element_type3A_530 = arith.fptosi %mul3A_529 : vector<16xf32> to vector<16xi32>
        %min3A_531 = arith.constant 3583 : i32
        %min3A_532 = vector.broadcast %min3A_531 : i32 to vector<16xi32>
        %min3A_533 = arith.minsi %convert_element_type3A_530, %min3A_532 : vector<16xi32>
        %add3A_534 = arith.addi %min3A_533, %min3A_533 : vector<16xi32>
        %add3A_535 = arith.constant 1 : i32
        %add3A_536 = vector.broadcast %add3A_535 : i32 to vector<16xi32>
        %add3A_537 = arith.addi %add3A_534, %add3A_536 : vector<16xi32>
        %select_n3A_538 = arith.select %eq3A_519, %add3A_537, %add3A_534 : vector<16xi1>, vector<16xi32>
        %broadcast_in_dim3A_539 = arith.constant true
        %broadcast_in_dim3A_540 = vector.broadcast %broadcast_in_dim3A_539 : i1 to vector<16xi1>
        %unique3A_541, %unique3A_542 = tpu.scan_count mask(%broadcast_in_dim3A_540 : vector<16xi1>) value(%select_n3A_538 : vector<16xi32>) : vector<16xi1>, vector<16xi32>
        tpu.vector_store_idx %arg7[%select_n3A_538], %unique3A_542 masked %unique3A_541 {add = true} : memref<19456xi32, #tpu.memory_space<vmem>>[vector<16xi32>], vector<16xi32>, vector<16xi1>
        %mul3A_543 = arith.mulf %exp3A_257, %div3A_355 : vector<16xf32>
        %eq3A_544 = arith.constant 7 : i32
        %eq3A_545 = vector.broadcast %eq3A_544 : i32 to vector<16xi32>
        %eq3A_546 = arith.cmpi eq, %get3A_202, %eq3A_545 : vector<16xi32>
        %sub3A_547 = arith.constant 1.000000e+00 : f32
        %sub3A_548 = vector.broadcast %sub3A_547 : f32 to vector<16xf32>
        %sub3A_549 = arith.subf %sub3A_548, %mul3A_543 : vector<16xf32>
        %select_n3A_550 = arith.select %eq3A_546, %sub3A_549, %mul3A_543 : vector<16xi1>, vector<16xf32>
        %add3A_551 = arith.constant 7.000000e+00 : f32
        %add3A_552 = vector.broadcast %add3A_551 : f32 to vector<16xf32>
        %add3A_553 = arith.addf %select_n3A_550, %add3A_552 : vector<16xf32>
        %mul3A_554 = arith.constant 5.120000e+02 : f32
        %mul3A_555 = vector.broadcast %mul3A_554 : f32 to vector<16xf32>
        %mul3A_556 = arith.mulf %add3A_553, %mul3A_555 : vector<16xf32>
        %convert_element_type3A_557 = arith.fptosi %mul3A_556 : vector<16xf32> to vector<16xi32>
        %min3A_558 = arith.constant 4095 : i32
        %min3A_559 = vector.broadcast %min3A_558 : i32 to vector<16xi32>
        %min3A_560 = arith.minsi %convert_element_type3A_557, %min3A_559 : vector<16xi32>
        %add3A_561 = arith.addi %min3A_560, %min3A_560 : vector<16xi32>
        %add3A_562 = arith.constant 1 : i32
        %add3A_563 = vector.broadcast %add3A_562 : i32 to vector<16xi32>
        %add3A_564 = arith.addi %add3A_561, %add3A_563 : vector<16xi32>
        %select_n3A_565 = arith.select %eq3A_546, %add3A_564, %add3A_561 : vector<16xi1>, vector<16xi32>
        %broadcast_in_dim3A_566 = arith.constant true
        %broadcast_in_dim3A_567 = vector.broadcast %broadcast_in_dim3A_566 : i1 to vector<16xi1>
        %unique3A_568, %unique3A_569 = tpu.scan_count mask(%broadcast_in_dim3A_567 : vector<16xi1>) value(%select_n3A_565 : vector<16xi32>) : vector<16xi1>, vector<16xi32>
        tpu.vector_store_idx %arg8[%select_n3A_565], %unique3A_569 masked %unique3A_568 {add = true} : memref<19456xi32, #tpu.memory_space<vmem>>[vector<16xi32>], vector<16xi32>, vector<16xi1>
        %mul3A_570 = arith.mulf %exp3A_264, %div3A_355 : vector<16xf32>
        %eq3A_571 = arith.constant 8 : i32
        %eq3A_572 = vector.broadcast %eq3A_571 : i32 to vector<16xi32>
        %eq3A_573 = arith.cmpi eq, %get3A_202, %eq3A_572 : vector<16xi32>
        %sub3A_574 = arith.constant 1.000000e+00 : f32
        %sub3A_575 = vector.broadcast %sub3A_574 : f32 to vector<16xf32>
        %sub3A_576 = arith.subf %sub3A_575, %mul3A_570 : vector<16xf32>
        %select_n3A_577 = arith.select %eq3A_573, %sub3A_576, %mul3A_570 : vector<16xi1>, vector<16xf32>
        %add3A_578 = arith.constant 8.000000e+00 : f32
        %add3A_579 = vector.broadcast %add3A_578 : f32 to vector<16xf32>
        %add3A_580 = arith.addf %select_n3A_577, %add3A_579 : vector<16xf32>
        %mul3A_581 = arith.constant 5.120000e+02 : f32
        %mul3A_582 = vector.broadcast %mul3A_581 : f32 to vector<16xf32>
        %mul3A_583 = arith.mulf %add3A_580, %mul3A_582 : vector<16xf32>
        %convert_element_type3A_584 = arith.fptosi %mul3A_583 : vector<16xf32> to vector<16xi32>
        %min3A_585 = arith.constant 4607 : i32
        %min3A_586 = vector.broadcast %min3A_585 : i32 to vector<16xi32>
        %min3A_587 = arith.minsi %convert_element_type3A_584, %min3A_586 : vector<16xi32>
        %add3A_588 = arith.addi %min3A_587, %min3A_587 : vector<16xi32>
        %add3A_589 = arith.constant 1 : i32
        %add3A_590 = vector.broadcast %add3A_589 : i32 to vector<16xi32>
        %add3A_591 = arith.addi %add3A_588, %add3A_590 : vector<16xi32>
        %select_n3A_592 = arith.select %eq3A_573, %add3A_591, %add3A_588 : vector<16xi1>, vector<16xi32>
        %broadcast_in_dim3A_593 = arith.constant true
        %broadcast_in_dim3A_594 = vector.broadcast %broadcast_in_dim3A_593 : i1 to vector<16xi1>
        %unique3A_595, %unique3A_596 = tpu.scan_count mask(%broadcast_in_dim3A_594 : vector<16xi1>) value(%select_n3A_592 : vector<16xi32>) : vector<16xi1>, vector<16xi32>
        tpu.vector_store_idx %arg7[%select_n3A_592], %unique3A_596 masked %unique3A_595 {add = true} : memref<19456xi32, #tpu.memory_space<vmem>>[vector<16xi32>], vector<16xi32>, vector<16xi1>
        %mul3A_597 = arith.mulf %exp3A_271, %div3A_355 : vector<16xf32>
        %eq3A_598 = arith.constant 9 : i32
        %eq3A_599 = vector.broadcast %eq3A_598 : i32 to vector<16xi32>
        %eq3A_600 = arith.cmpi eq, %get3A_202, %eq3A_599 : vector<16xi32>
        %sub3A_601 = arith.constant 1.000000e+00 : f32
        %sub3A_602 = vector.broadcast %sub3A_601 : f32 to vector<16xf32>
        %sub3A_603 = arith.subf %sub3A_602, %mul3A_597 : vector<16xf32>
        %select_n3A_604 = arith.select %eq3A_600, %sub3A_603, %mul3A_597 : vector<16xi1>, vector<16xf32>
        %add3A_605 = arith.constant 9.000000e+00 : f32
        %add3A_606 = vector.broadcast %add3A_605 : f32 to vector<16xf32>
        %add3A_607 = arith.addf %select_n3A_604, %add3A_606 : vector<16xf32>
        %mul3A_608 = arith.constant 5.120000e+02 : f32
        %mul3A_609 = vector.broadcast %mul3A_608 : f32 to vector<16xf32>
        %mul3A_610 = arith.mulf %add3A_607, %mul3A_609 : vector<16xf32>
        %convert_element_type3A_611 = arith.fptosi %mul3A_610 : vector<16xf32> to vector<16xi32>
        %min3A_612 = arith.constant 5119 : i32
        %min3A_613 = vector.broadcast %min3A_612 : i32 to vector<16xi32>
        %min3A_614 = arith.minsi %convert_element_type3A_611, %min3A_613 : vector<16xi32>
        %add3A_615 = arith.addi %min3A_614, %min3A_614 : vector<16xi32>
        %add3A_616 = arith.constant 1 : i32
        %add3A_617 = vector.broadcast %add3A_616 : i32 to vector<16xi32>
        %add3A_618 = arith.addi %add3A_615, %add3A_617 : vector<16xi32>
        %select_n3A_619 = arith.select %eq3A_600, %add3A_618, %add3A_615 : vector<16xi1>, vector<16xi32>
        %broadcast_in_dim3A_620 = arith.constant true
        %broadcast_in_dim3A_621 = vector.broadcast %broadcast_in_dim3A_620 : i1 to vector<16xi1>
        %unique3A_622, %unique3A_623 = tpu.scan_count mask(%broadcast_in_dim3A_621 : vector<16xi1>) value(%select_n3A_619 : vector<16xi32>) : vector<16xi1>, vector<16xi32>
        tpu.vector_store_idx %arg8[%select_n3A_619], %unique3A_623 masked %unique3A_622 {add = true} : memref<19456xi32, #tpu.memory_space<vmem>>[vector<16xi32>], vector<16xi32>, vector<16xi1>
        %mul3A_624 = arith.mulf %exp3A_278, %div3A_355 : vector<16xf32>
        %eq3A_625 = arith.constant 10 : i32
        %eq3A_626 = vector.broadcast %eq3A_625 : i32 to vector<16xi32>
        %eq3A_627 = arith.cmpi eq, %get3A_202, %eq3A_626 : vector<16xi32>
        %sub3A_628 = arith.constant 1.000000e+00 : f32
        %sub3A_629 = vector.broadcast %sub3A_628 : f32 to vector<16xf32>
        %sub3A_630 = arith.subf %sub3A_629, %mul3A_624 : vector<16xf32>
        %select_n3A_631 = arith.select %eq3A_627, %sub3A_630, %mul3A_624 : vector<16xi1>, vector<16xf32>
        %add3A_632 = arith.constant 1.000000e+01 : f32
        %add3A_633 = vector.broadcast %add3A_632 : f32 to vector<16xf32>
        %add3A_634 = arith.addf %select_n3A_631, %add3A_633 : vector<16xf32>
        %mul3A_635 = arith.constant 5.120000e+02 : f32
        %mul3A_636 = vector.broadcast %mul3A_635 : f32 to vector<16xf32>
        %mul3A_637 = arith.mulf %add3A_634, %mul3A_636 : vector<16xf32>
        %convert_element_type3A_638 = arith.fptosi %mul3A_637 : vector<16xf32> to vector<16xi32>
        %min3A_639 = arith.constant 5631 : i32
        %min3A_640 = vector.broadcast %min3A_639 : i32 to vector<16xi32>
        %min3A_641 = arith.minsi %convert_element_type3A_638, %min3A_640 : vector<16xi32>
        %add3A_642 = arith.addi %min3A_641, %min3A_641 : vector<16xi32>
        %add3A_643 = arith.constant 1 : i32
        %add3A_644 = vector.broadcast %add3A_643 : i32 to vector<16xi32>
        %add3A_645 = arith.addi %add3A_642, %add3A_644 : vector<16xi32>
        %select_n3A_646 = arith.select %eq3A_627, %add3A_645, %add3A_642 : vector<16xi1>, vector<16xi32>
        %broadcast_in_dim3A_647 = arith.constant true
        %broadcast_in_dim3A_648 = vector.broadcast %broadcast_in_dim3A_647 : i1 to vector<16xi1>
        %unique3A_649, %unique3A_650 = tpu.scan_count mask(%broadcast_in_dim3A_648 : vector<16xi1>) value(%select_n3A_646 : vector<16xi32>) : vector<16xi1>, vector<16xi32>
        tpu.vector_store_idx %arg7[%select_n3A_646], %unique3A_650 masked %unique3A_649 {add = true} : memref<19456xi32, #tpu.memory_space<vmem>>[vector<16xi32>], vector<16xi32>, vector<16xi1>
        %mul3A_651 = arith.mulf %exp3A_285, %div3A_355 : vector<16xf32>
        %eq3A_652 = arith.constant 11 : i32
        %eq3A_653 = vector.broadcast %eq3A_652 : i32 to vector<16xi32>
        %eq3A_654 = arith.cmpi eq, %get3A_202, %eq3A_653 : vector<16xi32>
        %sub3A_655 = arith.constant 1.000000e+00 : f32
        %sub3A_656 = vector.broadcast %sub3A_655 : f32 to vector<16xf32>
        %sub3A_657 = arith.subf %sub3A_656, %mul3A_651 : vector<16xf32>
        %select_n3A_658 = arith.select %eq3A_654, %sub3A_657, %mul3A_651 : vector<16xi1>, vector<16xf32>
        %add3A_659 = arith.constant 1.100000e+01 : f32
        %add3A_660 = vector.broadcast %add3A_659 : f32 to vector<16xf32>
        %add3A_661 = arith.addf %select_n3A_658, %add3A_660 : vector<16xf32>
        %mul3A_662 = arith.constant 5.120000e+02 : f32
        %mul3A_663 = vector.broadcast %mul3A_662 : f32 to vector<16xf32>
        %mul3A_664 = arith.mulf %add3A_661, %mul3A_663 : vector<16xf32>
        %convert_element_type3A_665 = arith.fptosi %mul3A_664 : vector<16xf32> to vector<16xi32>
        %min3A_666 = arith.constant 6143 : i32
        %min3A_667 = vector.broadcast %min3A_666 : i32 to vector<16xi32>
        %min3A_668 = arith.minsi %convert_element_type3A_665, %min3A_667 : vector<16xi32>
        %add3A_669 = arith.addi %min3A_668, %min3A_668 : vector<16xi32>
        %add3A_670 = arith.constant 1 : i32
        %add3A_671 = vector.broadcast %add3A_670 : i32 to vector<16xi32>
        %add3A_672 = arith.addi %add3A_669, %add3A_671 : vector<16xi32>
        %select_n3A_673 = arith.select %eq3A_654, %add3A_672, %add3A_669 : vector<16xi1>, vector<16xi32>
        %broadcast_in_dim3A_674 = arith.constant true
        %broadcast_in_dim3A_675 = vector.broadcast %broadcast_in_dim3A_674 : i1 to vector<16xi1>
        %unique3A_676, %unique3A_677 = tpu.scan_count mask(%broadcast_in_dim3A_675 : vector<16xi1>) value(%select_n3A_673 : vector<16xi32>) : vector<16xi1>, vector<16xi32>
        tpu.vector_store_idx %arg8[%select_n3A_673], %unique3A_677 masked %unique3A_676 {add = true} : memref<19456xi32, #tpu.memory_space<vmem>>[vector<16xi32>], vector<16xi32>, vector<16xi1>
        %mul3A_678 = arith.mulf %exp3A_292, %div3A_355 : vector<16xf32>
        %eq3A_679 = arith.constant 12 : i32
        %eq3A_680 = vector.broadcast %eq3A_679 : i32 to vector<16xi32>
        %eq3A_681 = arith.cmpi eq, %get3A_202, %eq3A_680 : vector<16xi32>
        %sub3A_682 = arith.constant 1.000000e+00 : f32
        %sub3A_683 = vector.broadcast %sub3A_682 : f32 to vector<16xf32>
        %sub3A_684 = arith.subf %sub3A_683, %mul3A_678 : vector<16xf32>
        %select_n3A_685 = arith.select %eq3A_681, %sub3A_684, %mul3A_678 : vector<16xi1>, vector<16xf32>
        %add3A_686 = arith.constant 1.200000e+01 : f32
        %add3A_687 = vector.broadcast %add3A_686 : f32 to vector<16xf32>
        %add3A_688 = arith.addf %select_n3A_685, %add3A_687 : vector<16xf32>
        %mul3A_689 = arith.constant 5.120000e+02 : f32
        %mul3A_690 = vector.broadcast %mul3A_689 : f32 to vector<16xf32>
        %mul3A_691 = arith.mulf %add3A_688, %mul3A_690 : vector<16xf32>
        %convert_element_type3A_692 = arith.fptosi %mul3A_691 : vector<16xf32> to vector<16xi32>
        %min3A_693 = arith.constant 6655 : i32
        %min3A_694 = vector.broadcast %min3A_693 : i32 to vector<16xi32>
        %min3A_695 = arith.minsi %convert_element_type3A_692, %min3A_694 : vector<16xi32>
        %add3A_696 = arith.addi %min3A_695, %min3A_695 : vector<16xi32>
        %add3A_697 = arith.constant 1 : i32
        %add3A_698 = vector.broadcast %add3A_697 : i32 to vector<16xi32>
        %add3A_699 = arith.addi %add3A_696, %add3A_698 : vector<16xi32>
        %select_n3A_700 = arith.select %eq3A_681, %add3A_699, %add3A_696 : vector<16xi1>, vector<16xi32>
        %broadcast_in_dim3A_701 = arith.constant true
        %broadcast_in_dim3A_702 = vector.broadcast %broadcast_in_dim3A_701 : i1 to vector<16xi1>
        %unique3A_703, %unique3A_704 = tpu.scan_count mask(%broadcast_in_dim3A_702 : vector<16xi1>) value(%select_n3A_700 : vector<16xi32>) : vector<16xi1>, vector<16xi32>
        tpu.vector_store_idx %arg7[%select_n3A_700], %unique3A_704 masked %unique3A_703 {add = true} : memref<19456xi32, #tpu.memory_space<vmem>>[vector<16xi32>], vector<16xi32>, vector<16xi1>
        %mul3A_705 = arith.mulf %exp3A_299, %div3A_355 : vector<16xf32>
        %eq3A_706 = arith.constant 13 : i32
        %eq3A_707 = vector.broadcast %eq3A_706 : i32 to vector<16xi32>
        %eq3A_708 = arith.cmpi eq, %get3A_202, %eq3A_707 : vector<16xi32>
        %sub3A_709 = arith.constant 1.000000e+00 : f32
        %sub3A_710 = vector.broadcast %sub3A_709 : f32 to vector<16xf32>
        %sub3A_711 = arith.subf %sub3A_710, %mul3A_705 : vector<16xf32>
        %select_n3A_712 = arith.select %eq3A_708, %sub3A_711, %mul3A_705 : vector<16xi1>, vector<16xf32>
        %add3A_713 = arith.constant 1.300000e+01 : f32
        %add3A_714 = vector.broadcast %add3A_713 : f32 to vector<16xf32>
        %add3A_715 = arith.addf %select_n3A_712, %add3A_714 : vector<16xf32>
        %mul3A_716 = arith.constant 5.120000e+02 : f32
        %mul3A_717 = vector.broadcast %mul3A_716 : f32 to vector<16xf32>
        %mul3A_718 = arith.mulf %add3A_715, %mul3A_717 : vector<16xf32>
        %convert_element_type3A_719 = arith.fptosi %mul3A_718 : vector<16xf32> to vector<16xi32>
        %min3A_720 = arith.constant 7167 : i32
        %min3A_721 = vector.broadcast %min3A_720 : i32 to vector<16xi32>
        %min3A_722 = arith.minsi %convert_element_type3A_719, %min3A_721 : vector<16xi32>
        %add3A_723 = arith.addi %min3A_722, %min3A_722 : vector<16xi32>
        %add3A_724 = arith.constant 1 : i32
        %add3A_725 = vector.broadcast %add3A_724 : i32 to vector<16xi32>
        %add3A_726 = arith.addi %add3A_723, %add3A_725 : vector<16xi32>
        %select_n3A_727 = arith.select %eq3A_708, %add3A_726, %add3A_723 : vector<16xi1>, vector<16xi32>
        %broadcast_in_dim3A_728 = arith.constant true
        %broadcast_in_dim3A_729 = vector.broadcast %broadcast_in_dim3A_728 : i1 to vector<16xi1>
        %unique3A_730, %unique3A_731 = tpu.scan_count mask(%broadcast_in_dim3A_729 : vector<16xi1>) value(%select_n3A_727 : vector<16xi32>) : vector<16xi1>, vector<16xi32>
        tpu.vector_store_idx %arg8[%select_n3A_727], %unique3A_731 masked %unique3A_730 {add = true} : memref<19456xi32, #tpu.memory_space<vmem>>[vector<16xi32>], vector<16xi32>, vector<16xi1>
        %mul3A_732 = arith.mulf %exp3A_306, %div3A_355 : vector<16xf32>
        %eq3A_733 = arith.constant 14 : i32
        %eq3A_734 = vector.broadcast %eq3A_733 : i32 to vector<16xi32>
        %eq3A_735 = arith.cmpi eq, %get3A_202, %eq3A_734 : vector<16xi32>
        %sub3A_736 = arith.constant 1.000000e+00 : f32
        %sub3A_737 = vector.broadcast %sub3A_736 : f32 to vector<16xf32>
        %sub3A_738 = arith.subf %sub3A_737, %mul3A_732 : vector<16xf32>
        %select_n3A_739 = arith.select %eq3A_735, %sub3A_738, %mul3A_732 : vector<16xi1>, vector<16xf32>
        %add3A_740 = arith.constant 1.400000e+01 : f32
        %add3A_741 = vector.broadcast %add3A_740 : f32 to vector<16xf32>
        %add3A_742 = arith.addf %select_n3A_739, %add3A_741 : vector<16xf32>
        %mul3A_743 = arith.constant 5.120000e+02 : f32
        %mul3A_744 = vector.broadcast %mul3A_743 : f32 to vector<16xf32>
        %mul3A_745 = arith.mulf %add3A_742, %mul3A_744 : vector<16xf32>
        %convert_element_type3A_746 = arith.fptosi %mul3A_745 : vector<16xf32> to vector<16xi32>
        %min3A_747 = arith.constant 7679 : i32
        %min3A_748 = vector.broadcast %min3A_747 : i32 to vector<16xi32>
        %min3A_749 = arith.minsi %convert_element_type3A_746, %min3A_748 : vector<16xi32>
        %add3A_750 = arith.addi %min3A_749, %min3A_749 : vector<16xi32>
        %add3A_751 = arith.constant 1 : i32
        %add3A_752 = vector.broadcast %add3A_751 : i32 to vector<16xi32>
        %add3A_753 = arith.addi %add3A_750, %add3A_752 : vector<16xi32>
        %select_n3A_754 = arith.select %eq3A_735, %add3A_753, %add3A_750 : vector<16xi1>, vector<16xi32>
        %broadcast_in_dim3A_755 = arith.constant true
        %broadcast_in_dim3A_756 = vector.broadcast %broadcast_in_dim3A_755 : i1 to vector<16xi1>
        %unique3A_757, %unique3A_758 = tpu.scan_count mask(%broadcast_in_dim3A_756 : vector<16xi1>) value(%select_n3A_754 : vector<16xi32>) : vector<16xi1>, vector<16xi32>
        tpu.vector_store_idx %arg7[%select_n3A_754], %unique3A_758 masked %unique3A_757 {add = true} : memref<19456xi32, #tpu.memory_space<vmem>>[vector<16xi32>], vector<16xi32>, vector<16xi1>
        %mul3A_759 = arith.mulf %exp3A_313, %div3A_355 : vector<16xf32>
        %eq3A_760 = arith.constant 15 : i32
        %eq3A_761 = vector.broadcast %eq3A_760 : i32 to vector<16xi32>
        %eq3A_762 = arith.cmpi eq, %get3A_202, %eq3A_761 : vector<16xi32>
        %sub3A_763 = arith.constant 1.000000e+00 : f32
        %sub3A_764 = vector.broadcast %sub3A_763 : f32 to vector<16xf32>
        %sub3A_765 = arith.subf %sub3A_764, %mul3A_759 : vector<16xf32>
        %select_n3A_766 = arith.select %eq3A_762, %sub3A_765, %mul3A_759 : vector<16xi1>, vector<16xf32>
        %add3A_767 = arith.constant 1.500000e+01 : f32
        %add3A_768 = vector.broadcast %add3A_767 : f32 to vector<16xf32>
        %add3A_769 = arith.addf %select_n3A_766, %add3A_768 : vector<16xf32>
        %mul3A_770 = arith.constant 5.120000e+02 : f32
        %mul3A_771 = vector.broadcast %mul3A_770 : f32 to vector<16xf32>
        %mul3A_772 = arith.mulf %add3A_769, %mul3A_771 : vector<16xf32>
        %convert_element_type3A_773 = arith.fptosi %mul3A_772 : vector<16xf32> to vector<16xi32>
        %min3A_774 = arith.constant 8191 : i32
        %min3A_775 = vector.broadcast %min3A_774 : i32 to vector<16xi32>
        %min3A_776 = arith.minsi %convert_element_type3A_773, %min3A_775 : vector<16xi32>
        %add3A_777 = arith.addi %min3A_776, %min3A_776 : vector<16xi32>
        %add3A_778 = arith.constant 1 : i32
        %add3A_779 = vector.broadcast %add3A_778 : i32 to vector<16xi32>
        %add3A_780 = arith.addi %add3A_777, %add3A_779 : vector<16xi32>
        %select_n3A_781 = arith.select %eq3A_762, %add3A_780, %add3A_777 : vector<16xi1>, vector<16xi32>
        %broadcast_in_dim3A_782 = arith.constant true
        %broadcast_in_dim3A_783 = vector.broadcast %broadcast_in_dim3A_782 : i1 to vector<16xi1>
        %unique3A_784, %unique3A_785 = tpu.scan_count mask(%broadcast_in_dim3A_783 : vector<16xi1>) value(%select_n3A_781 : vector<16xi32>) : vector<16xi1>, vector<16xi32>
        tpu.vector_store_idx %arg8[%select_n3A_781], %unique3A_785 masked %unique3A_784 {add = true} : memref<19456xi32, #tpu.memory_space<vmem>>[vector<16xi32>], vector<16xi32>, vector<16xi1>
        %mul3A_786 = arith.mulf %exp3A_320, %div3A_355 : vector<16xf32>
        %eq3A_787 = arith.constant 16 : i32
        %eq3A_788 = vector.broadcast %eq3A_787 : i32 to vector<16xi32>
        %eq3A_789 = arith.cmpi eq, %get3A_202, %eq3A_788 : vector<16xi32>
        %sub3A_790 = arith.constant 1.000000e+00 : f32
        %sub3A_791 = vector.broadcast %sub3A_790 : f32 to vector<16xf32>
        %sub3A_792 = arith.subf %sub3A_791, %mul3A_786 : vector<16xf32>
        %select_n3A_793 = arith.select %eq3A_789, %sub3A_792, %mul3A_786 : vector<16xi1>, vector<16xf32>
        %add3A_794 = arith.constant 1.600000e+01 : f32
        %add3A_795 = vector.broadcast %add3A_794 : f32 to vector<16xf32>
        %add3A_796 = arith.addf %select_n3A_793, %add3A_795 : vector<16xf32>
        %mul3A_797 = arith.constant 5.120000e+02 : f32
        %mul3A_798 = vector.broadcast %mul3A_797 : f32 to vector<16xf32>
        %mul3A_799 = arith.mulf %add3A_796, %mul3A_798 : vector<16xf32>
        %convert_element_type3A_800 = arith.fptosi %mul3A_799 : vector<16xf32> to vector<16xi32>
        %min3A_801 = arith.constant 8703 : i32
        %min3A_802 = vector.broadcast %min3A_801 : i32 to vector<16xi32>
        %min3A_803 = arith.minsi %convert_element_type3A_800, %min3A_802 : vector<16xi32>
        %add3A_804 = arith.addi %min3A_803, %min3A_803 : vector<16xi32>
        %add3A_805 = arith.constant 1 : i32
        %add3A_806 = vector.broadcast %add3A_805 : i32 to vector<16xi32>
        %add3A_807 = arith.addi %add3A_804, %add3A_806 : vector<16xi32>
        %select_n3A_808 = arith.select %eq3A_789, %add3A_807, %add3A_804 : vector<16xi1>, vector<16xi32>
        %broadcast_in_dim3A_809 = arith.constant true
        %broadcast_in_dim3A_810 = vector.broadcast %broadcast_in_dim3A_809 : i1 to vector<16xi1>
        %unique3A_811, %unique3A_812 = tpu.scan_count mask(%broadcast_in_dim3A_810 : vector<16xi1>) value(%select_n3A_808 : vector<16xi32>) : vector<16xi1>, vector<16xi32>
        tpu.vector_store_idx %arg7[%select_n3A_808], %unique3A_812 masked %unique3A_811 {add = true} : memref<19456xi32, #tpu.memory_space<vmem>>[vector<16xi32>], vector<16xi32>, vector<16xi1>
        %mul3A_813 = arith.mulf %exp3A_327, %div3A_355 : vector<16xf32>
        %eq3A_814 = arith.constant 17 : i32
        %eq3A_815 = vector.broadcast %eq3A_814 : i32 to vector<16xi32>
        %eq3A_816 = arith.cmpi eq, %get3A_202, %eq3A_815 : vector<16xi32>
        %sub3A_817 = arith.constant 1.000000e+00 : f32
        %sub3A_818 = vector.broadcast %sub3A_817 : f32 to vector<16xf32>
        %sub3A_819 = arith.subf %sub3A_818, %mul3A_813 : vector<16xf32>
        %select_n3A_820 = arith.select %eq3A_816, %sub3A_819, %mul3A_813 : vector<16xi1>, vector<16xf32>
        %add3A_821 = arith.constant 1.700000e+01 : f32
        %add3A_822 = vector.broadcast %add3A_821 : f32 to vector<16xf32>
        %add3A_823 = arith.addf %select_n3A_820, %add3A_822 : vector<16xf32>
        %mul3A_824 = arith.constant 5.120000e+02 : f32
        %mul3A_825 = vector.broadcast %mul3A_824 : f32 to vector<16xf32>
        %mul3A_826 = arith.mulf %add3A_823, %mul3A_825 : vector<16xf32>
        %convert_element_type3A_827 = arith.fptosi %mul3A_826 : vector<16xf32> to vector<16xi32>
        %min3A_828 = arith.constant 9215 : i32
        %min3A_829 = vector.broadcast %min3A_828 : i32 to vector<16xi32>
        %min3A_830 = arith.minsi %convert_element_type3A_827, %min3A_829 : vector<16xi32>
        %add3A_831 = arith.addi %min3A_830, %min3A_830 : vector<16xi32>
        %add3A_832 = arith.constant 1 : i32
        %add3A_833 = vector.broadcast %add3A_832 : i32 to vector<16xi32>
        %add3A_834 = arith.addi %add3A_831, %add3A_833 : vector<16xi32>
        %select_n3A_835 = arith.select %eq3A_816, %add3A_834, %add3A_831 : vector<16xi1>, vector<16xi32>
        %broadcast_in_dim3A_836 = arith.constant true
        %broadcast_in_dim3A_837 = vector.broadcast %broadcast_in_dim3A_836 : i1 to vector<16xi1>
        %unique3A_838, %unique3A_839 = tpu.scan_count mask(%broadcast_in_dim3A_837 : vector<16xi1>) value(%select_n3A_835 : vector<16xi32>) : vector<16xi1>, vector<16xi32>
        tpu.vector_store_idx %arg8[%select_n3A_835], %unique3A_839 masked %unique3A_838 {add = true} : memref<19456xi32, #tpu.memory_space<vmem>>[vector<16xi32>], vector<16xi32>, vector<16xi1>
        %mul3A_840 = arith.mulf %exp3A_334, %div3A_355 : vector<16xf32>
        %eq3A_841 = arith.constant 18 : i32
        %eq3A_842 = vector.broadcast %eq3A_841 : i32 to vector<16xi32>
        %eq3A_843 = arith.cmpi eq, %get3A_202, %eq3A_842 : vector<16xi32>
        %sub3A_844 = arith.constant 1.000000e+00 : f32
        %sub3A_845 = vector.broadcast %sub3A_844 : f32 to vector<16xf32>
        %sub3A_846 = arith.subf %sub3A_845, %mul3A_840 : vector<16xf32>
        %select_n3A_847 = arith.select %eq3A_843, %sub3A_846, %mul3A_840 : vector<16xi1>, vector<16xf32>
        %add3A_848 = arith.constant 1.800000e+01 : f32
        %add3A_849 = vector.broadcast %add3A_848 : f32 to vector<16xf32>
        %add3A_850 = arith.addf %select_n3A_847, %add3A_849 : vector<16xf32>
        %mul3A_851 = arith.constant 5.120000e+02 : f32
        %mul3A_852 = vector.broadcast %mul3A_851 : f32 to vector<16xf32>
        %mul3A_853 = arith.mulf %add3A_850, %mul3A_852 : vector<16xf32>
        %convert_element_type3A_854 = arith.fptosi %mul3A_853 : vector<16xf32> to vector<16xi32>
        %min3A_855 = arith.constant 9727 : i32
        %min3A_856 = vector.broadcast %min3A_855 : i32 to vector<16xi32>
        %min3A_857 = arith.minsi %convert_element_type3A_854, %min3A_856 : vector<16xi32>
        %add3A_858 = arith.addi %min3A_857, %min3A_857 : vector<16xi32>
        %add3A_859 = arith.constant 1 : i32
        %add3A_860 = vector.broadcast %add3A_859 : i32 to vector<16xi32>
        %add3A_861 = arith.addi %add3A_858, %add3A_860 : vector<16xi32>
        %select_n3A_862 = arith.select %eq3A_843, %add3A_861, %add3A_858 : vector<16xi1>, vector<16xi32>
        %broadcast_in_dim3A_863 = arith.constant true
        %broadcast_in_dim3A_864 = vector.broadcast %broadcast_in_dim3A_863 : i1 to vector<16xi1>
        %unique3A_865, %unique3A_866 = tpu.scan_count mask(%broadcast_in_dim3A_864 : vector<16xi1>) value(%select_n3A_862 : vector<16xi32>) : vector<16xi1>, vector<16xi32>
        tpu.vector_store_idx %arg7[%select_n3A_862], %unique3A_866 masked %unique3A_865 {add = true} : memref<19456xi32, #tpu.memory_space<vmem>>[vector<16xi32>], vector<16xi32>, vector<16xi1>
      }
      %scan3A_143 = arith.constant 128 : i32
      %add3A_144 = arith.constant 2 : i32
      %add3A_145 = arith.addi %add3A_107, %add3A_144 : i32
      %lt3A_146 = arith.constant 16 : i32
      %lt3A_147 = arith.cmpi slt, %add3A_145, %lt3A_146 : i32
      %convert_element_type3A = arith.extui %lt3A_147 : i1 to i32
      %cond3A = arith.constant 0 : i32
      %cond3A_148 = arith.cmpi ne, %convert_element_type3A, %cond3A : i32
      scf.if %cond3A_148 {
        %mul3A_197 = arith.constant 2048 : i32
        %mul3A_198 = arith.muli %add3A_145, %mul3A_197 : i32
        %add3A_199 = arith.addi %mul3A_32, %mul3A_198 : i32
        %mul3A_200 = arith.constant 19 : i32
        %mul3A_201 = arith.muli %select_n3A, %mul3A_200 : i32
        %dma_start3A_202 = arith.constant 0 : i32
        %dma_start3A_203 = arith.constant 0 : i32
        %dma_start3A_204 = arith.constant 0 : i32
        %dma_start3A_205 = tpu.memref_slice %arg5[%dma_start3A_202, %dma_start3A_203, %dma_start3A_204] : memref<2x19x2048xf32, #tpu.memory_space<vmem>> -> memref<1x19x2048xf32, #tpu.memory_space<vmem>>
        %dma_start3A_206 = tpu.memref_squeeze %dma_start3A_205 : memref<1x19x2048xf32, #tpu.memory_space<vmem>> -> memref<19x2048xf32, #tpu.memory_space<vmem>>
        %dma_start3A_207 = tpu.memref_slice %arg2[%mul3A_201, %add3A_199] : memref<76x262144xf32, #tpu.memory_space<hbm>> -> memref<19x2048xf32, #tpu.memory_space<hbm>>
        %dma_start3A_208 = arith.constant 0 : i32
        %dma_start3A_209 = arith.constant 0 : i32
        %dma_start3A_210 = tpu.memref_slice %arg5[%dma_start3A_202, %dma_start3A_208, %dma_start3A_209] : memref<2x19x2048xf32, #tpu.memory_space<vmem>> -> memref<1x19x2048xf32, #tpu.memory_space<vmem>>
        %dma_start3A_211 = tpu.memref_squeeze %dma_start3A_210 : memref<1x19x2048xf32, #tpu.memory_space<vmem>> -> memref<19x2048xf32, #tpu.memory_space<vmem>>
        %dma_start3A_212 = tpu.memref_slice %arg2[%mul3A_201, %add3A_199] : memref<76x262144xf32, #tpu.memory_space<hbm>> -> memref<19x2048xf32, #tpu.memory_space<hbm>>
        tpu.enqueue_dma source(%dma_start3A_212 : memref<19x2048xf32, #tpu.memory_space<hbm>>) target(%dma_start3A_211 : memref<19x2048xf32, #tpu.memory_space<vmem>>) target_semaphore(%arg9 : memref<!tpu.dma_semaphore, #tpu.memory_space<semaphore_mem>>)
        %mul3A_213 = arith.constant 262144 : i32
        %mul3A_214 = arith.muli %select_n3A, %mul3A_213 : i32
        %add3A_215 = arith.addi %mul3A_214, %mul3A_32 : i32
        %mul3A_216 = arith.constant 2048 : i32
        %mul3A_217 = arith.muli %add3A_145, %mul3A_216 : i32
        %add3A_218 = arith.addi %add3A_215, %mul3A_217 : i32
        %dma_start3A_219 = arith.constant 0 : i32
        %dma_start3A_220 = arith.constant 0 : i32
        %dma_start3A_221 = tpu.memref_slice %arg6[%dma_start3A_219, %dma_start3A_220] : memref<2x2048xi32, #tpu.memory_space<vmem>> -> memref<1x2048xi32, #tpu.memory_space<vmem>>
        %dma_start3A_222 = tpu.memref_squeeze %dma_start3A_221 : memref<1x2048xi32, #tpu.memory_space<vmem>> -> memref<2048xi32, #tpu.memory_space<vmem>>
        %dma_start3A_223 = tpu.memref_slice %arg3[%add3A_218] : memref<1048576xi32, #tpu.memory_space<hbm>> -> memref<2048xi32, #tpu.memory_space<hbm>>
        %dma_start3A_224 = arith.constant 0 : i32
        %dma_start3A_225 = tpu.memref_slice %arg6[%dma_start3A_219, %dma_start3A_224] : memref<2x2048xi32, #tpu.memory_space<vmem>> -> memref<1x2048xi32, #tpu.memory_space<vmem>>
        %dma_start3A_226 = tpu.memref_squeeze %dma_start3A_225 : memref<1x2048xi32, #tpu.memory_space<vmem>> -> memref<2048xi32, #tpu.memory_space<vmem>>
        %dma_start3A_227 = tpu.memref_slice %arg3[%add3A_218] : memref<1048576xi32, #tpu.memory_space<hbm>> -> memref<2048xi32, #tpu.memory_space<hbm>>
        tpu.enqueue_dma source(%dma_start3A_227 : memref<2048xi32, #tpu.memory_space<hbm>>) target(%dma_start3A_226 : memref<2048xi32, #tpu.memory_space<vmem>>) target_semaphore(%arg9 : memref<!tpu.dma_semaphore, #tpu.memory_space<semaphore_mem>>)
      } else {
      }
      %mul3A_149 = arith.constant 2 : i32
      %mul3A_150 = arith.muli %mul3A_149, %scan3A_103 : i32
      %add3A_151 = arith.constant 1 : i32
      %add3A_152 = arith.addi %mul3A_150, %add3A_151 : i32
      %mul3A_153 = arith.constant 2048 : i32
      %mul3A_154 = arith.muli %add3A_152, %mul3A_153 : i32
      %add3A_155 = arith.addi %mul3A_32, %mul3A_154 : i32
      %mul3A_156 = arith.constant 19 : i32
      %mul3A_157 = arith.muli %select_n3A, %mul3A_156 : i32
      %dma_wait3A_158 = arith.constant 1 : i32
      %dma_wait3A_159 = arith.constant 0 : i32
      %dma_wait3A_160 = arith.constant 0 : i32
      %dma_wait3A_161 = tpu.memref_slice %arg5[%dma_wait3A_158, %dma_wait3A_159, %dma_wait3A_160] : memref<2x19x2048xf32, #tpu.memory_space<vmem>> -> memref<1x19x2048xf32, #tpu.memory_space<vmem>>
      %dma_wait3A_162 = tpu.memref_squeeze %dma_wait3A_161 : memref<1x19x2048xf32, #tpu.memory_space<vmem>> -> memref<19x2048xf32, #tpu.memory_space<vmem>>
      %dma_wait3A_163 = tpu.memref_slice %arg2[%mul3A_157, %add3A_155] : memref<76x262144xf32, #tpu.memory_space<hbm>> -> memref<19x2048xf32, #tpu.memory_space<hbm>>
      %dma_wait3A_164 = arith.constant 0 : i32
      %dma_wait3A_165 = arith.constant 0 : i32
      %dma_wait3A_166 = tpu.memref_slice %arg5[%dma_wait3A_158, %dma_wait3A_164, %dma_wait3A_165] : memref<2x19x2048xf32, #tpu.memory_space<vmem>> -> memref<1x19x2048xf32, #tpu.memory_space<vmem>>
      %dma_wait3A_167 = tpu.memref_squeeze %dma_wait3A_166 : memref<1x19x2048xf32, #tpu.memory_space<vmem>> -> memref<19x2048xf32, #tpu.memory_space<vmem>>
      %dma_wait3A_168 = tpu.memref_slice %arg2[%mul3A_157, %add3A_155] : memref<76x262144xf32, #tpu.memory_space<hbm>> -> memref<19x2048xf32, #tpu.memory_space<hbm>>
      tpu.wait_dma2 semaphore(%arg10 : memref<!tpu.dma_semaphore, #tpu.memory_space<semaphore_mem>>) src(%dma_wait3A_168 : memref<19x2048xf32, #tpu.memory_space<hbm>>) dst(%dma_wait3A_167 : memref<19x2048xf32, #tpu.memory_space<vmem>>)
      %mul3A_169 = arith.constant 262144 : i32
      %mul3A_170 = arith.muli %select_n3A, %mul3A_169 : i32
      %add3A_171 = arith.addi %mul3A_170, %mul3A_32 : i32
      %mul3A_172 = arith.constant 2048 : i32
      %mul3A_173 = arith.muli %add3A_152, %mul3A_172 : i32
      %add3A_174 = arith.addi %add3A_171, %mul3A_173 : i32
      %dma_wait3A_175 = arith.constant 1 : i32
      %dma_wait3A_176 = arith.constant 0 : i32
      %dma_wait3A_177 = tpu.memref_slice %arg6[%dma_wait3A_175, %dma_wait3A_176] : memref<2x2048xi32, #tpu.memory_space<vmem>> -> memref<1x2048xi32, #tpu.memory_space<vmem>>
      %dma_wait3A_178 = tpu.memref_squeeze %dma_wait3A_177 : memref<1x2048xi32, #tpu.memory_space<vmem>> -> memref<2048xi32, #tpu.memory_space<vmem>>
      %dma_wait3A_179 = tpu.memref_slice %arg3[%add3A_174] : memref<1048576xi32, #tpu.memory_space<hbm>> -> memref<2048xi32, #tpu.memory_space<hbm>>
      %dma_wait3A_180 = arith.constant 0 : i32
      %dma_wait3A_181 = tpu.memref_slice %arg6[%dma_wait3A_175, %dma_wait3A_180] : memref<2x2048xi32, #tpu.memory_space<vmem>> -> memref<1x2048xi32, #tpu.memory_space<vmem>>
      %dma_wait3A_182 = tpu.memref_squeeze %dma_wait3A_181 : memref<1x2048xi32, #tpu.memory_space<vmem>> -> memref<2048xi32, #tpu.memory_space<vmem>>
      %dma_wait3A_183 = tpu.memref_slice %arg3[%add3A_174] : memref<1048576xi32, #tpu.memory_space<hbm>> -> memref<2048xi32, #tpu.memory_space<hbm>>
      tpu.wait_dma2 semaphore(%arg10 : memref<!tpu.dma_semaphore, #tpu.memory_space<semaphore_mem>>) src(%dma_wait3A_183 : memref<2048xi32, #tpu.memory_space<hbm>>) dst(%dma_wait3A_182 : memref<2048xi32, #tpu.memory_space<vmem>>)
      %scan3A_184 = arith.constant 0 : i32
      %scan3A_185 = arith.constant 0 : i32
      %scan3A_186 = arith.constant 128 : i32
      %scan3A_187 = arith.addi %scan3A_185, %scan3A_186 : i32
      %scan3A_188 = arith.constant 1 : i32
      scf.for %scan3A_197 = %scan3A_185 to %scan3A_187 step %scan3A_188  : i32 {
        %mul3A_198 = arith.constant 16 : i32
        %mul3A_199 = arith.muli %scan3A_197, %mul3A_198 : i32
        %get3A = arith.constant 1 : i32
        %get3A_200 = arith.index_cast %get3A : i32 to index
        %get3A_201 = arith.index_cast %mul3A_199 : i32 to index
        %get3A_202 = tpu.vector_load %arg6[%get3A_200, %get3A_201] {strides = array<i32>} : memref<2x2048xi32, #tpu.memory_space<vmem>>, vector<16xi32>,
        %get3A_203 = arith.constant 1 : i32
        %get3A_204 = arith.constant 0 : i32
        %get3A_205 = arith.index_cast %get3A_203 : i32 to index
        %get3A_206 = arith.index_cast %get3A_204 : i32 to index
        %get3A_207 = arith.index_cast %mul3A_199 : i32 to index
        %get3A_208 = tpu.vector_load %arg5[%get3A_205, %get3A_206, %get3A_207] {strides = array<i32>} : memref<2x19x2048xf32, #tpu.memory_space<vmem>>, vector<16xf32>,
        %exp3A = math.exp %get3A_208 : vector<16xf32>
        %get3A_209 = arith.constant 1 : i32
        %get3A_210 = arith.constant 1 : i32
        %get3A_211 = arith.index_cast %get3A_209 : i32 to index
        %get3A_212 = arith.index_cast %get3A_210 : i32 to index
        %get3A_213 = arith.index_cast %mul3A_199 : i32 to index
        %get3A_214 = tpu.vector_load %arg5[%get3A_211, %get3A_212, %get3A_213] {strides = array<i32>} : memref<2x19x2048xf32, #tpu.memory_space<vmem>>, vector<16xf32>,
        %exp3A_215 = math.exp %get3A_214 : vector<16xf32>
        %get3A_216 = arith.constant 1 : i32
        %get3A_217 = arith.constant 2 : i32
        %get3A_218 = arith.index_cast %get3A_216 : i32 to index
        %get3A_219 = arith.index_cast %get3A_217 : i32 to index
        %get3A_220 = arith.index_cast %mul3A_199 : i32 to index
        %get3A_221 = tpu.vector_load %arg5[%get3A_218, %get3A_219, %get3A_220] {strides = array<i32>} : memref<2x19x2048xf32, #tpu.memory_space<vmem>>, vector<16xf32>,
        %exp3A_222 = math.exp %get3A_221 : vector<16xf32>
        %get3A_223 = arith.constant 1 : i32
        %get3A_224 = arith.constant 3 : i32
        %get3A_225 = arith.index_cast %get3A_223 : i32 to index
        %get3A_226 = arith.index_cast %get3A_224 : i32 to index
        %get3A_227 = arith.index_cast %mul3A_199 : i32 to index
        %get3A_228 = tpu.vector_load %arg5[%get3A_225, %get3A_226, %get3A_227] {strides = array<i32>} : memref<2x19x2048xf32, #tpu.memory_space<vmem>>, vector<16xf32>,
        %exp3A_229 = math.exp %get3A_228 : vector<16xf32>
        %get3A_230 = arith.constant 1 : i32
        %get3A_231 = arith.constant 4 : i32
        %get3A_232 = arith.index_cast %get3A_230 : i32 to index
        %get3A_233 = arith.index_cast %get3A_231 : i32 to index
        %get3A_234 = arith.index_cast %mul3A_199 : i32 to index
        %get3A_235 = tpu.vector_load %arg5[%get3A_232, %get3A_233, %get3A_234] {strides = array<i32>} : memref<2x19x2048xf32, #tpu.memory_space<vmem>>, vector<16xf32>,
        %exp3A_236 = math.exp %get3A_235 : vector<16xf32>
        %get3A_237 = arith.constant 1 : i32
        %get3A_238 = arith.constant 5 : i32
        %get3A_239 = arith.index_cast %get3A_237 : i32 to index
        %get3A_240 = arith.index_cast %get3A_238 : i32 to index
        %get3A_241 = arith.index_cast %mul3A_199 : i32 to index
        %get3A_242 = tpu.vector_load %arg5[%get3A_239, %get3A_240, %get3A_241] {strides = array<i32>} : memref<2x19x2048xf32, #tpu.memory_space<vmem>>, vector<16xf32>,
        %exp3A_243 = math.exp %get3A_242 : vector<16xf32>
        %get3A_244 = arith.constant 1 : i32
        %get3A_245 = arith.constant 6 : i32
        %get3A_246 = arith.index_cast %get3A_244 : i32 to index
        %get3A_247 = arith.index_cast %get3A_245 : i32 to index
        %get3A_248 = arith.index_cast %mul3A_199 : i32 to index
        %get3A_249 = tpu.vector_load %arg5[%get3A_246, %get3A_247, %get3A_248] {strides = array<i32>} : memref<2x19x2048xf32, #tpu.memory_space<vmem>>, vector<16xf32>,
        %exp3A_250 = math.exp %get3A_249 : vector<16xf32>
        %get3A_251 = arith.constant 1 : i32
        %get3A_252 = arith.constant 7 : i32
        %get3A_253 = arith.index_cast %get3A_251 : i32 to index
        %get3A_254 = arith.index_cast %get3A_252 : i32 to index
        %get3A_255 = arith.index_cast %mul3A_199 : i32 to index
        %get3A_256 = tpu.vector_load %arg5[%get3A_253, %get3A_254, %get3A_255] {strides = array<i32>} : memref<2x19x2048xf32, #tpu.memory_space<vmem>>, vector<16xf32>,
        %exp3A_257 = math.exp %get3A_256 : vector<16xf32>
        %get3A_258 = arith.constant 1 : i32
        %get3A_259 = arith.constant 8 : i32
        %get3A_260 = arith.index_cast %get3A_258 : i32 to index
        %get3A_261 = arith.index_cast %get3A_259 : i32 to index
        %get3A_262 = arith.index_cast %mul3A_199 : i32 to index
        %get3A_263 = tpu.vector_load %arg5[%get3A_260, %get3A_261, %get3A_262] {strides = array<i32>} : memref<2x19x2048xf32, #tpu.memory_space<vmem>>, vector<16xf32>,
        %exp3A_264 = math.exp %get3A_263 : vector<16xf32>
        %get3A_265 = arith.constant 1 : i32
        %get3A_266 = arith.constant 9 : i32
        %get3A_267 = arith.index_cast %get3A_265 : i32 to index
        %get3A_268 = arith.index_cast %get3A_266 : i32 to index
        %get3A_269 = arith.index_cast %mul3A_199 : i32 to index
        %get3A_270 = tpu.vector_load %arg5[%get3A_267, %get3A_268, %get3A_269] {strides = array<i32>} : memref<2x19x2048xf32, #tpu.memory_space<vmem>>, vector<16xf32>,
        %exp3A_271 = math.exp %get3A_270 : vector<16xf32>
        %get3A_272 = arith.constant 1 : i32
        %get3A_273 = arith.constant 10 : i32
        %get3A_274 = arith.index_cast %get3A_272 : i32 to index
        %get3A_275 = arith.index_cast %get3A_273 : i32 to index
        %get3A_276 = arith.index_cast %mul3A_199 : i32 to index
        %get3A_277 = tpu.vector_load %arg5[%get3A_274, %get3A_275, %get3A_276] {strides = array<i32>} : memref<2x19x2048xf32, #tpu.memory_space<vmem>>, vector<16xf32>,
        %exp3A_278 = math.exp %get3A_277 : vector<16xf32>
        %get3A_279 = arith.constant 1 : i32
        %get3A_280 = arith.constant 11 : i32
        %get3A_281 = arith.index_cast %get3A_279 : i32 to index
        %get3A_282 = arith.index_cast %get3A_280 : i32 to index
        %get3A_283 = arith.index_cast %mul3A_199 : i32 to index
        %get3A_284 = tpu.vector_load %arg5[%get3A_281, %get3A_282, %get3A_283] {strides = array<i32>} : memref<2x19x2048xf32, #tpu.memory_space<vmem>>, vector<16xf32>,
        %exp3A_285 = math.exp %get3A_284 : vector<16xf32>
        %get3A_286 = arith.constant 1 : i32
        %get3A_287 = arith.constant 12 : i32
        %get3A_288 = arith.index_cast %get3A_286 : i32 to index
        %get3A_289 = arith.index_cast %get3A_287 : i32 to index
        %get3A_290 = arith.index_cast %mul3A_199 : i32 to index
        %get3A_291 = tpu.vector_load %arg5[%get3A_288, %get3A_289, %get3A_290] {strides = array<i32>} : memref<2x19x2048xf32, #tpu.memory_space<vmem>>, vector<16xf32>,
        %exp3A_292 = math.exp %get3A_291 : vector<16xf32>
        %get3A_293 = arith.constant 1 : i32
        %get3A_294 = arith.constant 13 : i32
        %get3A_295 = arith.index_cast %get3A_293 : i32 to index
        %get3A_296 = arith.index_cast %get3A_294 : i32 to index
        %get3A_297 = arith.index_cast %mul3A_199 : i32 to index
        %get3A_298 = tpu.vector_load %arg5[%get3A_295, %get3A_296, %get3A_297] {strides = array<i32>} : memref<2x19x2048xf32, #tpu.memory_space<vmem>>, vector<16xf32>,
        %exp3A_299 = math.exp %get3A_298 : vector<16xf32>
        %get3A_300 = arith.constant 1 : i32
        %get3A_301 = arith.constant 14 : i32
        %get3A_302 = arith.index_cast %get3A_300 : i32 to index
        %get3A_303 = arith.index_cast %get3A_301 : i32 to index
        %get3A_304 = arith.index_cast %mul3A_199 : i32 to index
        %get3A_305 = tpu.vector_load %arg5[%get3A_302, %get3A_303, %get3A_304] {strides = array<i32>} : memref<2x19x2048xf32, #tpu.memory_space<vmem>>, vector<16xf32>,
        %exp3A_306 = math.exp %get3A_305 : vector<16xf32>
        %get3A_307 = arith.constant 1 : i32
        %get3A_308 = arith.constant 15 : i32
        %get3A_309 = arith.index_cast %get3A_307 : i32 to index
        %get3A_310 = arith.index_cast %get3A_308 : i32 to index
        %get3A_311 = arith.index_cast %mul3A_199 : i32 to index
        %get3A_312 = tpu.vector_load %arg5[%get3A_309, %get3A_310, %get3A_311] {strides = array<i32>} : memref<2x19x2048xf32, #tpu.memory_space<vmem>>, vector<16xf32>,
        %exp3A_313 = math.exp %get3A_312 : vector<16xf32>
        %get3A_314 = arith.constant 1 : i32
        %get3A_315 = arith.constant 16 : i32
        %get3A_316 = arith.index_cast %get3A_314 : i32 to index
        %get3A_317 = arith.index_cast %get3A_315 : i32 to index
        %get3A_318 = arith.index_cast %mul3A_199 : i32 to index
        %get3A_319 = tpu.vector_load %arg5[%get3A_316, %get3A_317, %get3A_318] {strides = array<i32>} : memref<2x19x2048xf32, #tpu.memory_space<vmem>>, vector<16xf32>,
        %exp3A_320 = math.exp %get3A_319 : vector<16xf32>
        %get3A_321 = arith.constant 1 : i32
        %get3A_322 = arith.constant 17 : i32
        %get3A_323 = arith.index_cast %get3A_321 : i32 to index
        %get3A_324 = arith.index_cast %get3A_322 : i32 to index
        %get3A_325 = arith.index_cast %mul3A_199 : i32 to index
        %get3A_326 = tpu.vector_load %arg5[%get3A_323, %get3A_324, %get3A_325] {strides = array<i32>} : memref<2x19x2048xf32, #tpu.memory_space<vmem>>, vector<16xf32>,
        %exp3A_327 = math.exp %get3A_326 : vector<16xf32>
        %get3A_328 = arith.constant 1 : i32
        %get3A_329 = arith.constant 18 : i32
        %get3A_330 = arith.index_cast %get3A_328 : i32 to index
        %get3A_331 = arith.index_cast %get3A_329 : i32 to index
        %get3A_332 = arith.index_cast %mul3A_199 : i32 to index
        %get3A_333 = tpu.vector_load %arg5[%get3A_330, %get3A_331, %get3A_332] {strides = array<i32>} : memref<2x19x2048xf32, #tpu.memory_space<vmem>>, vector<16xf32>,
        %exp3A_334 = math.exp %get3A_333 : vector<16xf32>
        %add3A_335 = arith.addf %exp3A, %exp3A_215 : vector<16xf32>
        %add3A_336 = arith.addf %exp3A_222, %exp3A_229 : vector<16xf32>
        %add3A_337 = arith.addf %exp3A_236, %exp3A_243 : vector<16xf32>
        %add3A_338 = arith.addf %exp3A_250, %exp3A_257 : vector<16xf32>
        %add3A_339 = arith.addf %exp3A_264, %exp3A_271 : vector<16xf32>
        %add3A_340 = arith.addf %exp3A_278, %exp3A_285 : vector<16xf32>
        %add3A_341 = arith.addf %exp3A_292, %exp3A_299 : vector<16xf32>
        %add3A_342 = arith.addf %exp3A_306, %exp3A_313 : vector<16xf32>
        %add3A_343 = arith.addf %exp3A_320, %exp3A_327 : vector<16xf32>
        %add3A_344 = arith.addf %add3A_335, %add3A_336 : vector<16xf32>
        %add3A_345 = arith.addf %add3A_337, %add3A_338 : vector<16xf32>
        %add3A_346 = arith.addf %add3A_339, %add3A_340 : vector<16xf32>
        %add3A_347 = arith.addf %add3A_341, %add3A_342 : vector<16xf32>
        %add3A_348 = arith.addf %add3A_343, %exp3A_334 : vector<16xf32>
        %add3A_349 = arith.addf %add3A_344, %add3A_345 : vector<16xf32>
        %add3A_350 = arith.addf %add3A_346, %add3A_347 : vector<16xf32>
        %add3A_351 = arith.addf %add3A_349, %add3A_350 : vector<16xf32>
        %add3A_352 = arith.addf %add3A_351, %add3A_348 : vector<16xf32>
        %div3A_353 = arith.constant 1.000000e+00 : f32
        %div3A_354 = vector.broadcast %div3A_353 : f32 to vector<16xf32>
        %div3A_355 = arith.divf %div3A_354, %add3A_352 : vector<16xf32>
        %mul3A_356 = arith.mulf %exp3A, %div3A_355 : vector<16xf32>
        %eq3A_357 = arith.constant 0 : i32
        %eq3A_358 = vector.broadcast %eq3A_357 : i32 to vector<16xi32>
        %eq3A_359 = arith.cmpi eq, %get3A_202, %eq3A_358 : vector<16xi32>
        %sub3A_360 = arith.constant 1.000000e+00 : f32
        %sub3A_361 = vector.broadcast %sub3A_360 : f32 to vector<16xf32>
        %sub3A_362 = arith.subf %sub3A_361, %mul3A_356 : vector<16xf32>
        %select_n3A_363 = arith.select %eq3A_359, %sub3A_362, %mul3A_356 : vector<16xi1>, vector<16xf32>
        %add3A_364 = arith.constant 0.000000e+00 : f32
        %add3A_365 = vector.broadcast %add3A_364 : f32 to vector<16xf32>
        %add3A_366 = arith.addf %select_n3A_363, %add3A_365 : vector<16xf32>
        %mul3A_367 = arith.constant 5.120000e+02 : f32
        %mul3A_368 = vector.broadcast %mul3A_367 : f32 to vector<16xf32>
        %mul3A_369 = arith.mulf %add3A_366, %mul3A_368 : vector<16xf32>
        %convert_element_type3A_370 = arith.fptosi %mul3A_369 : vector<16xf32> to vector<16xi32>
        %min3A = arith.constant 511 : i32
        %min3A_371 = vector.broadcast %min3A : i32 to vector<16xi32>
        %min3A_372 = arith.minsi %convert_element_type3A_370, %min3A_371 : vector<16xi32>
        %add3A_373 = arith.addi %min3A_372, %min3A_372 : vector<16xi32>
        %add3A_374 = arith.constant 1 : i32
        %add3A_375 = vector.broadcast %add3A_374 : i32 to vector<16xi32>
        %add3A_376 = arith.addi %add3A_373, %add3A_375 : vector<16xi32>
        %select_n3A_377 = arith.select %eq3A_359, %add3A_376, %add3A_373 : vector<16xi1>, vector<16xi32>
        %broadcast_in_dim3A_378 = arith.constant true
        %broadcast_in_dim3A_379 = vector.broadcast %broadcast_in_dim3A_378 : i1 to vector<16xi1>
        %unique3A, %unique3A_380 = tpu.scan_count mask(%broadcast_in_dim3A_379 : vector<16xi1>) value(%select_n3A_377 : vector<16xi32>) : vector<16xi1>, vector<16xi32>
        tpu.vector_store_idx %arg7[%select_n3A_377], %unique3A_380 masked %unique3A {add = true} : memref<19456xi32, #tpu.memory_space<vmem>>[vector<16xi32>], vector<16xi32>, vector<16xi1>
        %mul3A_381 = arith.mulf %exp3A_215, %div3A_355 : vector<16xf32>
        %eq3A_382 = arith.constant 1 : i32
        %eq3A_383 = vector.broadcast %eq3A_382 : i32 to vector<16xi32>
        %eq3A_384 = arith.cmpi eq, %get3A_202, %eq3A_383 : vector<16xi32>
        %sub3A_385 = arith.constant 1.000000e+00 : f32
        %sub3A_386 = vector.broadcast %sub3A_385 : f32 to vector<16xf32>
        %sub3A_387 = arith.subf %sub3A_386, %mul3A_381 : vector<16xf32>
        %select_n3A_388 = arith.select %eq3A_384, %sub3A_387, %mul3A_381 : vector<16xi1>, vector<16xf32>
        %add3A_389 = arith.constant 1.000000e+00 : f32
        %add3A_390 = vector.broadcast %add3A_389 : f32 to vector<16xf32>
        %add3A_391 = arith.addf %select_n3A_388, %add3A_390 : vector<16xf32>
        %mul3A_392 = arith.constant 5.120000e+02 : f32
        %mul3A_393 = vector.broadcast %mul3A_392 : f32 to vector<16xf32>
        %mul3A_394 = arith.mulf %add3A_391, %mul3A_393 : vector<16xf32>
        %convert_element_type3A_395 = arith.fptosi %mul3A_394 : vector<16xf32> to vector<16xi32>
        %min3A_396 = arith.constant 1023 : i32
        %min3A_397 = vector.broadcast %min3A_396 : i32 to vector<16xi32>
        %min3A_398 = arith.minsi %convert_element_type3A_395, %min3A_397 : vector<16xi32>
        %add3A_399 = arith.addi %min3A_398, %min3A_398 : vector<16xi32>
        %add3A_400 = arith.constant 1 : i32
        %add3A_401 = vector.broadcast %add3A_400 : i32 to vector<16xi32>
        %add3A_402 = arith.addi %add3A_399, %add3A_401 : vector<16xi32>
        %select_n3A_403 = arith.select %eq3A_384, %add3A_402, %add3A_399 : vector<16xi1>, vector<16xi32>
        %broadcast_in_dim3A_404 = arith.constant true
        %broadcast_in_dim3A_405 = vector.broadcast %broadcast_in_dim3A_404 : i1 to vector<16xi1>
        %unique3A_406, %unique3A_407 = tpu.scan_count mask(%broadcast_in_dim3A_405 : vector<16xi1>) value(%select_n3A_403 : vector<16xi32>) : vector<16xi1>, vector<16xi32>
        tpu.vector_store_idx %arg8[%select_n3A_403], %unique3A_407 masked %unique3A_406 {add = true} : memref<19456xi32, #tpu.memory_space<vmem>>[vector<16xi32>], vector<16xi32>, vector<16xi1>
        %mul3A_408 = arith.mulf %exp3A_222, %div3A_355 : vector<16xf32>
        %eq3A_409 = arith.constant 2 : i32
        %eq3A_410 = vector.broadcast %eq3A_409 : i32 to vector<16xi32>
        %eq3A_411 = arith.cmpi eq, %get3A_202, %eq3A_410 : vector<16xi32>
        %sub3A_412 = arith.constant 1.000000e+00 : f32
        %sub3A_413 = vector.broadcast %sub3A_412 : f32 to vector<16xf32>
        %sub3A_414 = arith.subf %sub3A_413, %mul3A_408 : vector<16xf32>
        %select_n3A_415 = arith.select %eq3A_411, %sub3A_414, %mul3A_408 : vector<16xi1>, vector<16xf32>
        %add3A_416 = arith.constant 2.000000e+00 : f32
        %add3A_417 = vector.broadcast %add3A_416 : f32 to vector<16xf32>
        %add3A_418 = arith.addf %select_n3A_415, %add3A_417 : vector<16xf32>
        %mul3A_419 = arith.constant 5.120000e+02 : f32
        %mul3A_420 = vector.broadcast %mul3A_419 : f32 to vector<16xf32>
        %mul3A_421 = arith.mulf %add3A_418, %mul3A_420 : vector<16xf32>
        %convert_element_type3A_422 = arith.fptosi %mul3A_421 : vector<16xf32> to vector<16xi32>
        %min3A_423 = arith.constant 1535 : i32
        %min3A_424 = vector.broadcast %min3A_423 : i32 to vector<16xi32>
        %min3A_425 = arith.minsi %convert_element_type3A_422, %min3A_424 : vector<16xi32>
        %add3A_426 = arith.addi %min3A_425, %min3A_425 : vector<16xi32>
        %add3A_427 = arith.constant 1 : i32
        %add3A_428 = vector.broadcast %add3A_427 : i32 to vector<16xi32>
        %add3A_429 = arith.addi %add3A_426, %add3A_428 : vector<16xi32>
        %select_n3A_430 = arith.select %eq3A_411, %add3A_429, %add3A_426 : vector<16xi1>, vector<16xi32>
        %broadcast_in_dim3A_431 = arith.constant true
        %broadcast_in_dim3A_432 = vector.broadcast %broadcast_in_dim3A_431 : i1 to vector<16xi1>
        %unique3A_433, %unique3A_434 = tpu.scan_count mask(%broadcast_in_dim3A_432 : vector<16xi1>) value(%select_n3A_430 : vector<16xi32>) : vector<16xi1>, vector<16xi32>
        tpu.vector_store_idx %arg7[%select_n3A_430], %unique3A_434 masked %unique3A_433 {add = true} : memref<19456xi32, #tpu.memory_space<vmem>>[vector<16xi32>], vector<16xi32>, vector<16xi1>
        %mul3A_435 = arith.mulf %exp3A_229, %div3A_355 : vector<16xf32>
        %eq3A_436 = arith.constant 3 : i32
        %eq3A_437 = vector.broadcast %eq3A_436 : i32 to vector<16xi32>
        %eq3A_438 = arith.cmpi eq, %get3A_202, %eq3A_437 : vector<16xi32>
        %sub3A_439 = arith.constant 1.000000e+00 : f32
        %sub3A_440 = vector.broadcast %sub3A_439 : f32 to vector<16xf32>
        %sub3A_441 = arith.subf %sub3A_440, %mul3A_435 : vector<16xf32>
        %select_n3A_442 = arith.select %eq3A_438, %sub3A_441, %mul3A_435 : vector<16xi1>, vector<16xf32>
        %add3A_443 = arith.constant 3.000000e+00 : f32
        %add3A_444 = vector.broadcast %add3A_443 : f32 to vector<16xf32>
        %add3A_445 = arith.addf %select_n3A_442, %add3A_444 : vector<16xf32>
        %mul3A_446 = arith.constant 5.120000e+02 : f32
        %mul3A_447 = vector.broadcast %mul3A_446 : f32 to vector<16xf32>
        %mul3A_448 = arith.mulf %add3A_445, %mul3A_447 : vector<16xf32>
        %convert_element_type3A_449 = arith.fptosi %mul3A_448 : vector<16xf32> to vector<16xi32>
        %min3A_450 = arith.constant 2047 : i32
        %min3A_451 = vector.broadcast %min3A_450 : i32 to vector<16xi32>
        %min3A_452 = arith.minsi %convert_element_type3A_449, %min3A_451 : vector<16xi32>
        %add3A_453 = arith.addi %min3A_452, %min3A_452 : vector<16xi32>
        %add3A_454 = arith.constant 1 : i32
        %add3A_455 = vector.broadcast %add3A_454 : i32 to vector<16xi32>
        %add3A_456 = arith.addi %add3A_453, %add3A_455 : vector<16xi32>
        %select_n3A_457 = arith.select %eq3A_438, %add3A_456, %add3A_453 : vector<16xi1>, vector<16xi32>
        %broadcast_in_dim3A_458 = arith.constant true
        %broadcast_in_dim3A_459 = vector.broadcast %broadcast_in_dim3A_458 : i1 to vector<16xi1>
        %unique3A_460, %unique3A_461 = tpu.scan_count mask(%broadcast_in_dim3A_459 : vector<16xi1>) value(%select_n3A_457 : vector<16xi32>) : vector<16xi1>, vector<16xi32>
        tpu.vector_store_idx %arg8[%select_n3A_457], %unique3A_461 masked %unique3A_460 {add = true} : memref<19456xi32, #tpu.memory_space<vmem>>[vector<16xi32>], vector<16xi32>, vector<16xi1>
        %mul3A_462 = arith.mulf %exp3A_236, %div3A_355 : vector<16xf32>
        %eq3A_463 = arith.constant 4 : i32
        %eq3A_464 = vector.broadcast %eq3A_463 : i32 to vector<16xi32>
        %eq3A_465 = arith.cmpi eq, %get3A_202, %eq3A_464 : vector<16xi32>
        %sub3A_466 = arith.constant 1.000000e+00 : f32
        %sub3A_467 = vector.broadcast %sub3A_466 : f32 to vector<16xf32>
        %sub3A_468 = arith.subf %sub3A_467, %mul3A_462 : vector<16xf32>
        %select_n3A_469 = arith.select %eq3A_465, %sub3A_468, %mul3A_462 : vector<16xi1>, vector<16xf32>
        %add3A_470 = arith.constant 4.000000e+00 : f32
        %add3A_471 = vector.broadcast %add3A_470 : f32 to vector<16xf32>
        %add3A_472 = arith.addf %select_n3A_469, %add3A_471 : vector<16xf32>
        %mul3A_473 = arith.constant 5.120000e+02 : f32
        %mul3A_474 = vector.broadcast %mul3A_473 : f32 to vector<16xf32>
        %mul3A_475 = arith.mulf %add3A_472, %mul3A_474 : vector<16xf32>
        %convert_element_type3A_476 = arith.fptosi %mul3A_475 : vector<16xf32> to vector<16xi32>
        %min3A_477 = arith.constant 2559 : i32
        %min3A_478 = vector.broadcast %min3A_477 : i32 to vector<16xi32>
        %min3A_479 = arith.minsi %convert_element_type3A_476, %min3A_478 : vector<16xi32>
        %add3A_480 = arith.addi %min3A_479, %min3A_479 : vector<16xi32>
        %add3A_481 = arith.constant 1 : i32
        %add3A_482 = vector.broadcast %add3A_481 : i32 to vector<16xi32>
        %add3A_483 = arith.addi %add3A_480, %add3A_482 : vector<16xi32>
        %select_n3A_484 = arith.select %eq3A_465, %add3A_483, %add3A_480 : vector<16xi1>, vector<16xi32>
        %broadcast_in_dim3A_485 = arith.constant true
        %broadcast_in_dim3A_486 = vector.broadcast %broadcast_in_dim3A_485 : i1 to vector<16xi1>
        %unique3A_487, %unique3A_488 = tpu.scan_count mask(%broadcast_in_dim3A_486 : vector<16xi1>) value(%select_n3A_484 : vector<16xi32>) : vector<16xi1>, vector<16xi32>
        tpu.vector_store_idx %arg7[%select_n3A_484], %unique3A_488 masked %unique3A_487 {add = true} : memref<19456xi32, #tpu.memory_space<vmem>>[vector<16xi32>], vector<16xi32>, vector<16xi1>
        %mul3A_489 = arith.mulf %exp3A_243, %div3A_355 : vector<16xf32>
        %eq3A_490 = arith.constant 5 : i32
        %eq3A_491 = vector.broadcast %eq3A_490 : i32 to vector<16xi32>
        %eq3A_492 = arith.cmpi eq, %get3A_202, %eq3A_491 : vector<16xi32>
        %sub3A_493 = arith.constant 1.000000e+00 : f32
        %sub3A_494 = vector.broadcast %sub3A_493 : f32 to vector<16xf32>
        %sub3A_495 = arith.subf %sub3A_494, %mul3A_489 : vector<16xf32>
        %select_n3A_496 = arith.select %eq3A_492, %sub3A_495, %mul3A_489 : vector<16xi1>, vector<16xf32>
        %add3A_497 = arith.constant 5.000000e+00 : f32
        %add3A_498 = vector.broadcast %add3A_497 : f32 to vector<16xf32>
        %add3A_499 = arith.addf %select_n3A_496, %add3A_498 : vector<16xf32>
        %mul3A_500 = arith.constant 5.120000e+02 : f32
        %mul3A_501 = vector.broadcast %mul3A_500 : f32 to vector<16xf32>
        %mul3A_502 = arith.mulf %add3A_499, %mul3A_501 : vector<16xf32>
        %convert_element_type3A_503 = arith.fptosi %mul3A_502 : vector<16xf32> to vector<16xi32>
        %min3A_504 = arith.constant 3071 : i32
        %min3A_505 = vector.broadcast %min3A_504 : i32 to vector<16xi32>
        %min3A_506 = arith.minsi %convert_element_type3A_503, %min3A_505 : vector<16xi32>
        %add3A_507 = arith.addi %min3A_506, %min3A_506 : vector<16xi32>
        %add3A_508 = arith.constant 1 : i32
        %add3A_509 = vector.broadcast %add3A_508 : i32 to vector<16xi32>
        %add3A_510 = arith.addi %add3A_507, %add3A_509 : vector<16xi32>
        %select_n3A_511 = arith.select %eq3A_492, %add3A_510, %add3A_507 : vector<16xi1>, vector<16xi32>
        %broadcast_in_dim3A_512 = arith.constant true
        %broadcast_in_dim3A_513 = vector.broadcast %broadcast_in_dim3A_512 : i1 to vector<16xi1>
        %unique3A_514, %unique3A_515 = tpu.scan_count mask(%broadcast_in_dim3A_513 : vector<16xi1>) value(%select_n3A_511 : vector<16xi32>) : vector<16xi1>, vector<16xi32>
        tpu.vector_store_idx %arg8[%select_n3A_511], %unique3A_515 masked %unique3A_514 {add = true} : memref<19456xi32, #tpu.memory_space<vmem>>[vector<16xi32>], vector<16xi32>, vector<16xi1>
        %mul3A_516 = arith.mulf %exp3A_250, %div3A_355 : vector<16xf32>
        %eq3A_517 = arith.constant 6 : i32
        %eq3A_518 = vector.broadcast %eq3A_517 : i32 to vector<16xi32>
        %eq3A_519 = arith.cmpi eq, %get3A_202, %eq3A_518 : vector<16xi32>
        %sub3A_520 = arith.constant 1.000000e+00 : f32
        %sub3A_521 = vector.broadcast %sub3A_520 : f32 to vector<16xf32>
        %sub3A_522 = arith.subf %sub3A_521, %mul3A_516 : vector<16xf32>
        %select_n3A_523 = arith.select %eq3A_519, %sub3A_522, %mul3A_516 : vector<16xi1>, vector<16xf32>
        %add3A_524 = arith.constant 6.000000e+00 : f32
        %add3A_525 = vector.broadcast %add3A_524 : f32 to vector<16xf32>
        %add3A_526 = arith.addf %select_n3A_523, %add3A_525 : vector<16xf32>
        %mul3A_527 = arith.constant 5.120000e+02 : f32
        %mul3A_528 = vector.broadcast %mul3A_527 : f32 to vector<16xf32>
        %mul3A_529 = arith.mulf %add3A_526, %mul3A_528 : vector<16xf32>
        %convert_element_type3A_530 = arith.fptosi %mul3A_529 : vector<16xf32> to vector<16xi32>
        %min3A_531 = arith.constant 3583 : i32
        %min3A_532 = vector.broadcast %min3A_531 : i32 to vector<16xi32>
        %min3A_533 = arith.minsi %convert_element_type3A_530, %min3A_532 : vector<16xi32>
        %add3A_534 = arith.addi %min3A_533, %min3A_533 : vector<16xi32>
        %add3A_535 = arith.constant 1 : i32
        %add3A_536 = vector.broadcast %add3A_535 : i32 to vector<16xi32>
        %add3A_537 = arith.addi %add3A_534, %add3A_536 : vector<16xi32>
        %select_n3A_538 = arith.select %eq3A_519, %add3A_537, %add3A_534 : vector<16xi1>, vector<16xi32>
        %broadcast_in_dim3A_539 = arith.constant true
        %broadcast_in_dim3A_540 = vector.broadcast %broadcast_in_dim3A_539 : i1 to vector<16xi1>
        %unique3A_541, %unique3A_542 = tpu.scan_count mask(%broadcast_in_dim3A_540 : vector<16xi1>) value(%select_n3A_538 : vector<16xi32>) : vector<16xi1>, vector<16xi32>
        tpu.vector_store_idx %arg7[%select_n3A_538], %unique3A_542 masked %unique3A_541 {add = true} : memref<19456xi32, #tpu.memory_space<vmem>>[vector<16xi32>], vector<16xi32>, vector<16xi1>
        %mul3A_543 = arith.mulf %exp3A_257, %div3A_355 : vector<16xf32>
        %eq3A_544 = arith.constant 7 : i32
        %eq3A_545 = vector.broadcast %eq3A_544 : i32 to vector<16xi32>
        %eq3A_546 = arith.cmpi eq, %get3A_202, %eq3A_545 : vector<16xi32>
        %sub3A_547 = arith.constant 1.000000e+00 : f32
        %sub3A_548 = vector.broadcast %sub3A_547 : f32 to vector<16xf32>
        %sub3A_549 = arith.subf %sub3A_548, %mul3A_543 : vector<16xf32>
        %select_n3A_550 = arith.select %eq3A_546, %sub3A_549, %mul3A_543 : vector<16xi1>, vector<16xf32>
        %add3A_551 = arith.constant 7.000000e+00 : f32
        %add3A_552 = vector.broadcast %add3A_551 : f32 to vector<16xf32>
        %add3A_553 = arith.addf %select_n3A_550, %add3A_552 : vector<16xf32>
        %mul3A_554 = arith.constant 5.120000e+02 : f32
        %mul3A_555 = vector.broadcast %mul3A_554 : f32 to vector<16xf32>
        %mul3A_556 = arith.mulf %add3A_553, %mul3A_555 : vector<16xf32>
        %convert_element_type3A_557 = arith.fptosi %mul3A_556 : vector<16xf32> to vector<16xi32>
        %min3A_558 = arith.constant 4095 : i32
        %min3A_559 = vector.broadcast %min3A_558 : i32 to vector<16xi32>
        %min3A_560 = arith.minsi %convert_element_type3A_557, %min3A_559 : vector<16xi32>
        %add3A_561 = arith.addi %min3A_560, %min3A_560 : vector<16xi32>
        %add3A_562 = arith.constant 1 : i32
        %add3A_563 = vector.broadcast %add3A_562 : i32 to vector<16xi32>
        %add3A_564 = arith.addi %add3A_561, %add3A_563 : vector<16xi32>
        %select_n3A_565 = arith.select %eq3A_546, %add3A_564, %add3A_561 : vector<16xi1>, vector<16xi32>
        %broadcast_in_dim3A_566 = arith.constant true
        %broadcast_in_dim3A_567 = vector.broadcast %broadcast_in_dim3A_566 : i1 to vector<16xi1>
        %unique3A_568, %unique3A_569 = tpu.scan_count mask(%broadcast_in_dim3A_567 : vector<16xi1>) value(%select_n3A_565 : vector<16xi32>) : vector<16xi1>, vector<16xi32>
        tpu.vector_store_idx %arg8[%select_n3A_565], %unique3A_569 masked %unique3A_568 {add = true} : memref<19456xi32, #tpu.memory_space<vmem>>[vector<16xi32>], vector<16xi32>, vector<16xi1>
        %mul3A_570 = arith.mulf %exp3A_264, %div3A_355 : vector<16xf32>
        %eq3A_571 = arith.constant 8 : i32
        %eq3A_572 = vector.broadcast %eq3A_571 : i32 to vector<16xi32>
        %eq3A_573 = arith.cmpi eq, %get3A_202, %eq3A_572 : vector<16xi32>
        %sub3A_574 = arith.constant 1.000000e+00 : f32
        %sub3A_575 = vector.broadcast %sub3A_574 : f32 to vector<16xf32>
        %sub3A_576 = arith.subf %sub3A_575, %mul3A_570 : vector<16xf32>
        %select_n3A_577 = arith.select %eq3A_573, %sub3A_576, %mul3A_570 : vector<16xi1>, vector<16xf32>
        %add3A_578 = arith.constant 8.000000e+00 : f32
        %add3A_579 = vector.broadcast %add3A_578 : f32 to vector<16xf32>
        %add3A_580 = arith.addf %select_n3A_577, %add3A_579 : vector<16xf32>
        %mul3A_581 = arith.constant 5.120000e+02 : f32
        %mul3A_582 = vector.broadcast %mul3A_581 : f32 to vector<16xf32>
        %mul3A_583 = arith.mulf %add3A_580, %mul3A_582 : vector<16xf32>
        %convert_element_type3A_584 = arith.fptosi %mul3A_583 : vector<16xf32> to vector<16xi32>
        %min3A_585 = arith.constant 4607 : i32
        %min3A_586 = vector.broadcast %min3A_585 : i32 to vector<16xi32>
        %min3A_587 = arith.minsi %convert_element_type3A_584, %min3A_586 : vector<16xi32>
        %add3A_588 = arith.addi %min3A_587, %min3A_587 : vector<16xi32>
        %add3A_589 = arith.constant 1 : i32
        %add3A_590 = vector.broadcast %add3A_589 : i32 to vector<16xi32>
        %add3A_591 = arith.addi %add3A_588, %add3A_590 : vector<16xi32>
        %select_n3A_592 = arith.select %eq3A_573, %add3A_591, %add3A_588 : vector<16xi1>, vector<16xi32>
        %broadcast_in_dim3A_593 = arith.constant true
        %broadcast_in_dim3A_594 = vector.broadcast %broadcast_in_dim3A_593 : i1 to vector<16xi1>
        %unique3A_595, %unique3A_596 = tpu.scan_count mask(%broadcast_in_dim3A_594 : vector<16xi1>) value(%select_n3A_592 : vector<16xi32>) : vector<16xi1>, vector<16xi32>
        tpu.vector_store_idx %arg7[%select_n3A_592], %unique3A_596 masked %unique3A_595 {add = true} : memref<19456xi32, #tpu.memory_space<vmem>>[vector<16xi32>], vector<16xi32>, vector<16xi1>
        %mul3A_597 = arith.mulf %exp3A_271, %div3A_355 : vector<16xf32>
        %eq3A_598 = arith.constant 9 : i32
        %eq3A_599 = vector.broadcast %eq3A_598 : i32 to vector<16xi32>
        %eq3A_600 = arith.cmpi eq, %get3A_202, %eq3A_599 : vector<16xi32>
        %sub3A_601 = arith.constant 1.000000e+00 : f32
        %sub3A_602 = vector.broadcast %sub3A_601 : f32 to vector<16xf32>
        %sub3A_603 = arith.subf %sub3A_602, %mul3A_597 : vector<16xf32>
        %select_n3A_604 = arith.select %eq3A_600, %sub3A_603, %mul3A_597 : vector<16xi1>, vector<16xf32>
        %add3A_605 = arith.constant 9.000000e+00 : f32
        %add3A_606 = vector.broadcast %add3A_605 : f32 to vector<16xf32>
        %add3A_607 = arith.addf %select_n3A_604, %add3A_606 : vector<16xf32>
        %mul3A_608 = arith.constant 5.120000e+02 : f32
        %mul3A_609 = vector.broadcast %mul3A_608 : f32 to vector<16xf32>
        %mul3A_610 = arith.mulf %add3A_607, %mul3A_609 : vector<16xf32>
        %convert_element_type3A_611 = arith.fptosi %mul3A_610 : vector<16xf32> to vector<16xi32>
        %min3A_612 = arith.constant 5119 : i32
        %min3A_613 = vector.broadcast %min3A_612 : i32 to vector<16xi32>
        %min3A_614 = arith.minsi %convert_element_type3A_611, %min3A_613 : vector<16xi32>
        %add3A_615 = arith.addi %min3A_614, %min3A_614 : vector<16xi32>
        %add3A_616 = arith.constant 1 : i32
        %add3A_617 = vector.broadcast %add3A_616 : i32 to vector<16xi32>
        %add3A_618 = arith.addi %add3A_615, %add3A_617 : vector<16xi32>
        %select_n3A_619 = arith.select %eq3A_600, %add3A_618, %add3A_615 : vector<16xi1>, vector<16xi32>
        %broadcast_in_dim3A_620 = arith.constant true
        %broadcast_in_dim3A_621 = vector.broadcast %broadcast_in_dim3A_620 : i1 to vector<16xi1>
        %unique3A_622, %unique3A_623 = tpu.scan_count mask(%broadcast_in_dim3A_621 : vector<16xi1>) value(%select_n3A_619 : vector<16xi32>) : vector<16xi1>, vector<16xi32>
        tpu.vector_store_idx %arg8[%select_n3A_619], %unique3A_623 masked %unique3A_622 {add = true} : memref<19456xi32, #tpu.memory_space<vmem>>[vector<16xi32>], vector<16xi32>, vector<16xi1>
        %mul3A_624 = arith.mulf %exp3A_278, %div3A_355 : vector<16xf32>
        %eq3A_625 = arith.constant 10 : i32
        %eq3A_626 = vector.broadcast %eq3A_625 : i32 to vector<16xi32>
        %eq3A_627 = arith.cmpi eq, %get3A_202, %eq3A_626 : vector<16xi32>
        %sub3A_628 = arith.constant 1.000000e+00 : f32
        %sub3A_629 = vector.broadcast %sub3A_628 : f32 to vector<16xf32>
        %sub3A_630 = arith.subf %sub3A_629, %mul3A_624 : vector<16xf32>
        %select_n3A_631 = arith.select %eq3A_627, %sub3A_630, %mul3A_624 : vector<16xi1>, vector<16xf32>
        %add3A_632 = arith.constant 1.000000e+01 : f32
        %add3A_633 = vector.broadcast %add3A_632 : f32 to vector<16xf32>
        %add3A_634 = arith.addf %select_n3A_631, %add3A_633 : vector<16xf32>
        %mul3A_635 = arith.constant 5.120000e+02 : f32
        %mul3A_636 = vector.broadcast %mul3A_635 : f32 to vector<16xf32>
        %mul3A_637 = arith.mulf %add3A_634, %mul3A_636 : vector<16xf32>
        %convert_element_type3A_638 = arith.fptosi %mul3A_637 : vector<16xf32> to vector<16xi32>
        %min3A_639 = arith.constant 5631 : i32
        %min3A_640 = vector.broadcast %min3A_639 : i32 to vector<16xi32>
        %min3A_641 = arith.minsi %convert_element_type3A_638, %min3A_640 : vector<16xi32>
        %add3A_642 = arith.addi %min3A_641, %min3A_641 : vector<16xi32>
        %add3A_643 = arith.constant 1 : i32
        %add3A_644 = vector.broadcast %add3A_643 : i32 to vector<16xi32>
        %add3A_645 = arith.addi %add3A_642, %add3A_644 : vector<16xi32>
        %select_n3A_646 = arith.select %eq3A_627, %add3A_645, %add3A_642 : vector<16xi1>, vector<16xi32>
        %broadcast_in_dim3A_647 = arith.constant true
        %broadcast_in_dim3A_648 = vector.broadcast %broadcast_in_dim3A_647 : i1 to vector<16xi1>
        %unique3A_649, %unique3A_650 = tpu.scan_count mask(%broadcast_in_dim3A_648 : vector<16xi1>) value(%select_n3A_646 : vector<16xi32>) : vector<16xi1>, vector<16xi32>
        tpu.vector_store_idx %arg7[%select_n3A_646], %unique3A_650 masked %unique3A_649 {add = true} : memref<19456xi32, #tpu.memory_space<vmem>>[vector<16xi32>], vector<16xi32>, vector<16xi1>
        %mul3A_651 = arith.mulf %exp3A_285, %div3A_355 : vector<16xf32>
        %eq3A_652 = arith.constant 11 : i32
        %eq3A_653 = vector.broadcast %eq3A_652 : i32 to vector<16xi32>
        %eq3A_654 = arith.cmpi eq, %get3A_202, %eq3A_653 : vector<16xi32>
        %sub3A_655 = arith.constant 1.000000e+00 : f32
        %sub3A_656 = vector.broadcast %sub3A_655 : f32 to vector<16xf32>
        %sub3A_657 = arith.subf %sub3A_656, %mul3A_651 : vector<16xf32>
        %select_n3A_658 = arith.select %eq3A_654, %sub3A_657, %mul3A_651 : vector<16xi1>, vector<16xf32>
        %add3A_659 = arith.constant 1.100000e+01 : f32
        %add3A_660 = vector.broadcast %add3A_659 : f32 to vector<16xf32>
        %add3A_661 = arith.addf %select_n3A_658, %add3A_660 : vector<16xf32>
        %mul3A_662 = arith.constant 5.120000e+02 : f32
        %mul3A_663 = vector.broadcast %mul3A_662 : f32 to vector<16xf32>
        %mul3A_664 = arith.mulf %add3A_661, %mul3A_663 : vector<16xf32>
        %convert_element_type3A_665 = arith.fptosi %mul3A_664 : vector<16xf32> to vector<16xi32>
        %min3A_666 = arith.constant 6143 : i32
        %min3A_667 = vector.broadcast %min3A_666 : i32 to vector<16xi32>
        %min3A_668 = arith.minsi %convert_element_type3A_665, %min3A_667 : vector<16xi32>
        %add3A_669 = arith.addi %min3A_668, %min3A_668 : vector<16xi32>
        %add3A_670 = arith.constant 1 : i32
        %add3A_671 = vector.broadcast %add3A_670 : i32 to vector<16xi32>
        %add3A_672 = arith.addi %add3A_669, %add3A_671 : vector<16xi32>
        %select_n3A_673 = arith.select %eq3A_654, %add3A_672, %add3A_669 : vector<16xi1>, vector<16xi32>
        %broadcast_in_dim3A_674 = arith.constant true
        %broadcast_in_dim3A_675 = vector.broadcast %broadcast_in_dim3A_674 : i1 to vector<16xi1>
        %unique3A_676, %unique3A_677 = tpu.scan_count mask(%broadcast_in_dim3A_675 : vector<16xi1>) value(%select_n3A_673 : vector<16xi32>) : vector<16xi1>, vector<16xi32>
        tpu.vector_store_idx %arg8[%select_n3A_673], %unique3A_677 masked %unique3A_676 {add = true} : memref<19456xi32, #tpu.memory_space<vmem>>[vector<16xi32>], vector<16xi32>, vector<16xi1>
        %mul3A_678 = arith.mulf %exp3A_292, %div3A_355 : vector<16xf32>
        %eq3A_679 = arith.constant 12 : i32
        %eq3A_680 = vector.broadcast %eq3A_679 : i32 to vector<16xi32>
        %eq3A_681 = arith.cmpi eq, %get3A_202, %eq3A_680 : vector<16xi32>
        %sub3A_682 = arith.constant 1.000000e+00 : f32
        %sub3A_683 = vector.broadcast %sub3A_682 : f32 to vector<16xf32>
        %sub3A_684 = arith.subf %sub3A_683, %mul3A_678 : vector<16xf32>
        %select_n3A_685 = arith.select %eq3A_681, %sub3A_684, %mul3A_678 : vector<16xi1>, vector<16xf32>
        %add3A_686 = arith.constant 1.200000e+01 : f32
        %add3A_687 = vector.broadcast %add3A_686 : f32 to vector<16xf32>
        %add3A_688 = arith.addf %select_n3A_685, %add3A_687 : vector<16xf32>
        %mul3A_689 = arith.constant 5.120000e+02 : f32
        %mul3A_690 = vector.broadcast %mul3A_689 : f32 to vector<16xf32>
        %mul3A_691 = arith.mulf %add3A_688, %mul3A_690 : vector<16xf32>
        %convert_element_type3A_692 = arith.fptosi %mul3A_691 : vector<16xf32> to vector<16xi32>
        %min3A_693 = arith.constant 6655 : i32
        %min3A_694 = vector.broadcast %min3A_693 : i32 to vector<16xi32>
        %min3A_695 = arith.minsi %convert_element_type3A_692, %min3A_694 : vector<16xi32>
        %add3A_696 = arith.addi %min3A_695, %min3A_695 : vector<16xi32>
        %add3A_697 = arith.constant 1 : i32
        %add3A_698 = vector.broadcast %add3A_697 : i32 to vector<16xi32>
        %add3A_699 = arith.addi %add3A_696, %add3A_698 : vector<16xi32>
        %select_n3A_700 = arith.select %eq3A_681, %add3A_699, %add3A_696 : vector<16xi1>, vector<16xi32>
        %broadcast_in_dim3A_701 = arith.constant true
        %broadcast_in_dim3A_702 = vector.broadcast %broadcast_in_dim3A_701 : i1 to vector<16xi1>
        %unique3A_703, %unique3A_704 = tpu.scan_count mask(%broadcast_in_dim3A_702 : vector<16xi1>) value(%select_n3A_700 : vector<16xi32>) : vector<16xi1>, vector<16xi32>
        tpu.vector_store_idx %arg7[%select_n3A_700], %unique3A_704 masked %unique3A_703 {add = true} : memref<19456xi32, #tpu.memory_space<vmem>>[vector<16xi32>], vector<16xi32>, vector<16xi1>
        %mul3A_705 = arith.mulf %exp3A_299, %div3A_355 : vector<16xf32>
        %eq3A_706 = arith.constant 13 : i32
        %eq3A_707 = vector.broadcast %eq3A_706 : i32 to vector<16xi32>
        %eq3A_708 = arith.cmpi eq, %get3A_202, %eq3A_707 : vector<16xi32>
        %sub3A_709 = arith.constant 1.000000e+00 : f32
        %sub3A_710 = vector.broadcast %sub3A_709 : f32 to vector<16xf32>
        %sub3A_711 = arith.subf %sub3A_710, %mul3A_705 : vector<16xf32>
        %select_n3A_712 = arith.select %eq3A_708, %sub3A_711, %mul3A_705 : vector<16xi1>, vector<16xf32>
        %add3A_713 = arith.constant 1.300000e+01 : f32
        %add3A_714 = vector.broadcast %add3A_713 : f32 to vector<16xf32>
        %add3A_715 = arith.addf %select_n3A_712, %add3A_714 : vector<16xf32>
        %mul3A_716 = arith.constant 5.120000e+02 : f32
        %mul3A_717 = vector.broadcast %mul3A_716 : f32 to vector<16xf32>
        %mul3A_718 = arith.mulf %add3A_715, %mul3A_717 : vector<16xf32>
        %convert_element_type3A_719 = arith.fptosi %mul3A_718 : vector<16xf32> to vector<16xi32>
        %min3A_720 = arith.constant 7167 : i32
        %min3A_721 = vector.broadcast %min3A_720 : i32 to vector<16xi32>
        %min3A_722 = arith.minsi %convert_element_type3A_719, %min3A_721 : vector<16xi32>
        %add3A_723 = arith.addi %min3A_722, %min3A_722 : vector<16xi32>
        %add3A_724 = arith.constant 1 : i32
        %add3A_725 = vector.broadcast %add3A_724 : i32 to vector<16xi32>
        %add3A_726 = arith.addi %add3A_723, %add3A_725 : vector<16xi32>
        %select_n3A_727 = arith.select %eq3A_708, %add3A_726, %add3A_723 : vector<16xi1>, vector<16xi32>
        %broadcast_in_dim3A_728 = arith.constant true
        %broadcast_in_dim3A_729 = vector.broadcast %broadcast_in_dim3A_728 : i1 to vector<16xi1>
        %unique3A_730, %unique3A_731 = tpu.scan_count mask(%broadcast_in_dim3A_729 : vector<16xi1>) value(%select_n3A_727 : vector<16xi32>) : vector<16xi1>, vector<16xi32>
        tpu.vector_store_idx %arg8[%select_n3A_727], %unique3A_731 masked %unique3A_730 {add = true} : memref<19456xi32, #tpu.memory_space<vmem>>[vector<16xi32>], vector<16xi32>, vector<16xi1>
        %mul3A_732 = arith.mulf %exp3A_306, %div3A_355 : vector<16xf32>
        %eq3A_733 = arith.constant 14 : i32
        %eq3A_734 = vector.broadcast %eq3A_733 : i32 to vector<16xi32>
        %eq3A_735 = arith.cmpi eq, %get3A_202, %eq3A_734 : vector<16xi32>
        %sub3A_736 = arith.constant 1.000000e+00 : f32
        %sub3A_737 = vector.broadcast %sub3A_736 : f32 to vector<16xf32>
        %sub3A_738 = arith.subf %sub3A_737, %mul3A_732 : vector<16xf32>
        %select_n3A_739 = arith.select %eq3A_735, %sub3A_738, %mul3A_732 : vector<16xi1>, vector<16xf32>
        %add3A_740 = arith.constant 1.400000e+01 : f32
        %add3A_741 = vector.broadcast %add3A_740 : f32 to vector<16xf32>
        %add3A_742 = arith.addf %select_n3A_739, %add3A_741 : vector<16xf32>
        %mul3A_743 = arith.constant 5.120000e+02 : f32
        %mul3A_744 = vector.broadcast %mul3A_743 : f32 to vector<16xf32>
        %mul3A_745 = arith.mulf %add3A_742, %mul3A_744 : vector<16xf32>
        %convert_element_type3A_746 = arith.fptosi %mul3A_745 : vector<16xf32> to vector<16xi32>
        %min3A_747 = arith.constant 7679 : i32
        %min3A_748 = vector.broadcast %min3A_747 : i32 to vector<16xi32>
        %min3A_749 = arith.minsi %convert_element_type3A_746, %min3A_748 : vector<16xi32>
        %add3A_750 = arith.addi %min3A_749, %min3A_749 : vector<16xi32>
        %add3A_751 = arith.constant 1 : i32
        %add3A_752 = vector.broadcast %add3A_751 : i32 to vector<16xi32>
        %add3A_753 = arith.addi %add3A_750, %add3A_752 : vector<16xi32>
        %select_n3A_754 = arith.select %eq3A_735, %add3A_753, %add3A_750 : vector<16xi1>, vector<16xi32>
        %broadcast_in_dim3A_755 = arith.constant true
        %broadcast_in_dim3A_756 = vector.broadcast %broadcast_in_dim3A_755 : i1 to vector<16xi1>
        %unique3A_757, %unique3A_758 = tpu.scan_count mask(%broadcast_in_dim3A_756 : vector<16xi1>) value(%select_n3A_754 : vector<16xi32>) : vector<16xi1>, vector<16xi32>
        tpu.vector_store_idx %arg7[%select_n3A_754], %unique3A_758 masked %unique3A_757 {add = true} : memref<19456xi32, #tpu.memory_space<vmem>>[vector<16xi32>], vector<16xi32>, vector<16xi1>
        %mul3A_759 = arith.mulf %exp3A_313, %div3A_355 : vector<16xf32>
        %eq3A_760 = arith.constant 15 : i32
        %eq3A_761 = vector.broadcast %eq3A_760 : i32 to vector<16xi32>
        %eq3A_762 = arith.cmpi eq, %get3A_202, %eq3A_761 : vector<16xi32>
        %sub3A_763 = arith.constant 1.000000e+00 : f32
        %sub3A_764 = vector.broadcast %sub3A_763 : f32 to vector<16xf32>
        %sub3A_765 = arith.subf %sub3A_764, %mul3A_759 : vector<16xf32>
        %select_n3A_766 = arith.select %eq3A_762, %sub3A_765, %mul3A_759 : vector<16xi1>, vector<16xf32>
        %add3A_767 = arith.constant 1.500000e+01 : f32
        %add3A_768 = vector.broadcast %add3A_767 : f32 to vector<16xf32>
        %add3A_769 = arith.addf %select_n3A_766, %add3A_768 : vector<16xf32>
        %mul3A_770 = arith.constant 5.120000e+02 : f32
        %mul3A_771 = vector.broadcast %mul3A_770 : f32 to vector<16xf32>
        %mul3A_772 = arith.mulf %add3A_769, %mul3A_771 : vector<16xf32>
        %convert_element_type3A_773 = arith.fptosi %mul3A_772 : vector<16xf32> to vector<16xi32>
        %min3A_774 = arith.constant 8191 : i32
        %min3A_775 = vector.broadcast %min3A_774 : i32 to vector<16xi32>
        %min3A_776 = arith.minsi %convert_element_type3A_773, %min3A_775 : vector<16xi32>
        %add3A_777 = arith.addi %min3A_776, %min3A_776 : vector<16xi32>
        %add3A_778 = arith.constant 1 : i32
        %add3A_779 = vector.broadcast %add3A_778 : i32 to vector<16xi32>
        %add3A_780 = arith.addi %add3A_777, %add3A_779 : vector<16xi32>
        %select_n3A_781 = arith.select %eq3A_762, %add3A_780, %add3A_777 : vector<16xi1>, vector<16xi32>
        %broadcast_in_dim3A_782 = arith.constant true
        %broadcast_in_dim3A_783 = vector.broadcast %broadcast_in_dim3A_782 : i1 to vector<16xi1>
        %unique3A_784, %unique3A_785 = tpu.scan_count mask(%broadcast_in_dim3A_783 : vector<16xi1>) value(%select_n3A_781 : vector<16xi32>) : vector<16xi1>, vector<16xi32>
        tpu.vector_store_idx %arg8[%select_n3A_781], %unique3A_785 masked %unique3A_784 {add = true} : memref<19456xi32, #tpu.memory_space<vmem>>[vector<16xi32>], vector<16xi32>, vector<16xi1>
        %mul3A_786 = arith.mulf %exp3A_320, %div3A_355 : vector<16xf32>
        %eq3A_787 = arith.constant 16 : i32
        %eq3A_788 = vector.broadcast %eq3A_787 : i32 to vector<16xi32>
        %eq3A_789 = arith.cmpi eq, %get3A_202, %eq3A_788 : vector<16xi32>
        %sub3A_790 = arith.constant 1.000000e+00 : f32
        %sub3A_791 = vector.broadcast %sub3A_790 : f32 to vector<16xf32>
        %sub3A_792 = arith.subf %sub3A_791, %mul3A_786 : vector<16xf32>
        %select_n3A_793 = arith.select %eq3A_789, %sub3A_792, %mul3A_786 : vector<16xi1>, vector<16xf32>
        %add3A_794 = arith.constant 1.600000e+01 : f32
        %add3A_795 = vector.broadcast %add3A_794 : f32 to vector<16xf32>
        %add3A_796 = arith.addf %select_n3A_793, %add3A_795 : vector<16xf32>
        %mul3A_797 = arith.constant 5.120000e+02 : f32
        %mul3A_798 = vector.broadcast %mul3A_797 : f32 to vector<16xf32>
        %mul3A_799 = arith.mulf %add3A_796, %mul3A_798 : vector<16xf32>
        %convert_element_type3A_800 = arith.fptosi %mul3A_799 : vector<16xf32> to vector<16xi32>
        %min3A_801 = arith.constant 8703 : i32
        %min3A_802 = vector.broadcast %min3A_801 : i32 to vector<16xi32>
        %min3A_803 = arith.minsi %convert_element_type3A_800, %min3A_802 : vector<16xi32>
        %add3A_804 = arith.addi %min3A_803, %min3A_803 : vector<16xi32>
        %add3A_805 = arith.constant 1 : i32
        %add3A_806 = vector.broadcast %add3A_805 : i32 to vector<16xi32>
        %add3A_807 = arith.addi %add3A_804, %add3A_806 : vector<16xi32>
        %select_n3A_808 = arith.select %eq3A_789, %add3A_807, %add3A_804 : vector<16xi1>, vector<16xi32>
        %broadcast_in_dim3A_809 = arith.constant true
        %broadcast_in_dim3A_810 = vector.broadcast %broadcast_in_dim3A_809 : i1 to vector<16xi1>
        %unique3A_811, %unique3A_812 = tpu.scan_count mask(%broadcast_in_dim3A_810 : vector<16xi1>) value(%select_n3A_808 : vector<16xi32>) : vector<16xi1>, vector<16xi32>
        tpu.vector_store_idx %arg7[%select_n3A_808], %unique3A_812 masked %unique3A_811 {add = true} : memref<19456xi32, #tpu.memory_space<vmem>>[vector<16xi32>], vector<16xi32>, vector<16xi1>
        %mul3A_813 = arith.mulf %exp3A_327, %div3A_355 : vector<16xf32>
        %eq3A_814 = arith.constant 17 : i32
        %eq3A_815 = vector.broadcast %eq3A_814 : i32 to vector<16xi32>
        %eq3A_816 = arith.cmpi eq, %get3A_202, %eq3A_815 : vector<16xi32>
        %sub3A_817 = arith.constant 1.000000e+00 : f32
        %sub3A_818 = vector.broadcast %sub3A_817 : f32 to vector<16xf32>
        %sub3A_819 = arith.subf %sub3A_818, %mul3A_813 : vector<16xf32>
        %select_n3A_820 = arith.select %eq3A_816, %sub3A_819, %mul3A_813 : vector<16xi1>, vector<16xf32>
        %add3A_821 = arith.constant 1.700000e+01 : f32
        %add3A_822 = vector.broadcast %add3A_821 : f32 to vector<16xf32>
        %add3A_823 = arith.addf %select_n3A_820, %add3A_822 : vector<16xf32>
        %mul3A_824 = arith.constant 5.120000e+02 : f32
        %mul3A_825 = vector.broadcast %mul3A_824 : f32 to vector<16xf32>
        %mul3A_826 = arith.mulf %add3A_823, %mul3A_825 : vector<16xf32>
        %convert_element_type3A_827 = arith.fptosi %mul3A_826 : vector<16xf32> to vector<16xi32>
        %min3A_828 = arith.constant 9215 : i32
        %min3A_829 = vector.broadcast %min3A_828 : i32 to vector<16xi32>
        %min3A_830 = arith.minsi %convert_element_type3A_827, %min3A_829 : vector<16xi32>
        %add3A_831 = arith.addi %min3A_830, %min3A_830 : vector<16xi32>
        %add3A_832 = arith.constant 1 : i32
        %add3A_833 = vector.broadcast %add3A_832 : i32 to vector<16xi32>
        %add3A_834 = arith.addi %add3A_831, %add3A_833 : vector<16xi32>
        %select_n3A_835 = arith.select %eq3A_816, %add3A_834, %add3A_831 : vector<16xi1>, vector<16xi32>
        %broadcast_in_dim3A_836 = arith.constant true
        %broadcast_in_dim3A_837 = vector.broadcast %broadcast_in_dim3A_836 : i1 to vector<16xi1>
        %unique3A_838, %unique3A_839 = tpu.scan_count mask(%broadcast_in_dim3A_837 : vector<16xi1>) value(%select_n3A_835 : vector<16xi32>) : vector<16xi1>, vector<16xi32>
        tpu.vector_store_idx %arg8[%select_n3A_835], %unique3A_839 masked %unique3A_838 {add = true} : memref<19456xi32, #tpu.memory_space<vmem>>[vector<16xi32>], vector<16xi32>, vector<16xi1>
        %mul3A_840 = arith.mulf %exp3A_334, %div3A_355 : vector<16xf32>
        %eq3A_841 = arith.constant 18 : i32
        %eq3A_842 = vector.broadcast %eq3A_841 : i32 to vector<16xi32>
        %eq3A_843 = arith.cmpi eq, %get3A_202, %eq3A_842 : vector<16xi32>
        %sub3A_844 = arith.constant 1.000000e+00 : f32
        %sub3A_845 = vector.broadcast %sub3A_844 : f32 to vector<16xf32>
        %sub3A_846 = arith.subf %sub3A_845, %mul3A_840 : vector<16xf32>
        %select_n3A_847 = arith.select %eq3A_843, %sub3A_846, %mul3A_840 : vector<16xi1>, vector<16xf32>
        %add3A_848 = arith.constant 1.800000e+01 : f32
        %add3A_849 = vector.broadcast %add3A_848 : f32 to vector<16xf32>
        %add3A_850 = arith.addf %select_n3A_847, %add3A_849 : vector<16xf32>
        %mul3A_851 = arith.constant 5.120000e+02 : f32
        %mul3A_852 = vector.broadcast %mul3A_851 : f32 to vector<16xf32>
        %mul3A_853 = arith.mulf %add3A_850, %mul3A_852 : vector<16xf32>
        %convert_element_type3A_854 = arith.fptosi %mul3A_853 : vector<16xf32> to vector<16xi32>
        %min3A_855 = arith.constant 9727 : i32
        %min3A_856 = vector.broadcast %min3A_855 : i32 to vector<16xi32>
        %min3A_857 = arith.minsi %convert_element_type3A_854, %min3A_856 : vector<16xi32>
        %add3A_858 = arith.addi %min3A_857, %min3A_857 : vector<16xi32>
        %add3A_859 = arith.constant 1 : i32
        %add3A_860 = vector.broadcast %add3A_859 : i32 to vector<16xi32>
        %add3A_861 = arith.addi %add3A_858, %add3A_860 : vector<16xi32>
        %select_n3A_862 = arith.select %eq3A_843, %add3A_861, %add3A_858 : vector<16xi1>, vector<16xi32>
        %broadcast_in_dim3A_863 = arith.constant true
        %broadcast_in_dim3A_864 = vector.broadcast %broadcast_in_dim3A_863 : i1 to vector<16xi1>
        %unique3A_865, %unique3A_866 = tpu.scan_count mask(%broadcast_in_dim3A_864 : vector<16xi1>) value(%select_n3A_862 : vector<16xi32>) : vector<16xi1>, vector<16xi32>
        tpu.vector_store_idx %arg7[%select_n3A_862], %unique3A_866 masked %unique3A_865 {add = true} : memref<19456xi32, #tpu.memory_space<vmem>>[vector<16xi32>], vector<16xi32>, vector<16xi1>
      }
      %scan3A_189 = arith.constant 128 : i32
      %add3A_190 = arith.constant 2 : i32
      %add3A_191 = arith.addi %add3A_152, %add3A_190 : i32
      %lt3A_192 = arith.constant 16 : i32
      %lt3A_193 = arith.cmpi slt, %add3A_191, %lt3A_192 : i32
      %convert_element_type3A_194 = arith.extui %lt3A_193 : i1 to i32
      %cond3A_195 = arith.constant 0 : i32
      %cond3A_196 = arith.cmpi ne, %convert_element_type3A_194, %cond3A_195 : i32
      scf.if %cond3A_196 {
        %mul3A_197 = arith.constant 2048 : i32
        %mul3A_198 = arith.muli %add3A_191, %mul3A_197 : i32
        %add3A_199 = arith.addi %mul3A_32, %mul3A_198 : i32
        %mul3A_200 = arith.constant 19 : i32
        %mul3A_201 = arith.muli %select_n3A, %mul3A_200 : i32
        %dma_start3A_202 = arith.constant 1 : i32
        %dma_start3A_203 = arith.constant 0 : i32
        %dma_start3A_204 = arith.constant 0 : i32
        %dma_start3A_205 = tpu.memref_slice %arg5[%dma_start3A_202, %dma_start3A_203, %dma_start3A_204] : memref<2x19x2048xf32, #tpu.memory_space<vmem>> -> memref<1x19x2048xf32, #tpu.memory_space<vmem>>
        %dma_start3A_206 = tpu.memref_squeeze %dma_start3A_205 : memref<1x19x2048xf32, #tpu.memory_space<vmem>> -> memref<19x2048xf32, #tpu.memory_space<vmem>>
        %dma_start3A_207 = tpu.memref_slice %arg2[%mul3A_201, %add3A_199] : memref<76x262144xf32, #tpu.memory_space<hbm>> -> memref<19x2048xf32, #tpu.memory_space<hbm>>
        %dma_start3A_208 = arith.constant 0 : i32
        %dma_start3A_209 = arith.constant 0 : i32
        %dma_start3A_210 = tpu.memref_slice %arg5[%dma_start3A_202, %dma_start3A_208, %dma_start3A_209] : memref<2x19x2048xf32, #tpu.memory_space<vmem>> -> memref<1x19x2048xf32, #tpu.memory_space<vmem>>
        %dma_start3A_211 = tpu.memref_squeeze %dma_start3A_210 : memref<1x19x2048xf32, #tpu.memory_space<vmem>> -> memref<19x2048xf32, #tpu.memory_space<vmem>>
        %dma_start3A_212 = tpu.memref_slice %arg2[%mul3A_201, %add3A_199] : memref<76x262144xf32, #tpu.memory_space<hbm>> -> memref<19x2048xf32, #tpu.memory_space<hbm>>
        tpu.enqueue_dma source(%dma_start3A_212 : memref<19x2048xf32, #tpu.memory_space<hbm>>) target(%dma_start3A_211 : memref<19x2048xf32, #tpu.memory_space<vmem>>) target_semaphore(%arg10 : memref<!tpu.dma_semaphore, #tpu.memory_space<semaphore_mem>>)
        %mul3A_213 = arith.constant 262144 : i32
        %mul3A_214 = arith.muli %select_n3A, %mul3A_213 : i32
        %add3A_215 = arith.addi %mul3A_214, %mul3A_32 : i32
        %mul3A_216 = arith.constant 2048 : i32
        %mul3A_217 = arith.muli %add3A_191, %mul3A_216 : i32
        %add3A_218 = arith.addi %add3A_215, %mul3A_217 : i32
        %dma_start3A_219 = arith.constant 1 : i32
        %dma_start3A_220 = arith.constant 0 : i32
        %dma_start3A_221 = tpu.memref_slice %arg6[%dma_start3A_219, %dma_start3A_220] : memref<2x2048xi32, #tpu.memory_space<vmem>> -> memref<1x2048xi32, #tpu.memory_space<vmem>>
        %dma_start3A_222 = tpu.memref_squeeze %dma_start3A_221 : memref<1x2048xi32, #tpu.memory_space<vmem>> -> memref<2048xi32, #tpu.memory_space<vmem>>
        %dma_start3A_223 = tpu.memref_slice %arg3[%add3A_218] : memref<1048576xi32, #tpu.memory_space<hbm>> -> memref<2048xi32, #tpu.memory_space<hbm>>
        %dma_start3A_224 = arith.constant 0 : i32
        %dma_start3A_225 = tpu.memref_slice %arg6[%dma_start3A_219, %dma_start3A_224] : memref<2x2048xi32, #tpu.memory_space<vmem>> -> memref<1x2048xi32, #tpu.memory_space<vmem>>
        %dma_start3A_226 = tpu.memref_squeeze %dma_start3A_225 : memref<1x2048xi32, #tpu.memory_space<vmem>> -> memref<2048xi32, #tpu.memory_space<vmem>>
        %dma_start3A_227 = tpu.memref_slice %arg3[%add3A_218] : memref<1048576xi32, #tpu.memory_space<hbm>> -> memref<2048xi32, #tpu.memory_space<hbm>>
        tpu.enqueue_dma source(%dma_start3A_227 : memref<2048xi32, #tpu.memory_space<hbm>>) target(%dma_start3A_226 : memref<2048xi32, #tpu.memory_space<vmem>>) target_semaphore(%arg10 : memref<!tpu.dma_semaphore, #tpu.memory_space<semaphore_mem>>)
      } else {
      }
    }
    %scan3A_101 = arith.constant 8 : i32
    %run_scoped3A = arith.constant 0 : i32
    "tpu.region"() ({
      %run_scoped3A_103 = tpu.sem_alloc : memref<!tpu.dma_semaphore, #tpu.memory_space<semaphore_mem>>
      %dma_start3A_104 = arith.constant 0 : i32
      %dma_start3A_105 = tpu.memref_slice %arg4[%add3A, %run_scoped3A, %dma_start3A_104] : memref<32x2x19456xi32, #tpu.memory_space<hbm>> -> memref<1x1x19456xi32, #tpu.memory_space<hbm>>
      %dma_start3A_106 = tpu.memref_squeeze %dma_start3A_105 : memref<1x1x19456xi32, #tpu.memory_space<hbm>> -> memref<19456xi32, #tpu.memory_space<hbm>>
      %dma_start3A_107 = arith.constant 0 : i32
      %dma_start3A_108 = tpu.memref_slice %arg4[%add3A, %run_scoped3A, %dma_start3A_107] : memref<32x2x19456xi32, #tpu.memory_space<hbm>> -> memref<1x1x19456xi32, #tpu.memory_space<hbm>>
      %dma_start3A_109 = tpu.memref_squeeze %dma_start3A_108 : memref<1x1x19456xi32, #tpu.memory_space<hbm>> -> memref<19456xi32, #tpu.memory_space<hbm>>
      tpu.enqueue_dma source(%arg7 : memref<19456xi32, #tpu.memory_space<vmem>>) target(%dma_start3A_109 : memref<19456xi32, #tpu.memory_space<hbm>>) target_semaphore(%run_scoped3A_103 : memref<!tpu.dma_semaphore, #tpu.memory_space<semaphore_mem>>)
      %dma_wait3A = arith.constant 0 : i32
      %dma_wait3A_110 = tpu.memref_slice %arg4[%add3A, %run_scoped3A, %dma_wait3A] : memref<32x2x19456xi32, #tpu.memory_space<hbm>> -> memref<1x1x19456xi32, #tpu.memory_space<hbm>>
      %dma_wait3A_111 = tpu.memref_squeeze %dma_wait3A_110 : memref<1x1x19456xi32, #tpu.memory_space<hbm>> -> memref<19456xi32, #tpu.memory_space<hbm>>
      %dma_wait3A_112 = arith.constant 0 : i32
      %dma_wait3A_113 = tpu.memref_slice %arg4[%add3A, %run_scoped3A, %dma_wait3A_112] : memref<32x2x19456xi32, #tpu.memory_space<hbm>> -> memref<1x1x19456xi32, #tpu.memory_space<hbm>>
      %dma_wait3A_114 = tpu.memref_squeeze %dma_wait3A_113 : memref<1x1x19456xi32, #tpu.memory_space<hbm>> -> memref<19456xi32, #tpu.memory_space<hbm>>
      tpu.wait_dma2 semaphore(%run_scoped3A_103 : memref<!tpu.dma_semaphore, #tpu.memory_space<semaphore_mem>>) src(%arg7 : memref<19456xi32, #tpu.memory_space<vmem>>) dst(%dma_wait3A_114 : memref<19456xi32, #tpu.memory_space<hbm>>)
      tpu.yield
    }) : () -> ()
    %run_scoped3A_102 = arith.constant 1 : i32
    "tpu.region"() ({
      %run_scoped3A_103 = tpu.sem_alloc : memref<!tpu.dma_semaphore, #tpu.memory_space<semaphore_mem>>
      %dma_start3A_104 = arith.constant 0 : i32
      %dma_start3A_105 = tpu.memref_slice %arg4[%add3A, %run_scoped3A_102, %dma_start3A_104] : memref<32x2x19456xi32, #tpu.memory_space<hbm>> -> memref<1x1x19456xi32, #tpu.memory_space<hbm>>
      %dma_start3A_106 = tpu.memref_squeeze %dma_start3A_105 : memref<1x1x19456xi32, #tpu.memory_space<hbm>> -> memref<19456xi32, #tpu.memory_space<hbm>>
      %dma_start3A_107 = arith.constant 0 : i32
      %dma_start3A_108 = tpu.memref_slice %arg4[%add3A, %run_scoped3A_102, %dma_start3A_107] : memref<32x2x19456xi32, #tpu.memory_space<hbm>> -> memref<1x1x19456xi32, #tpu.memory_space<hbm>>
      %dma_start3A_109 = tpu.memref_squeeze %dma_start3A_108 : memref<1x1x19456xi32, #tpu.memory_space<hbm>> -> memref<19456xi32, #tpu.memory_space<hbm>>
      tpu.enqueue_dma source(%arg8 : memref<19456xi32, #tpu.memory_space<vmem>>) target(%dma_start3A_109 : memref<19456xi32, #tpu.memory_space<hbm>>) target_semaphore(%run_scoped3A_103 : memref<!tpu.dma_semaphore, #tpu.memory_space<semaphore_mem>>)
      %dma_wait3A = arith.constant 0 : i32
      %dma_wait3A_110 = tpu.memref_slice %arg4[%add3A, %run_scoped3A_102, %dma_wait3A] : memref<32x2x19456xi32, #tpu.memory_space<hbm>> -> memref<1x1x19456xi32, #tpu.memory_space<hbm>>
      %dma_wait3A_111 = tpu.memref_squeeze %dma_wait3A_110 : memref<1x1x19456xi32, #tpu.memory_space<hbm>> -> memref<19456xi32, #tpu.memory_space<hbm>>
      %dma_wait3A_112 = arith.constant 0 : i32
      %dma_wait3A_113 = tpu.memref_slice %arg4[%add3A, %run_scoped3A_102, %dma_wait3A_112] : memref<32x2x19456xi32, #tpu.memory_space<hbm>> -> memref<1x1x19456xi32, #tpu.memory_space<hbm>>
      %dma_wait3A_114 = tpu.memref_squeeze %dma_wait3A_113 : memref<1x1x19456xi32, #tpu.memory_space<hbm>> -> memref<19456xi32, #tpu.memory_space<hbm>>
      tpu.wait_dma2 semaphore(%run_scoped3A_103 : memref<!tpu.dma_semaphore, #tpu.memory_space<semaphore_mem>>) src(%arg8 : memref<19456xi32, #tpu.memory_space<vmem>>) dst(%dma_wait3A_114 : memref<19456xi32, #tpu.memory_space<hbm>>)
      tpu.yield
    }) : () -> ()
    return
  }
}

module attributes {stable_mosaic.version = 14 : i64} {
  func.func @_finalize_body(%arg0: memref<64x19x1024xi32, #tpu.memory_space<vmem>>, %arg1: memref<1x1xf32, #tpu.memory_space<vmem>>) attributes {dimension_semantics = [], scalar_prefetch = 0 : i64, scratch_operands = 0 : i64, tpu.core_type = #tpu.core_type<tc>} {
    %get3A = arith.constant 0 : index
    %get3A_0 = arith.constant 0 : index
    %get3A_1 = arith.constant 0 : index
    %get3A_2 = vector.load %arg0[%get3A, %get3A_0, %get3A_1] : memref<64x19x1024xi32, #tpu.memory_space<vmem>>, vector<64x19x1024xi32>
    %convert_element_type3A = arith.sitofp %get3A_2 : vector<64x19x1024xi32> to vector<64x19x1024xf32>
    %reduce_sum3A = arith.constant dense<0.000000e+00> : vector<19x1024xf32>
    %reduce_sum3A_3 = vector.multi_reduction <add>, %convert_element_type3A, %reduce_sum3A [0] : vector<64x19x1024xf32> to vector<19x1024xf32>
    %iota3A = tpu.iota {dimensions = array<i32: 0>} : vector<1024x1024xi32>
    %iota3A_4 = tpu.iota {dimensions = array<i32: 1>} : vector<1024x1024xi32>
    %lt3A = arith.constant 512 : i32
    %lt3A_5 = vector.broadcast %lt3A : i32 to vector<1024x1024xi32>
    %lt3A_6 = arith.cmpi slt, %iota3A_4, %lt3A_5 : vector<1024x1024xi32>
    %sub3A = arith.constant 512 : i32
    %sub3A_7 = vector.broadcast %sub3A : i32 to vector<1024x1024xi32>
    %sub3A_8 = arith.subi %iota3A_4, %sub3A_7 : vector<1024x1024xi32>
    %select_n3A = arith.select %lt3A_6, %iota3A_4, %sub3A_8 : vector<1024x1024xi1>, vector<1024x1024xi32>
    %add3A = arith.addi %select_n3A, %select_n3A : vector<1024x1024xi32>
    %ge3A = arith.cmpi sge, %iota3A, %add3A : vector<1024x1024xi32>
    %convert_element_type3A_9 = arith.extui %ge3A : vector<1024x1024xi1> to vector<1024x1024xi32>
    %convert_element_type3A_10 = arith.sitofp %convert_element_type3A_9 : vector<1024x1024xi32> to vector<1024x1024xf32>
    %and3A = arith.constant 1 : i32
    %and3A_11 = vector.broadcast %and3A : i32 to vector<1024x1024xi32>
    %and3A_12 = arith.andi %iota3A, %and3A_11 : vector<1024x1024xi32>
    %eq3A = arith.constant 1 : i32
    %eq3A_13 = vector.broadcast %eq3A : i32 to vector<1024x1024xi32>
    %eq3A_14 = arith.cmpi eq, %and3A_12, %eq3A_13 : vector<1024x1024xi32>
    %convert_element_type3A_15 = arith.extui %eq3A_14 : vector<1024x1024xi1> to vector<1024x1024xi32>
    %convert_element_type3A_16 = arith.sitofp %convert_element_type3A_15 : vector<1024x1024xi32> to vector<1024x1024xf32>
    %lt3A_17 = arith.constant 512 : i32
    %lt3A_18 = vector.broadcast %lt3A_17 : i32 to vector<1024x1024xi32>
    %lt3A_19 = arith.cmpi slt, %iota3A_4, %lt3A_18 : vector<1024x1024xi32>
    %convert_element_type3A_20 = arith.extui %lt3A_19 : vector<1024x1024xi1> to vector<1024x1024xi32>
    %convert_element_type3A_21 = arith.sitofp %convert_element_type3A_20 : vector<1024x1024xi32> to vector<1024x1024xf32>
    %sub3A_22 = arith.constant 1.000000e+00 : f32
    %sub3A_23 = vector.broadcast %sub3A_22 : f32 to vector<1024x1024xf32>
    %sub3A_24 = arith.subf %sub3A_23, %convert_element_type3A_21 : vector<1024x1024xf32>
    %mul3A = arith.mulf %sub3A_24, %convert_element_type3A_16 : vector<1024x1024xf32>
    %add3A_25 = arith.addf %convert_element_type3A_21, %mul3A : vector<1024x1024xf32>
    %mul3A_26 = arith.mulf %convert_element_type3A_10, %add3A_25 : vector<1024x1024xf32>
    %dot_general3A = arith.constant dense<0.000000e+00> : vector<19x1024xf32>
    %dot_general3A_27 = tpu.matmul %reduce_sum3A_3, %mul3A_26, %dot_general3A {dimension_numbers = #tpu.dot_dimension_numbers<[1], [0], [0], [1], [0, 0, 1, 1], [], []>, precision = #tpu.contract_precision<fp32>, transpose_lhs_hint = false} : vector<19x1024xf32>, vector<1024x1024xf32>, vector<19x1024xf32> -> vector<19x1024xf32>
    %slice3A = vector.extract_strided_slice %dot_general3A_27 {offsets = [0, 0], sizes = [19, 512], strides = [1, 1]} : vector<19x1024xf32> to vector<19x512xf32>
    %slice3A_28 = vector.extract_strided_slice %dot_general3A_27 {offsets = [0, 512], sizes = [19, 512], strides = [1, 1]} : vector<19x1024xf32> to vector<19x512xf32>
    %broadcast_in_dim3A = arith.constant 0.000000e+00 : f32
    %broadcast_in_dim3A_29 = vector.broadcast %broadcast_in_dim3A : f32 to vector<19x1xf32>
    %slice3A_30 = vector.extract_strided_slice %slice3A {offsets = [0, 1], sizes = [19, 511], strides = [1, 1]} : vector<19x512xf32> to vector<19x511xf32>
    %concatenate3A = tpu.concatenate %slice3A_30, %broadcast_in_dim3A_29 in 1 : vector<19x511xf32>, vector<19x1xf32> -> vector<19x512xf32>
    %slice3A_31 = vector.extract_strided_slice %slice3A_28 {offsets = [0, 1], sizes = [19, 511], strides = [1, 1]} : vector<19x512xf32> to vector<19x511xf32>
    %concatenate3A_32 = tpu.concatenate %slice3A_31, %broadcast_in_dim3A_29 in 1 : vector<19x511xf32>, vector<19x1xf32> -> vector<19x512xf32>
    %slice3A_33 = vector.extract_strided_slice %slice3A_28 {offsets = [0, 0], sizes = [19, 1], strides = [1, 1]} : vector<19x512xf32> to vector<19x1xf32>
    %add3A_34 = vector.broadcast %slice3A_33 : vector<19x1xf32> to vector<19x512xf32>
    %add3A_35 = arith.addf %add3A_34, %slice3A : vector<19x512xf32>
    %sub3A_36 = arith.subf %add3A_35, %slice3A_28 : vector<19x512xf32>
    %gt3A = arith.constant 0.000000e+00 : f32
    %gt3A_37 = vector.broadcast %gt3A : f32 to vector<19x512xf32>
    %gt3A_38 = arith.cmpf ogt, %sub3A_36, %gt3A_37 : vector<19x512xf32>
    %jit3A = arith.constant 1.000000e+00 : f32
    %broadcast_in_dim3A_39 = vector.broadcast %jit3A : f32 to vector<19x512xf32>
    %select_n3A_40 = arith.select %gt3A_38, %sub3A_36, %broadcast_in_dim3A_39 : vector<19x512xi1>, vector<19x512xf32>
    %gt3A_41 = arith.constant 0.000000e+00 : f32
    %gt3A_42 = vector.broadcast %gt3A_41 : f32 to vector<19x512xf32>
    %gt3A_43 = arith.cmpf ogt, %sub3A_36, %gt3A_42 : vector<19x512xf32>
    %sub3A_44 = vector.broadcast %slice3A_33 : vector<19x1xf32> to vector<19x512xf32>
    %sub3A_45 = arith.subf %sub3A_44, %slice3A_28 : vector<19x512xf32>
    %div3A = arith.divf %sub3A_45, %select_n3A_40 : vector<19x512xf32>
    %sub3A_46 = arith.constant 1.000000e+00 : f32
    %sub3A_47 = vector.broadcast %sub3A_46 : f32 to vector<19x512xf32>
    %sub3A_48 = arith.subf %sub3A_47, %div3A : vector<19x512xf32>
    %jit3A_49 = arith.constant 0.000000e+00 : f32
    %broadcast_in_dim3A_50 = vector.broadcast %jit3A_49 : f32 to vector<19x512xf32>
    %select_n3A_51 = arith.select %gt3A_43, %sub3A_48, %broadcast_in_dim3A_50 : vector<19x512xi1>, vector<19x512xf32>
    %add3A_52 = vector.broadcast %slice3A_33 : vector<19x1xf32> to vector<19x512xf32>
    %add3A_53 = arith.addf %add3A_52, %concatenate3A : vector<19x512xf32>
    %sub3A_54 = arith.subf %add3A_53, %concatenate3A_32 : vector<19x512xf32>
    %gt3A_55 = arith.constant 0.000000e+00 : f32
    %gt3A_56 = vector.broadcast %gt3A_55 : f32 to vector<19x512xf32>
    %gt3A_57 = arith.cmpf ogt, %sub3A_54, %gt3A_56 : vector<19x512xf32>
    %jit3A_58 = arith.constant 1.000000e+00 : f32
    %broadcast_in_dim3A_59 = vector.broadcast %jit3A_58 : f32 to vector<19x512xf32>
    %select_n3A_60 = arith.select %gt3A_57, %sub3A_54, %broadcast_in_dim3A_59 : vector<19x512xi1>, vector<19x512xf32>
    %gt3A_61 = arith.constant 0.000000e+00 : f32
    %gt3A_62 = vector.broadcast %gt3A_61 : f32 to vector<19x512xf32>
    %gt3A_63 = arith.cmpf ogt, %sub3A_54, %gt3A_62 : vector<19x512xf32>
    %sub3A_64 = vector.broadcast %slice3A_33 : vector<19x1xf32> to vector<19x512xf32>
    %sub3A_65 = arith.subf %sub3A_64, %concatenate3A_32 : vector<19x512xf32>
    %div3A_66 = arith.divf %sub3A_65, %select_n3A_60 : vector<19x512xf32>
    %sub3A_67 = arith.constant 1.000000e+00 : f32
    %sub3A_68 = vector.broadcast %sub3A_67 : f32 to vector<19x512xf32>
    %sub3A_69 = arith.subf %sub3A_68, %div3A_66 : vector<19x512xf32>
    %jit3A_70 = arith.constant 0.000000e+00 : f32
    %broadcast_in_dim3A_71 = vector.broadcast %jit3A_70 : f32 to vector<19x512xf32>
    %select_n3A_72 = arith.select %gt3A_63, %sub3A_69, %broadcast_in_dim3A_71 : vector<19x512xi1>, vector<19x512xf32>
    %iota3A_73 = tpu.iota {dimensions = array<i32: 1>} : vector<19x512xi32>
    %convert_element_type3A_74 = arith.sitofp %iota3A_73 : vector<19x512xi32> to vector<19x512xf32>
    %add3A_75 = arith.constant 5.000000e-01 : f32
    %add3A_76 = vector.broadcast %add3A_75 : f32 to vector<19x512xf32>
    %add3A_77 = arith.addf %convert_element_type3A_74, %add3A_76 : vector<19x512xf32>
    %mul3A_78 = arith.constant 0.001953125 : f32
    %mul3A_79 = vector.broadcast %mul3A_78 : f32 to vector<19x512xf32>
    %mul3A_80 = arith.mulf %add3A_77, %mul3A_79 : vector<19x512xf32>
    %sub3A_81 = arith.subf %select_n3A_51, %select_n3A_72 : vector<19x512xf32>
    %mul3A_82 = arith.mulf %mul3A_80, %sub3A_81 : vector<19x512xf32>
    %reduce_sum3A_83 = arith.constant dense<0.000000e+00> : vector<19xf32>
    %reduce_sum3A_84 = vector.multi_reduction <add>, %mul3A_82, %reduce_sum3A_83 [1] : vector<19x512xf32> to vector<19xf32>
    %squeeze3A = vector.shape_cast %slice3A_33 : vector<19x1xf32> to vector<19xf32>
    %gt3A_85 = arith.constant 0.000000e+00 : f32
    %gt3A_86 = vector.broadcast %gt3A_85 : f32 to vector<19xf32>
    %gt3A_87 = arith.cmpf ogt, %squeeze3A, %gt3A_86 : vector<19xf32>
    %convert_element_type3A_88 = arith.extui %gt3A_87 : vector<19xi1> to vector<19xi32>
    %convert_element_type3A_89 = arith.sitofp %convert_element_type3A_88 : vector<19xi32> to vector<19xf32>
    %mul3A_90 = arith.mulf %reduce_sum3A_84, %convert_element_type3A_89 : vector<19xf32>
    %reduce_sum3A_91 = vector.shape_cast %mul3A_90 : vector<19xf32> to vector<1x19xf32>
    %reduce_sum3A_92 = arith.constant dense<0.000000e+00> : vector<1xf32>
    %reduce_sum3A_93 = vector.multi_reduction <add>, %reduce_sum3A_91, %reduce_sum3A_92 [1] : vector<1x19xf32> to vector<1xf32>
    %reduce_sum3A_94 = vector.shape_cast %reduce_sum3A_93 : vector<1xf32> to vector<1x1xf32>
    %reduce_sum3A_95 = vector.extract %reduce_sum3A_94[0, 0] : f32 from vector<1x1xf32>
    %reduce_sum3A_96 = vector.shape_cast %convert_element_type3A_89 : vector<19xf32> to vector<1x19xf32>
    %reduce_sum3A_97 = arith.constant dense<0.000000e+00> : vector<1xf32>
    %reduce_sum3A_98 = vector.multi_reduction <add>, %reduce_sum3A_96, %reduce_sum3A_97 [1] : vector<1x19xf32> to vector<1xf32>
    %reduce_sum3A_99 = vector.shape_cast %reduce_sum3A_98 : vector<1xf32> to vector<1x1xf32>
    %reduce_sum3A_100 = vector.extract %reduce_sum3A_99[0, 0] : f32 from vector<1x1xf32>
    %max3A = arith.constant 1.000000e+00 : f32
    %max3A_101 = arith.maximumf %reduce_sum3A_100, %max3A : f32
    %div3A_102 = arith.divf %reduce_sum3A_95, %max3A_101 : f32
    %reshape3A = vector.broadcast %div3A_102 : f32 to vector<1x1xf32>
    %swap3A = arith.constant 0 : index
    %swap3A_103 = arith.constant 0 : index
    %swap3A_104 = vector.load %arg1[%swap3A, %swap3A_103] : memref<1x1xf32, #tpu.memory_space<vmem>>, vector<1x1xf32>
    tpu.vector_store %arg1[%swap3A, %swap3A_103], %reshape3A {strides = array<i32>} : memref<1x1xf32, #tpu.memory_space<vmem>>, vector<1x1xf32>,
    return
  }
}

</mosaic_0001>

<sc_bundles>
// kernel: kernel.4.cloned.1.call-start
scs
__scs_entry_jumppad:
0x0: {  	(pc) =	sbr.rel $0x88, $3  }
0x1: {  	(tag) =	ssettag $0x0;
	lr =	simm.s32 $0x1  }
0x2: {  	[smem:$0x3F9F] =	sst lr;
	_ =	strace $0xD0000000  }
0x3: {  	_ = 	snop  }
0x4: {  	_ = 	snop  }
0x5: {  	_ = 	snop  }
0x6: {  	_ = 	snop  }
0x7: {  	_ = 	snop  }
__scs_overlays_trampoline_lowered:
0x8: {  	[smem:$0x3FAE] =	sst s0  }
0x9: {  	[smem:$0x3FAF] =	sst s1  }
0xa: {  	[smem:$0x3FB0] =	sst s2  }
0xb: {  	[smem:$0x3FB1] =	sst s3  }
0xc: {  	[smem:$0x3FB2] =	sst s4  }
0xd: {  	[smem:$0x3FB3] =	sst s5  }
0xe: {  	[smem:$0x3FB4] =	sst s6  }
0xf: {  	[smem:$0x3FB5] =	sst s7  }
0x10: {  	[smem:$0x3FB6] =	sst s8  }
0x11: {  	[smem:$0x3FB7] =	sst s9;
	s0 =	simm.s32 @!p0 $0x0  }
0x12: {  	s1 =	sld [smem:$0x3F9D];
	s0 =	simm.s32 @p0 $0x1  }
0x13: {  	[smem:$0x3FB8] =	sst s0;
	s0 =	simm.s32 @!p1 $0x0  }
0x14: {  	s2 =	sld [smem:$0x3F9C];
	s0 =	simm.s32 @p1 $0x1  }
0x15: {  	[smem:$0x3FB9] =	sst s0;
	s0 =	simm.s32 @!p2 $0x0  }
0x16: {  	s3 =	sld [smem:$0x3FDB];
	s0 =	simm.s32 @p2 $0x1  }
0x17: {  	s4 =	simm.s32 $0x1BF5;
	[smem:$0x3FBB] =	sst s0  }
0x18: {  	s0 =	sld [smem:$0x3F9E];
	_ =	swait.ge [sflag:s4], $0x0  }
0x19: {  	s7 =	sld [smem:$0x3F9F]  }
0x1a: {  	s8 =	sadd.s32 $0xFFFFE003, lr  }
0x1b: {  	s9 =	sadd.s32 $0xFFFFFEF7, lr;
	s5 =	simm.s32 $0xFFFFFFFF;
	p2 =	slt.u32 s8, $0xFFFFF086  }
0x1c: {  	p1 =	slt.u32 s9, $0xF7A;
	s5 =	simm.s32 @!p2 $0x0  }
0x1d: {  	s5 =	simm.s32 @p1 $0x1;
	p0 =	seq.s32 s7, s2  }
0x1e: {  	s7 =	smul.u32 @!p0 $0xF7A, s2;
	p2 =	seq.s32 @!p0 s5, $0x0  }
0x1f: {  	s9 =	smul.u32 $0xF7A, s1;
	s8 =	simm.s32 @!p0 $0x1BF5;
	p2 =	por !p2, p0  }
0x20: {  	[sflag:s8] =	ssyncset.s32 @!p0 $0xFFFFF086;
	s6 =	sadd.s32 @!p0 s3, s7;
	s7 =	simm.s32 @!p0 $0x108  }
0x21: {  	s3 =	sadd.s32 s3, s9;
	s6 =	sadd.s32 @!p0 $0x88, s6;
	s7 =	simm.s32 @p2 $0x1082  }
0x22: {  	[simem:s7], [sflag:s8] =	dma.local @!p0 [hbm:s6], $0xF7A  }
0x23: {  	s9 =	sor.u32 $0xD0000000, s2;
	s6 =	simm.s32 $0x108;
	_ =	swait.ge @!p0 [sflag:s8], $0x0  }
0x24: {  	s3 =	sadd.s32 $0x88, s3;
	s6 =	simm.s32 @!p1 $0x1082;
	[sflag:s4] =	ssyncset.s32 $0xFFFFF086  }
0x25: {  	[simem:s6], [sflag:s4] =	dma.local [hbm:s3], $0xF7A  }
0x26: {  	[smem:$0x3F9F] =	sst s1;
	(tag) =	ssettag s2;
	_ =	strace s9  }
0x27: {  	s1 =	sld [smem:$0x3FAF]  }
0x28: {  	s2 =	sld [smem:$0x3FB0]  }
0x29: {  	s4 =	sld [smem:$0x3FB2]  }
0x2a: {  	p0 =	seq.s32 s5, $0x0;
	s5 =	sld [smem:$0x3FB3]  }
0x2b: {  	s6 =	sld [smem:$0x3FB4]  }
0x2c: {  	s7 =	sld [smem:$0x3FB5]  }
0x2d: {  	s3 =	simm.s32 $0x108;
	s8 =	sld [smem:$0x3FB6]  }
0x2e: {  	s3 =	simm.s32 @!p0 $0x1082;
	s9 =	sld [smem:$0x3FB7]  }
0x2f: {  	lr =	sadd.s32 s0, s3;
	s0 =	sld [smem:$0x3FAE]  }
0x30: {  	s3 =	sld [smem:$0x3FB1]  }
0x31: {  	[smem:$0x3FBA] =	sst s10  }
0x32: {  	s10 =	sld [smem:$0x3FB8];
	_ =	sdelay $0x3  }
0x33: {  	p0 =	seq.s32 s10, $0x1;
	s10 =	sld [smem:$0x3FBA];
	_ =	sdelay $0x3  }
0x34: {  	[smem:$0x3FBA] =	sst s10  }
0x35: {  	s10 =	sld [smem:$0x3FB9];
	_ =	sdelay $0x3  }
0x36: {  	p1 =	seq.s32 s10, $0x1;
	s10 =	sld [smem:$0x3FBA];
	_ =	sdelay $0x3  }
0x37: {  	[smem:$0x3FBA] =	sst s10  }
0x38: {  	s10 =	sld [smem:$0x3FBB]  }
0x39: {  	_ = 	snop;
	(pc) =	sbr.ind lr, $3  }
0x3a: {  	_ = 	snop  }
0x3b: {  	_ = 	snop  }
0x3c: {  	p2 =	seq.s32 s10, $0x1;
	s10 =	sld [smem:$0x3FBA]  }
0x3d: {  	_ =	shalt  }
0x3e: {  	_ =	shalt  }
0x3f: {  	_ =	shalt  }
0x40: {  	_ =	shalt  }
0x41: {  	_ =	shalt  }
0x42: {  	_ =	shalt  }
0x43: {  	_ =	shalt  }
0x44: {  	_ =	shalt  }
0x45: {  	_ =	shalt  }
0x46: {  	_ =	shalt  }
0x47: {  	_ =	shalt  }
0x48: {  	_ =	shalt  }
0x49: {  	_ =	shalt  }
0x4a: {  	_ =	shalt  }
0x4b: {  	_ =	shalt  }
0x4c: {  	_ =	shalt  }
0x4d: {  	_ =	shalt  }
0x4e: {  	_ =	shalt  }
0x4f: {  	_ =	shalt  }
0x50: {  	_ =	shalt  }
0x51: {  	_ =	shalt  }
0x52: {  	_ =	shalt  }
0x53: {  	_ =	shalt  }
0x54: {  	_ =	shalt  }
0x55: {  	_ =	shalt  }
0x56: {  	_ =	shalt  }
0x57: {  	_ =	shalt  }
0x58: {  	_ =	shalt  }
0x59: {  	_ =	shalt  }
0x5a: {  	_ =	shalt  }
0x5b: {  	_ =	shalt  }
0x5c: {  	_ =	shalt  }
0x5d: {  	_ =	shalt  }
0x5e: {  	_ =	shalt  }
0x5f: {  	_ =	shalt  }
0x60: {  	_ =	shalt  }
0x61: {  	_ =	shalt  }
0x62: {  	_ =	shalt  }
0x63: {  	_ =	shalt  }
0x64: {  	_ =	shalt  }
0x65: {  	_ =	shalt  }
0x66: {  	_ =	shalt  }
0x67: {  	_ =	shalt  }
0x68: {  	_ =	shalt  }
0x69: {  	_ =	shalt  }
0x6a: {  	_ =	shalt  }
0x6b: {  	_ =	shalt  }
0x6c: {  	_ =	shalt  }
0x6d: {  	_ =	shalt  }
0x6e: {  	_ =	shalt  }
0x6f: {  	_ =	shalt  }
0x70: {  	_ =	shalt  }
0x71: {  	_ =	shalt  }
0x72: {  	_ =	shalt  }
0x73: {  	_ =	shalt  }
0x74: {  	_ =	shalt  }
0x75: {  	_ =	shalt  }
0x76: {  	_ =	shalt  }
0x77: {  	_ =	shalt  }
0x78: {  	_ =	shalt  }
0x79: {  	_ =	shalt  }
0x7a: {  	_ =	shalt  }
0x7b: {  	_ =	shalt  }
0x7c: {  	_ =	shalt  }
0x7d: {  	_ =	shalt  }
0x7e: {  	_ =	shalt  }
0x7f: {  	_ =	shalt  }
0x80: {  	_ =	shalt  }
0x81: {  	_ =	shalt  }
0x82: {  	_ =	shalt  }
0x83: {  	_ =	shalt  }
0x84: {  	_ =	shalt  }
0x85: {  	_ =	shalt  }
0x86: {  	_ =	shalt  }
0x87: {  	_ =	shalt  }
.Lfunc_end0:
.L_simem_size_0:
called_computation.1_lowered:
.L_overlay_start_0:
0x88: {  	s2 =	sld [smem:$0x3FD9]  }
0x89: {  	s3 =	sld [smem:$0x3FFE];
	_ =	sdelay $0x1  }
0x8a: {  	s1 =	srdreg.scid  }
0x8b: {  	s0 =	sand.u32 $0x1, s1  }
0x8c: {  	s16 =	sshll.u32 s0, $0xA;
	s2 =	sadd.s32 s3, s2  }
0x8d: {  	s2 =	sadd.s32 s2, s16  }
0x8e: {  	[smem:$0x3FC6] =	sst s2  }
0x8f: {  	_ = 	snop  }
0x90: {  	(tm) =	ssettm $0x1  }
0x91: {  	s17 =	sld [smem:$0x3FFB];
	_ =	sdelay $0x3  }
0x92: {  	_ =	strace s17  }
0x93: {  	s2 =	sld [smem:$0x3FFC];
	_ =	sdelay $0x3  }
0x94: {  	_ =	strace s2  }
0x95: {  	s2 =	sld [smem:$0x3FFD];
	_ =	sdelay $0x3  }
0x96: {  	_ =	strace s2  }
0x97: {  	_ =	strace $0x8FFFFFFF  }
0x98: {  	s18 =	sld [smem:$0x3FDB];
	_ =	sdelay $0x1  }
0x99: {  	s19 =	simm.s32 $_scs_section_size  }
0x9a: {  	s4 =	simm.s32 $_size__tile_overlayer_lowered;
	s5 =	simm.s32 $_tile_overlayer_lowered  }
0x9b: {  	s22 =	simm.s32 $0x1BFF;
	s21 =	sshll.u32 s5, $0x1;
	s2 =	sadd.s32 s19, s18  }
0x9c: {  	s6 =	simm.s32 $0x0;
	s20 =	sshll.u32 s4, $0x1;
	s4 =	sadd.s32 s21, s2  }
0x9d: {  	[timem:s6], [sflag:s22] =	dma.local [hbm:s4], s20  }
0x9e: {  	_ =	swait.ge [sflag:s22], s20  }
0x9f: {  	s3 =	ssub.s32 $0x0, s20;
	[sflag:s22] =	ssyncset.done $0x0  }
0xa0: {  	[sflag:s22] =	ssyncadd.s32 s3;
	_ =	sdelay $0x1  }
0xa1: {  	s23 =	simm.s32 $0x1B8B  }
0xa2: {  	_ =	swait.ge [sflag:s23], $0x1  }
0xa3: {  	[sflag:s23] =	ssyncset.done $0x0  }
0xa4: {  	s25 =	simm.s32 $0x1B8E;
	s24 =	sld [smem:$0x3FFE];
	[sflag:s23] =	ssyncadd.s32 $0xFFFFFFFF  }
0xa5: {  	s26 =	simm.s32 $execute0_lowered;
	[smem:$0x3FD2] =	sst s25  }
0xa6: {  	s4 =	sshll.u32 s26, $0x1;
	_ =	strace $0x80000049;
	[dreg:$0x1] =	wrdreg $0xFFFFFFFF  }
0xa7: {  	s28 =	simm.s32 $_size_execute0_lowered;
	s2 =	sadd.s32 s2, s4;
	[dreg:$0x0] =	wrdreg $0x0  }
0xa8: {  	s4 =	sshll.u32 s28, $0x1;
	[dreg:$0x2] =	wrdreg s2  }
0xa9: {  	[dreg:$0x3] =	wrdreg s4  }
0xaa: {  	[dreg:$0x4] =	wrdreg $0xC0  }
0xab: {  	_ =	task [dreg:s6], $0x5FFFF  }
0xac: {  	[dreg:$0x1] =	wrdreg $0xFFFFFFFF  }
0xad: {  	[dreg:$0x0] =	wrdreg $0x60  }
0xae: {  	[dreg:$0x2] =	wrdreg s24  }
0xaf: {  	[dreg:$0x3] =	wrdreg $0x9  }
0xb0: {  	_ =	task.clear_ibuf [dreg:s6], $0x4FFFF;
	_ =	strace $0x90000049  }
0xb1: {  	s29 =	simm.s32 $0x9;
	_ =	strace $0x8000004B  }
0xb2: {  	_ =	swait.ge [sflag:s29], $0x1  }
0xb3: {  	[sflag:s29] =	ssyncadd.s32 $0xFFFFFFFF  }
0xb4: {  	_ =	strace $0x9000004B  }
0xb5: {  	_ =	sfence  }
0xb6: {  	s30 =	sld [smem:$0x0];
	_ =	sdelay $0x2  }
0xb7: {  	s31 =	sshll.u32 s1, $0xD;
	s1 =	sshrl.u32 s1, $0x2  }
0xb8: {  	s3 =	sand.u32 $0x4000, s31;
	s1 =	sadd.s32 s1, s30  }
0xb9: {  	s0 =	sor.u32 s3, s0;
	s1 =	sshll.u32 s1, $0x11  }
0xba: {  	s0 =	sor.u32 s1, s0  }
0xbb: {  	s0 =	sadd.s32 $0x8F2B, s0  }
0xbc: {  	[sflag:s0] =	ssyncadd.remote.s32 $0x1  }
0xbd: {  	_ =	sfence.sel $0xFFFF  }
0xbe: {  	[dreg:$0x0] =	wrdreg $0xFFFFFFFF;
	(pc) =	sbr.abs _section_cstart, $3  }
0xbf: {  	[dreg:$0x1] =	wrdreg $0xFFFFFFFF  }
0xc0: {  	_ =	task.clear_ibuf [dreg:s6], $0x2FFFF;
	_ =	strace $0x9FFFFFFF  }
0xc1: {  	(tm) =	ssettm $0x7FFFFFFF  }
tec
execute0_lowered:
.L_overlay_start_1:
0x0: {  	(tag) =	ssettag $0x1  }
0x1: {  	s5 =	rddreg [dreg:$0x0]  }
0x2: {  	s3 =	srdreg.scid;
	s1 =	stileid.u32  }
0x3: {  	s2 =	simm.s32 $0x0;
	s14 =	simm.s32 $0x800;
	s15 =	simm.s32 $0x40000  }
0x4: {  	s16 =	simm.s32 $0x13000;
	s17 =	simm.s32 $0x9800;
	s18 =	simm.s32 $0x13800  }
0x5: {  	s19 =	simm.s32 $0x1;
	s20 =	simm.s32 $0x14000;
	s21 =	simm.s32 $0x18C00  }
0x6: {  	s22 =	simm.s32 $0x2;
	s23 =	simm.s32 $0x3;
	s24 =	simm.s32 $0x0  }
0x7: {  	s6 =	sand.u32 $0x1, s3;
	s26 =	sshll.u32 s1, $0x1;
	[smem:$0x7FF] =	sst s2  }
0x8: {  	s8 =	sshrl.u32 s1, $0x2;
	s3 =	sadd.s32 $0xA00, s5;
	s4 =	sor.u32 s6, s26  }
0x9: {  	_ =	strace $0x8000004A;
	s10 =	smul.u32 $0x4C0000, s8;
	s28 =	sshll.u32 s8, $0x12  }
0xa: {  	s29 =	ssub.s32 $0x2, s6;
	s7 =	smul.u32 $0x9800, s4;
	s9 =	sshll.u32 s4, $0xF  }
0xb: {  	s4 =	sadd.s32 $0x260A00, s5;
	s30 =	sshrl.u32 s29, $0x1;
	s9 =	sand.u32 $0x38000, s9  }
.Ltmp0:
0xc: {  	s13 =	ssub.s32 s29, s30;
	s7 =	sshrl.u32 s7, $0x3;
	(pc) =	sbr.rel .LBB2_1-.Ltmp0, $4  }
0xd: {  	s6 =	sor.u32 s28, s9;
	s12 =	sadd.s32 s7, s5;
	s5 =	sor.u32 s10, s9  }
0xe: {  	s13 =	smax.u32 s13, $0x1;
	s31 =	sshrl.u32 s6, $0x3;
	s10 =	sshrl.u32 s5, $0x3  }
0xf: {  	s8 =	sadd.s32 s4, s31;
	s11 =	sadd.s32 $0x280A00, s12;
	s7 =	sadd.s32 s3, s10  }
0x10: {  	v0 =	vimm.s32 $0x0;
	s12 =	sadd.s32 $0x281380, s12;
	s10 =	sadd.s32 $0x100, s8;
	s9 =	sadd.s32 $0x100, s7  }
.LBB2_10:
0x11: {  	[hbm4b:s11+s2] =	stream.linear.scatter [tilespmem:s20], [sflag:$0x3], $0x4C00, $0x38;
	[tilespmem:$0x1D800] =	vst v63  }
0x12: {  	s24 =	sadd.s32 $0x1, s24;
	_ =	swait.ge [sflag:s23], $0x4C00  }
0x13: {  	p0 =	sne.s32 s24, s13;
	[sflag:s23] =	ssyncset.done $0x0  }
.Ltmp1:
0x14: {  	[sflag:s23] =	ssyncadd.s32 $0xFFFFB400;
	(pc) =	sbr.rel @!p0 .LBB2_11-.Ltmp1, $4  }
0x15: {  	[hbm4b:s12+s2] =	stream.linear.scatter [tilespmem:s21], [sflag:$0x3], $0x4C00, $0x38;
	[tilespmem:$0x1D800] =	vst v63  }
0x16: {  	_ =	swait.ge [sflag:s23], $0x4C00  }
0x17: {  	[sflag:s23] =	ssyncset.done $0x0  }
0x18: {  	[sflag:s23] =	ssyncadd.s32 $0xFFFFB400  }
.LBB2_1:
0x19: {  	s25 =	simm.s32 $0x40;
	s26 =	simm.s32 $0x0  }
.LBB2_2:
0x1a: {  	p0 =	sne.s32 s25, $0x12FC0;
	[tilespmem:s26+$0x14000] =	vst v0;
	s28 =	smov.u32 s25;
	s25 =	sadd.s32 $0x40, s25  }
.Ltmp2:
0x1b: {  	[tilespmem:s26+$0x18C00] =	vst v0;
	(pc) =	sbr.rel @p0 .LBB2_2-.Ltmp2, $2  }
0x1c: {  	_ =	sdelay $0x2  }
0x1d: {  	s26 =	sshra.s32 s28, $0x2  }
0x1e: {  	[tilespmem:s26+$0x14000] =	vst v0  }
0x1f: {  	[tilespmem:s26+$0x18C00] =	vst v0;
	s25 =	simm.s32 $0x0  }
0x20: {  	[tilespmem:s25], [sflag:$0x1] =	stream.strided.gather [hbm4b:s7+s14], $0x9800, s15, s14, $0x38;
	[tilespmem:$0x1D800] =	vst v63  }
0x21: {  	_ = 	snop  }
0x22: {  	[tilespmem:s16], [sflag:$0x1] =	stream.linear.gather [hbm4b:s8+s25], $0x800, $0x38;
	[tilespmem:$0x1D800] =	vst v63  }
0x23: {  	_ = 	snop  }
0x24: {  	[tilespmem:s17], [sflag:$0x2] =	stream.strided.gather [hbm4b:s9+s14], $0x9800, s15, s14, $0x38;
	[tilespmem:$0x1D800] =	vst v63  }
0x25: {  	_ = 	snop  }
0x26: {  	[tilespmem:s18], [sflag:$0x2] =	stream.linear.gather [hbm4b:s10+s25], $0x800, $0x38;
	[tilespmem:$0x1D800] =	vst v63  }
.LBB2_4:
0x27: {  	_ =	swait.ge [sflag:s19], $0x9800  }
0x28: {  	[sflag:s19] =	ssyncset.done $0x0  }
0x29: {  	[sflag:s19] =	ssyncadd.s32 $0xFFFF6800  }
0x2a: {  	_ =	swait.ge [sflag:s19], $0x800  }
0x2b: {  	[sflag:s19] =	ssyncset.done $0x0  }
0x2c: {  	s26 =	simm.s32 $0x0;
	[sflag:s19] =	ssyncadd.s32 $0xFFFFF800  }
.LBB2_5:
0x2d: {  	s28 =	sshra.s32 s26, $0x2  }
0x2e: {  	v1 =	vld [tilespmem:s28+$0x0]  }
0x2f: {  	v2 =	vld [tilespmem:s28+$0x800]  }
0x30: {  	v3 =	vld [tilespmem:s28+$0x1000]  }
0x31: {  	v4 =	vld [tilespmem:s28+$0x1800]  }
0x32: {  	v5 =	vld [tilespmem:s28+$0x2000]  }
0x33: {  	v6 =	vld [tilespmem:s28+$0x2800];
	v1 =	vmul.f32 $1.442695020e+00, v1  }
0x34: {  	v7 =	vld [tilespmem:s28+$0x3000];
	v2 =	vmul.f32 $1.442695020e+00, v2  }
0x35: {  	(erf) = vpow2.f32 v1;
	v1 =	vmul.f32 $1.442695020e+00, v3;
	v3 =	vld [tilespmem:s28+$0x3800]  }
0x36: {  	v20 =	vld [tilespmem:s28+$0x4000];
	(erf) = vpow2.f32 v2;
	v2 =	vmul.f32 $1.442695020e+00, v4  }
0x37: {  	v21 =	vld [tilespmem:s28+$0x4800];
	(erf) = vpow2.f32 v1;
	v1 =	vmul.f32 $1.442695020e+00, v5  }
0x38: {  	v22 =	vld [tilespmem:s28+$0x5000];
	(erf) = vpow2.f32 v2;
	v2 =	vmul.f32 $1.442695020e+00, v6  }
0x39: {  	v23 =	vld [tilespmem:s28+$0x5800];
	(erf) = vpow2.f32 v1;
	v1 =	vmul.f32 $1.442695020e+00, v7  }
0x3a: {  	(erf) = vpow2.f32 v2;
	v2 =	vmul.f32 $1.442695020e+00, v3;
	v3 =	vld [tilespmem:s28+$0x6000]  }
0x3b: {  	v24 =	vld [tilespmem:s28+$0x6800];
	(erf) = vpow2.f32 v1;
	v1 =	vmul.f32 $1.442695020e+00, v20  }
0x3c: {  	v25 =	vld [tilespmem:s28+$0x7000];
	(erf) = vpow2.f32 v2;
	v2 =	vmul.f32 $1.442695020e+00, v21  }
0x3d: {  	v26 =	vld [tilespmem:s28+$0x7800];
	(erf) = vpow2.f32 v1;
	v1 =	vmul.f32 $1.442695020e+00, v22  }
0x3e: {  	v8 =	vpop (erf);
	(erf) = vpow2.f32 v2;
	v2 =	vmul.f32 $1.442695020e+00, v23  }
0x3f: {  	v10 =	vpop (erf);
	(erf) = vpow2.f32 v1;
	v1 =	vmul.f32 $1.442695020e+00, v3  }
0x40: {  	v3 =	vld [tilespmem:s28+$0x8000];
	v18 =	vpop (erf);
	(erf) = vpow2.f32 v2;
	v2 =	vmul.f32 $1.442695020e+00, v24  }
0x41: {  	v27 =	vld [tilespmem:s28+$0x8800];
	v19 =	vpop (erf);
	(erf) = vpow2.f32 v1;
	v1 =	vmul.f32 $1.442695020e+00, v25  }
0x42: {  	v20 =	vpop (erf);
	(erf) = vpow2.f32 v2;
	v2 =	vmul.f32 $1.442695020e+00, v26  }
0x43: {  	v28 =	vpop (erf);
	(erf) = vpow2.f32 v1;
	v1 =	vld [tilespmem:s28+$0x9000]  }
0x44: {  	v21 =	vpop (erf);
	(erf) = vpow2.f32 v2  }
0x45: {  	v2 =	vmul.f32 $1.442695020e+00, v3;
	v22 =	vpop (erf)  }
0x46: {  	v3 =	vmul.f32 $1.442695020e+00, v27;
	v23 =	vpop (erf)  }
0x47: {  	(erf) = vpow2.f32 v2;
	v12 =	vpop (erf)  }
0x48: {  	(erf) = vpow2.f32 v3;
	v17 =	vpop (erf);
	v1 =	vmul.f32 $1.442695020e+00, v1  }
0x49: {  	v16 =	vpop (erf)  }
0x4a: {  	v15 =	vpop (erf);
	(erf) = vpow2.f32 v1  }
0x4b: {  	v2 =	vadd.f32 v19, v18;
	v29 =	vadd.f32 v22, v21;
	v13 =	vpop (erf)  }
0x4c: {  	v3 =	vadd.f32 v28, v20;
	v30 =	vadd.f32 v12, v23;
	v14 =	vpop (erf)  }
0x4d: {  	v1 =	vadd.f32 v10, v8;
	v9 =	vadd.f32 v16, v17;
	v11 =	vpop (erf)  }
0x4e: {  	v24 =	vadd.f32 v13, v15;
	v25 =	vadd.f32 v11, v14  }
0x4f: {  	v1 =	vadd.f32 v2, v1;
	v2 =	vadd.f32 v29, v3  }
0x50: {  	v3 =	vadd.f32 v9, v30;
	v7 =	vpop (erf);
	v31 =	vadd.f32 v25, v24  }
0x51: {  	v1 =	vadd.f32 v2, v1;
	v4 =	vpop (erf)  }
0x52: {  	v32 =	vadd.f32 v4, v7;
	v2 =	vadd.f32 v31, v3  }
0x53: {  	v5 =	vpop (erf)  }
0x54: {  	v3 =	vadd.f32 v5, v32;
	v1 =	vadd.f32 v2, v1;
	_ =	sdelay $0x1  }
0x55: {  	v1 =	vadd.f32 v3, v1;
	_ =	sdelay $0x1  }
0x56: {  	(erf) = vrcp.f32 v1  }
0x57: {  	v3 =	vld [tilespmem:s28+$0x13000];
	_ =	sdelay $0x4  }
0x58: {  	vm1 =	veq.s32 v3, $0x0;
	vm2 =	veq.s32 v3, $0x1;
	vm0 =	veq.s32 v3, $0x2  }
0x59: {  	vm15 =	veq.s32 v3, $0x3;
	vm6 =	veq.s32 v3, $0x4;
	vm7 =	veq.s32 v3, $0x5  }
0x5a: {  	vm9 =	veq.s32 v3, $0x6;
	vm12 =	veq.s32 v3, $0x7;
	vm13 =	veq.s32 v3, $0x8  }
0x5b: {  	vm4 =	veq.s32 v3, $0xA;
	v37 =	vsel vm1, $0x1, v0;
	v39 =	vsel vm2, $0x1, v0;
	v9 =	vpop (erf)  }
0x5c: {  	v42 =	vsel vm0, $0x1, v0;
	v44 =	vsel vm15, $0x1, v0;
	v1 =	vmul.f32 v9, v8  }
0x5d: {  	v50 =	vsel vm6, $0x1, v0;
	v33 =	vmul.f32 v9, v10;
	v34 =	vmul.f32 v9, v18  }
0x5e: {  	v57 =	vsel vm7, $0x1, v0;
	v36 =	vmul.f32 v9, v19;
	v38 =	vmul.f32 v9, v20  }
0x5f: {  	v60 =	vsel vm9, $0x1, v0;
	v6 =	vmul.f32 v9, v28;
	v43 =	vmul.f32 v9, v21  }
0x60: {  	v62 =	vsel vm12, $0x1, v0;
	v51 =	vmul.f32 v9, v22;
	v55 =	vmul.f32 v9, v23  }
0x61: {  	v63 =	vsel vm13, $0x1, v0;
	v58 =	vmul.f32 v9, v12;
	v17 =	vmul.f32 v9, v17  }
0x62: {  	v26 =	vmul.f32 v9, v16;
	v2 =	vsub.f32 $1.000000000e+00, v1;
	v1 =	vadd.f32 $0.0e+00, v1  }
0x63: {  	v14 =	vmul.f32 v9, v14;
	v35 =	vsub.f32 $1.000000000e+00, v34;
	v19 =	vsub.f32 $1.000000000e+00, v36  }
0x64: {  	v11 =	vmul.f32 v9, v11;
	v40 =	vsub.f32 $1.000000000e+00, v38;
	v41 =	vsub.f32 $1.000000000e+00, v6  }
0x65: {  	v7 =	vmul.f32 v9, v7;
	v46 =	vsub.f32 $1.000000000e+00, v43;
	v54 =	vsub.f32 $1.000000000e+00, v51  }
0x66: {  	v4 =	vmul.f32 v9, v4;
	v56 =	vsub.f32 $1.000000000e+00, v55;
	v59 =	vsub.f32 $1.000000000e+00, v58  }
0x67: {  	v5 =	vmul.f32 v9, v5;
	v61 =	vsub.f32 $1.000000000e+00, v17;
	v32 =	vsub.f32 $1.000000000e+00, v26  }
0x68: {  	v1 =	vsel vm1, v2, v1;
	v2 =	vsub.f32 $1.000000000e+00, v33;
	v8 =	vsel vm0, v35, v34  }
0x69: {  	v10 =	vsel vm15, v19, v36;
	v18 =	vsel vm6, v40, v38;
	v6 =	vsel vm7, v41, v6  }
0x6a: {  	v19 =	vsel vm9, v46, v43;
	v20 =	vsel vm12, v54, v51;
	v21 =	vsel vm13, v56, v55  }
0x6b: {  	v17 =	vsel vm4, v61, v17;
	v8 =	vadd.f32 $2.000000000e+00, v8;
	v10 =	vadd.f32 $3.000000000e+00, v10  }
0x6c: {  	v1 =	vmul.f32 $5.120000000e+02, v1;
	v18 =	vadd.f32 $4.000000000e+00, v18;
	v6 =	vadd.f32 $5.000000000e+00, v6  }
0x6d: {  	v38 =	vmul.f32 v9, v13;
	v19 =	vadd.f32 $6.000000000e+00, v19;
	v20 =	vadd.f32 $7.000000000e+00, v20  }
0x6e: {  	v2 =	vsel vm2, v2, v33;
	v33 =	vmul.f32 v9, v15;
	v1 =	vtrunc.f32 v1  }
0x6f: {  	v21 =	vadd.f32 $8.000000000e+00, v21;
	v8 =	vmul.f32 $5.120000000e+02, v8;
	v10 =	vmul.f32 $5.120000000e+02, v10  }
0x70: {  	v17 =	vadd.f32 $1.000000000e+01, v17;
	v18 =	vmul.f32 $5.120000000e+02, v18;
	v45 =	vmul.f32 $5.120000000e+02, v6  }
0x71: {  	v2 =	vadd.f32 $1.000000000e+00, v2;
	v52 =	vmul.f32 $5.120000000e+02, v19;
	v20 =	vmul.f32 $5.120000000e+02, v20  }
0x72: {  	vm15 =	veq.s32 v3, $0x9;
	v21 =	vmul.f32 $5.120000000e+02, v21;
	v28 =	vmul.f32 $5.120000000e+02, v17  }
0x73: {  	vm13 =	veq.s32 v3, $0xC;
	v1 =	vcvt.f32.s32 v1;
	v2 =	vmul.f32 $5.120000000e+02, v2  }
0x74: {  	vm7 =	veq.s32 v3, $0xE;
	v8 =	vtrunc.f32 v8;
	v10 =	vtrunc.f32 v10  }
0x75: {  	v51 =	vsub.f32 $1.000000000e+00, v5;
	v18 =	vtrunc.f32 v18;
	v47 =	vtrunc.f32 v45  }
0x76: {  	v34 =	vsel vm15, $0x1, v0;
	v20 =	vtrunc.f32 v20;
	v21 =	vtrunc.f32 v21  }
0x77: {  	v41 =	vsub.f32 $1.000000000e+00, v38;
	v31 =	vtrunc.f32 v28;
	v8 =	vcvt.f32.s32 v8  }
0x78: {  	v36 =	vsub.f32 $1.000000000e+00, v33;
	v10 =	vcvt.f32.s32 v10;
	v18 =	vcvt.f32.s32 v18  }
0x79: {  	v45 =	vsub.f32 $1.000000000e+00, v11;
	v48 =	vcvt.f32.s32 v47;
	v20 =	vcvt.f32.s32 v20  }
0x7a: {  	vm3 =	vlt.s32 v1, $0x1FF;
	v21 =	vcvt.f32.s32 v21;
	v2 =	vtrunc.f32 v2  }
0x7b: {  	v47 =	vsub.f32 $1.000000000e+00, v7;
	v1 =	vnsel vm3, $0x1FF, v1;
	v2 =	vcvt.f32.s32 v2  }
0x7c: {  	v1 =	vshll.u32 v1, $0x1;
	vm5 =	vlt.s32 v8, $0x5FF;
	vm8 =	vlt.s32 v10, $0x7FF  }
0x7d: {  	vm10 =	vlt.s32 v18, $0x9FF;
	vm11 =	vlt.s32 v48, $0xBFF;
	vm9 =	vlt.s32 v21, $0x11FF  }
0x7e: {  	v1 =	vor.u32 v37, v1;
	v8 =	vnsel vm5, $0x5FF, v8;
	v10 =	vnsel vm8, $0x7FF, v10  }
0x7f: {  	v18 =	vnsel vm10, $0x9FF, v18;
	v53 =	vnsel vm11, $0xBFF, v48;
	vm8 =	vlt.s32 v20, $0xFFF  }
0x80: {  	v21 =	vnsel vm9, $0x11FF, v21;
	vm11 =	veq.s32 v3, $0xB;
	v37 =	vsel vm4, $0x1, v0  }
0x81: {  	v48 =	vsel vm7, $0x1, v0;
	vm14 =	vlt.s32 v2, $0x3FF;
	v8 =	vshll.u32 v8, $0x1  }
0x82: {  	v10 =	vshll.u32 v10, $0x1;
	v49 =	vshll.u32 v18, $0x1;
	v19 =	vshll.u32 v53, $0x1  }
0x83: {  	v18 =	vtrunc.f32 v52;
	v20 =	vnsel vm8, $0xFFF, v20;
	v21 =	vshll.u32 v21, $0x1  }
0x84: {  	v43 =	vsel vm11, $0x1, v0;
	v2 =	vnsel vm14, $0x3FF, v2;
	v8 =	vor.u32 v42, v8  }
0x85: {  	v6 =	vor.u32 v44, v10;
	v10 =	vor.u32 v50, v49;
	v18 =	vcvt.f32.s32 v18  }
0x86: {  	v12 =	vor.u32 v57, v19;
	v19 =	vsel vm15, v59, v58;
	v20 =	vshll.u32 v20, $0x1  }
0x87: {  	v30 =	vor.u32 v63, v21;
	v21 =	vsel vm11, v32, v26;
	v42 =	vsub.f32 $1.000000000e+00, v14  }
0x88: {  	v44 =	vsel vm13, $0x1, v0;
	v50 =	vsub.f32 $1.000000000e+00, v4;
	v2 =	vshll.u32 v2, $0x1  }
0x89: {  	v19 =	vadd.f32 $9.000000000e+00, v19;
	v29 =	vor.u32 v62, v20;
	v20 =	vcvt.f32.s32 v31  }
0x8a: {  	v21 =	vadd.f32 $1.100000000e+01, v21;
	v2 =	vor.u32 v39, v2;
	vm14 =	vlt.s32 v18, $0xDFF  }
0x8b: {  	v14 =	vsel vm7, v42, v14;
	v18 =	vnsel vm14, $0xDFF, v18;
	v19 =	vmul.f32 $5.120000000e+02, v19  }
0x8c: {  	vm12 =	vlt.s32 v20, $0x15FF;
	v21 =	vmul.f32 $5.120000000e+02, v21;
	vm14 =	veq.s32 v3, $0xD  }
0x8d: {  	v14 =	vadd.f32 $1.400000000e+01, v14;
	v18 =	vshll.u32 v18, $0x1;
	v35 =	vnsel vm12, $0x15FF, v20  }
0x8e: {  	v20 =	vsel vm13, v36, v33;
	v46 =	vsel vm14, $0x1, v0;
	vm12 =	veq.s32 v3, $0x10  }
0x8f: {  	vm13 =	veq.s32 v3, $0x11;
	v19 =	vtrunc.f32 v19;
	v18 =	vor.u32 v60, v18  }
0x90: {  	v21 =	vtrunc.f32 v21;
	v20 =	vadd.f32 $1.200000000e+01, v20;
	v14 =	vmul.f32 $5.120000000e+02, v14  }
0x91: {  	v7 =	vsel vm12, v47, v7;
	v4 =	vsel vm13, v50, v4;
	v55 =	vsel vm12, $0x1, v0  }
0x92: {  	v58 =	vsel vm13, $0x1, v0;
	v19 =	vcvt.f32.s32 v19;
	v40 =	vcvt.f32.s32 v21  }
0x93: {  	v21 =	vsel vm14, v41, v38;
	v7 =	vadd.f32 $1.600000000e+01, v7;
	vm14 =	veq.s32 v3, $0x12  }
0x94: {  	v4 =	vadd.f32 $1.700000000e+01, v4;
	v20 =	vmul.f32 $5.120000000e+02, v20;
	v21 =	vadd.f32 $1.300000000e+01, v21  }
0x95: {  	v14 =	vtrunc.f32 v14;
	v5 =	vsel vm14, v51, v5;
	vm10 =	vlt.s32 v19, $0x13FF  }
0x96: {  	vm15 =	vlt.s32 v40, $0x17FF;
	v14 =	vcvt.f32.s32 v14;
	v5 =	vadd.f32 $1.800000000e+01, v5  }
0x97: {  	v4 =	vmul.f32 $5.120000000e+02, v4;
	v19 =	vnsel vm10, $0x13FF, v19;
	v20 =	vtrunc.f32 v20  }
0x98: {  	v21 =	vmul.f32 $5.120000000e+02, v21;
	vm10 =	veq.s32 v3, $0xF;
	v3 =	vmul.f32 $5.120000000e+02, v7  }
0x99: {  	(xrf1) =	vunique.msk.u32 $0xffff, v1;
	v19 =	vshll.u32 v19, $0x1;
	v20 =	vcvt.f32.s32 v20;
	vm11 =	vlt.s32 v14, $0x1DFF  }
0x9a: {  	(xrf1) =	vunique.msk.u32 $0xffff, v2;
	v11 =	vsel vm10, v45, v11;
	v5 =	vmul.f32 $5.120000000e+02, v5;
	v54 =	vsel vm10, $0x1, v0  }
0x9b: {  	(xrf1) =	vunique.msk.u32 $0xffff, v8;
	v4 =	vtrunc.f32 v4;
	v15 =	vor.u32 v34, v19;
	v19 =	vshll.u32 v35, $0x1  }
0x9c: {  	(xrf1) =	vunique.msk.u32 $0xffff, v6;
	v21 =	vtrunc.f32 v21;
	v14 =	vnsel vm11, $0x1DFF, v14;
	v11 =	vadd.f32 $1.500000000e+01, v11  }
0x9d: {  	(xrf1) =	vunique.msk.u32 $0xffff, v10;
	v3 =	vtrunc.f32 v3;
	v4 =	vcvt.f32.s32 v4;
	v39 =	vor.u32 v37, v19  }
0x9e: {  	(xrf1) =	vunique.msk.u32 $0xffff, v12;
	v19 =	vnsel vm15, $0x17FF, v40;
	vm8 =	vlt.s32 v20, $0x19FF;
	v21 =	vcvt.f32.s32 v21  }
0x9f: {  	(xrf1) =	vunique.msk.u32 $0xffff, v18;
	v14 =	vshll.u32 v14, $0x1;
	v3 =	vcvt.f32.s32 v3;
	v11 =	vmul.f32 $5.120000000e+02, v11  }
0xa0: {  	(xrf1) =	vunique.msk.u32 $0xffff, v29;
	v5 =	vtrunc.f32 v5;
	v19 =	vshll.u32 v19, $0x1;
	v20 =	vnsel vm8, $0x19FF, v20  }
0xa1: {  	(xrf1) =	vunique.msk.u32 $0xffff, v30;
	v53 =	vor.u32 v48, v14;
	v5 =	vcvt.f32.s32 v5;
	v49 =	vtrunc.f32 v11  }
0xa2: {  	(xrf1) =	vunique.msk.u32 $0xffff, v15;
	v19 =	vor.u32 v43, v19;
	vm9 =	vlt.s32 v21, $0x1BFF;
	v9 =	vcvt.f32.s32 v49  }
0xa3: {  	(xrf1) =	vunique.msk.u32 $0xffff, v39;
	v20 =	vshll.u32 v20, $0x1;
	vm8 =	vlt.s32 v3, $0x21FF;
	v21 =	vnsel vm9, $0x1BFF, v21  }
0xa4: {  	v20 =	vor.u32 v44, v20;
	(xrf1) =	vunique.msk.u32 $0xffff, v19;
	v21 =	vshll.u32 v21, $0x1;
	vm15 =	vlt.s32 v9, $0x1FFF  }
0xa5: {  	v3 =	vnsel vm8, $0x21FF, v3;
	(xrf1) =	vunique.msk.u32 $0xffff, v20;
	v52 =	vor.u32 v46, v21;
	v9 =	vnsel vm15, $0x1FFF, v9  }
0xa6: {  	vm9 =	vlt.s32 v4, $0x23FF;
	vm11 =	vlt.s32 v5, $0x25FF;
	(xrf1) =	vunique.msk.u32 $0xffff, v52;
	v9 =	vshll.u32 v9, $0x1  }
0xa7: {  	_, v56, vm10 =	vpop (xrf1);
	v3 =	vshll.u32 v3, $0x1;
	v4 =	vnsel vm9, $0x23FF, v4;
	(xrf1) =	vunique.msk.u32 $0xffff, v53;
	v9 =	vor.u32 v54, v9  }
0xa8: {  	v5 =	vnsel vm11, $0x25FF, v5;
	v3 =	vor.u32 v55, v3;
	_, v57, vm12 =	vpop (xrf1);
	v4 =	vshll.u32 v4, $0x1;
	(xrf1) =	vunique.msk.u32 $0xffff, v9  }
0xa9: {  	v60 =	vsel vm14, $0x1, v0;
	v5 =	vshll.u32 v5, $0x1;
	_, v59, vm13 =	vpop (xrf1);
	v4 =	vor.u32 v58, v4;
	(xrf1) =	vunique.msk.u32 $0xffff, v3  }
0xaa: {  	v5 =	vor.u32 v60, v5;
	_, v61, vm14 =	vpop (xrf1);
	(xrf1) =	vunique.msk.u32 $0xffff, v4  }
0xab: {  	_, v62, vm15 =	vpop (xrf1);
	(xrf1) =	vunique.msk.u32 $0xffff, v5  }
0xac: {  	_, v63, vm5 =	vpop (xrf1)  }
0xad: {  	[tilespmem:v1+s20+$0x0] =	vst.idx.add.s32.msk vm10, v56;
	_, v1, vm3 =	vpop (xrf1)  }
0xae: {  	[tilespmem:v2+s21+$0x0] =	vst.idx.add.s32.msk vm12, v57;
	_, v2, vm4 =	vpop (xrf1)  }
0xaf: {  	[tilespmem:v8+s20+$0x0] =	vst.idx.add.s32.msk vm13, v59;
	_, v8, vm0 =	vpop (xrf1)  }
0xb0: {  	[tilespmem:v6+s21+$0x0] =	vst.idx.add.s32.msk vm14, v61;
	_, v6, vm1 =	vpop (xrf1)  }
0xb1: {  	[tilespmem:v10+s20+$0x0] =	vst.idx.add.s32.msk vm15, v62;
	_, v10, vm2 =	vpop (xrf1)  }
0xb2: {  	[tilespmem:v12+s21+$0x0] =	vst.idx.add.s32.msk vm5, v63;
	_, v12, vm5 =	vpop (xrf1)  }
0xb3: {  	[tilespmem:v18+s20+$0x0] =	vst.idx.add.s32.msk vm3, v1;
	_, v1, vm3 =	vpop (xrf1)  }
0xb4: {  	[tilespmem:v29+s21+$0x0] =	vst.idx.add.s32.msk vm4, v2;
	_, v2, vm4 =	vpop (xrf1)  }
0xb5: {  	[tilespmem:v30+s20+$0x0] =	vst.idx.add.s32.msk vm0, v8;
	_, v8, vm0 =	vpop (xrf1)  }
0xb6: {  	[tilespmem:v15+s21+$0x0] =	vst.idx.add.s32.msk vm1, v6;
	_, v6, vm1 =	vpop (xrf1)  }
0xb7: {  	[tilespmem:v39+s20+$0x0] =	vst.idx.add.s32.msk vm2, v10;
	_, v10, vm2 =	vpop (xrf1)  }
0xb8: {  	[tilespmem:v19+s21+$0x0] =	vst.idx.add.s32.msk vm5, v12;
	_, v12, vm5 =	vpop (xrf1)  }
0xb9: {  	[tilespmem:v20+s20+$0x0] =	vst.idx.add.s32.msk vm3, v1;
	_, v1, vm3 =	vpop (xrf1)  }
0xba: {  	p0 =	sne.s32 s26, $0x1FC0;
	[tilespmem:v52+s21+$0x0] =	vst.idx.add.s32.msk vm4, v2  }
.Ltmp3:
0xbb: {  	[tilespmem:v53+s20+$0x0] =	vst.idx.add.s32.msk vm0, v8;
	(pc) =	sbr.rel @p0 .LBB2_5-.Ltmp3, $4  }
0xbc: {  	[tilespmem:v9+s21+$0x0] =	vst.idx.add.s32.msk vm1, v6  }
0xbd: {  	[tilespmem:v3+s20+$0x0] =	vst.idx.add.s32.msk vm2, v10  }
0xbe: {  	[tilespmem:v4+s21+$0x0] =	vst.idx.add.s32.msk vm5, v12  }
0xbf: {  	s26 =	sadd.s32 $0x40, s26;
	[tilespmem:v5+s20+$0x0] =	vst.idx.add.s32.msk vm3, v1  }
0xc0: {  	s26 =	sshll.u32 s25, $0xC;
	p0 =	seq.s32 s25, $0x7  }
0xc1: {  	s28 =	sadd.s32 @!p0 $0x1000, s26  }
0xc2: {  	s30 =	simm.s32 @!p0 $0x800;
	s29 =	sadd.s32 @!p0 s28, s5  }
0xc3: {  	s31 =	simm.s32 @!p0 $0x40000;
	s28 =	sadd.s32 @!p0 s6, s28;
	s29 =	sshrl.u32 @!p0 s29, $0x3  }
0xc4: {  	s0 =	simm.s32 @!p0 $0x0;
	s28 =	sshrl.u32 @!p0 s28, $0x3;
	s29 =	sadd.s32 @!p0 s3, s29  }
0xc5: {  	[tilespmem:s0], [sflag:$0x1] =	stream.strided.gather @!p0 [hbm4b:s29+s30], $0x9800, s31, s30, $0x38;
	[tilespmem:$0x1D800] =	vst v63  }
0xc6: {  	s28 =	sadd.s32 @!p0 s4, s28;
	s29 =	simm.s32 @!p0 $0x13000  }
0xc7: {  	[tilespmem:s29], [sflag:$0x1] =	stream.linear.gather @!p0 [hbm4b:s28+s0], $0x800, $0x38;
	[tilespmem:$0x1D800] =	vst v63  }
0xc8: {  	_ =	swait.ge [sflag:s22], $0x9800  }
0xc9: {  	[sflag:s22] =	ssyncset.done $0x0  }
0xca: {  	[sflag:s22] =	ssyncadd.s32 $0xFFFF6800  }
0xcb: {  	_ =	swait.ge [sflag:s22], $0x800  }
0xcc: {  	[sflag:s22] =	ssyncset.done $0x0  }
0xcd: {  	s28 =	simm.s32 $0x0;
	[sflag:s22] =	ssyncadd.s32 $0xFFFFF800  }
.LBB2_7:
0xce: {  	s29 =	sshra.s32 s28, $0x2  }
0xcf: {  	v1 =	vld [tilespmem:s29+$0x9800]  }
0xd0: {  	v2 =	vld [tilespmem:s29+$0xA000]  }
0xd1: {  	v3 =	vld [tilespmem:s29+$0xA800]  }
0xd2: {  	v4 =	vld [tilespmem:s29+$0xB000]  }
0xd3: {  	v5 =	vld [tilespmem:s29+$0xB800]  }
0xd4: {  	v6 =	vld [tilespmem:s29+$0xC000];
	v1 =	vmul.f32 $1.442695020e+00, v1  }
0xd5: {  	v7 =	vld [tilespmem:s29+$0xC800];
	v2 =	vmul.f32 $1.442695020e+00, v2  }
0xd6: {  	(erf) = vpow2.f32 v1;
	v1 =	vmul.f32 $1.442695020e+00, v3;
	v3 =	vld [tilespmem:s29+$0xD000]  }
0xd7: {  	v20 =	vld [tilespmem:s29+$0xD800];
	(erf) = vpow2.f32 v2;
	v2 =	vmul.f32 $1.442695020e+00, v4  }
0xd8: {  	v21 =	vld [tilespmem:s29+$0xE000];
	(erf) = vpow2.f32 v1;
	v1 =	vmul.f32 $1.442695020e+00, v5  }
0xd9: {  	v22 =	vld [tilespmem:s29+$0xE800];
	(erf) = vpow2.f32 v2;
	v2 =	vmul.f32 $1.442695020e+00, v6  }
0xda: {  	v23 =	vld [tilespmem:s29+$0xF000];
	(erf) = vpow2.f32 v1;
	v1 =	vmul.f32 $1.442695020e+00, v7  }
0xdb: {  	(erf) = vpow2.f32 v2;
	v2 =	vmul.f32 $1.442695020e+00, v3;
	v3 =	vld [tilespmem:s29+$0xF800]  }
0xdc: {  	v24 =	vld [tilespmem:s29+$0x10000];
	(erf) = vpow2.f32 v1;
	v1 =	vmul.f32 $1.442695020e+00, v20  }
0xdd: {  	v25 =	vld [tilespmem:s29+$0x10800];
	(erf) = vpow2.f32 v2;
	v2 =	vmul.f32 $1.442695020e+00, v21  }
0xde: {  	v26 =	vld [tilespmem:s29+$0x11000];
	(erf) = vpow2.f32 v1;
	v1 =	vmul.f32 $1.442695020e+00, v22  }
0xdf: {  	v8 =	vpop (erf);
	(erf) = vpow2.f32 v2;
	v2 =	vmul.f32 $1.442695020e+00, v23  }
0xe0: {  	v10 =	vpop (erf);
	(erf) = vpow2.f32 v1;
	v1 =	vmul.f32 $1.442695020e+00, v3  }
0xe1: {  	v3 =	vld [tilespmem:s29+$0x11800];
	v18 =	vpop (erf);
	(erf) = vpow2.f32 v2;
	v2 =	vmul.f32 $1.442695020e+00, v24  }
0xe2: {  	v27 =	vld [tilespmem:s29+$0x12000];
	v19 =	vpop (erf);
	(erf) = vpow2.f32 v1;
	v1 =	vmul.f32 $1.442695020e+00, v25  }
0xe3: {  	v20 =	vpop (erf);
	(erf) = vpow2.f32 v2;
	v2 =	vmul.f32 $1.442695020e+00, v26  }
0xe4: {  	v28 =	vpop (erf);
	(erf) = vpow2.f32 v1;
	v1 =	vld [tilespmem:s29+$0x12800]  }
0xe5: {  	v21 =	vpop (erf);
	(erf) = vpow2.f32 v2  }
0xe6: {  	v2 =	vmul.f32 $1.442695020e+00, v3;
	v22 =	vpop (erf)  }
0xe7: {  	v3 =	vmul.f32 $1.442695020e+00, v27;
	v23 =	vpop (erf)  }
0xe8: {  	(erf) = vpow2.f32 v2;
	v12 =	vpop (erf)  }
0xe9: {  	(erf) = vpow2.f32 v3;
	v17 =	vpop (erf);
	v1 =	vmul.f32 $1.442695020e+00, v1  }
0xea: {  	v16 =	vpop (erf)  }
0xeb: {  	v15 =	vpop (erf);
	(erf) = vpow2.f32 v1  }
0xec: {  	v2 =	vadd.f32 v19, v18;
	v29 =	vadd.f32 v22, v21;
	v13 =	vpop (erf)  }
0xed: {  	v3 =	vadd.f32 v28, v20;
	v30 =	vadd.f32 v12, v23;
	v14 =	vpop (erf)  }
0xee: {  	v1 =	vadd.f32 v10, v8;
	v9 =	vadd.f32 v16, v17;
	v11 =	vpop (erf)  }
0xef: {  	v24 =	vadd.f32 v13, v15;
	v25 =	vadd.f32 v11, v14  }
0xf0: {  	v1 =	vadd.f32 v2, v1;
	v2 =	vadd.f32 v29, v3  }
0xf1: {  	v3 =	vadd.f32 v9, v30;
	v7 =	vpop (erf);
	v31 =	vadd.f32 v25, v24  }
0xf2: {  	v1 =	vadd.f32 v2, v1;
	v4 =	vpop (erf)  }
0xf3: {  	v32 =	vadd.f32 v4, v7;
	v2 =	vadd.f32 v31, v3  }
0xf4: {  	v5 =	vpop (erf)  }
0xf5: {  	v3 =	vadd.f32 v5, v32;
	v1 =	vadd.f32 v2, v1;
	_ =	sdelay $0x1  }
0xf6: {  	v1 =	vadd.f32 v3, v1;
	_ =	sdelay $0x1  }
0xf7: {  	(erf) = vrcp.f32 v1  }
0xf8: {  	v3 =	vld [tilespmem:s29+$0x13800];
	_ =	sdelay $0x4  }
0xf9: {  	vm1 =	veq.s32 v3, $0x0;
	vm2 =	veq.s32 v3, $0x1;
	vm0 =	veq.s32 v3, $0x2  }
0xfa: {  	vm15 =	veq.s32 v3, $0x3;
	vm6 =	veq.s32 v3, $0x4;
	vm7 =	veq.s32 v3, $0x5  }
0xfb: {  	vm9 =	veq.s32 v3, $0x6;
	vm12 =	veq.s32 v3, $0x7;
	vm13 =	veq.s32 v3, $0x8  }
0xfc: {  	vm4 =	veq.s32 v3, $0xA;
	v37 =	vsel vm1, $0x1, v0;
	v39 =	vsel vm2, $0x1, v0;
	v9 =	vpop (erf)  }
0xfd: {  	v42 =	vsel vm0, $0x1, v0;
	v44 =	vsel vm15, $0x1, v0;
	v1 =	vmul.f32 v9, v8  }
0xfe: {  	v50 =	vsel vm6, $0x1, v0;
	v33 =	vmul.f32 v9, v10;
	v34 =	vmul.f32 v9, v18  }
0xff: {  	v57 =	vsel vm7, $0x1, v0;
	v36 =	vmul.f32 v9, v19;
	v38 =	vmul.f32 v9, v20  }
0x100: {  	v60 =	vsel vm9, $0x1, v0;
	v6 =	vmul.f32 v9, v28;
	v43 =	vmul.f32 v9, v21  }
0x101: {  	v62 =	vsel vm12, $0x1, v0;
	v51 =	vmul.f32 v9, v22;
	v55 =	vmul.f32 v9, v23  }
0x102: {  	v63 =	vsel vm13, $0x1, v0;
	v58 =	vmul.f32 v9, v12;
	v17 =	vmul.f32 v9, v17  }
0x103: {  	v26 =	vmul.f32 v9, v16;
	v2 =	vsub.f32 $1.000000000e+00, v1;
	v1 =	vadd.f32 $0.0e+00, v1  }
0x104: {  	v14 =	vmul.f32 v9, v14;
	v35 =	vsub.f32 $1.000000000e+00, v34;
	v19 =	vsub.f32 $1.000000000e+00, v36  }
0x105: {  	v11 =	vmul.f32 v9, v11;
	v40 =	vsub.f32 $1.000000000e+00, v38;
	v41 =	vsub.f32 $1.000000000e+00, v6  }
0x106: {  	v7 =	vmul.f32 v9, v7;
	v46 =	vsub.f32 $1.000000000e+00, v43;
	v54 =	vsub.f32 $1.000000000e+00, v51  }
0x107: {  	v4 =	vmul.f32 v9, v4;
	v56 =	vsub.f32 $1.000000000e+00, v55;
	v59 =	vsub.f32 $1.000000000e+00, v58  }
0x108: {  	v5 =	vmul.f32 v9, v5;
	v61 =	vsub.f32 $1.000000000e+00, v17;
	v32 =	vsub.f32 $1.000000000e+00, v26  }
0x109: {  	v1 =	vsel vm1, v2, v1;
	v2 =	vsub.f32 $1.000000000e+00, v33;
	v8 =	vsel vm0, v35, v34  }
0x10a: {  	v10 =	vsel vm15, v19, v36;
	v18 =	vsel vm6, v40, v38;
	v6 =	vsel vm7, v41, v6  }
0x10b: {  	v19 =	vsel vm9, v46, v43;
	v20 =	vsel vm12, v54, v51;
	v21 =	vsel vm13, v56, v55  }
0x10c: {  	v17 =	vsel vm4, v61, v17;
	v8 =	vadd.f32 $2.000000000e+00, v8;
	v10 =	vadd.f32 $3.000000000e+00, v10  }
0x10d: {  	v1 =	vmul.f32 $5.120000000e+02, v1;
	v18 =	vadd.f32 $4.000000000e+00, v18;
	v6 =	vadd.f32 $5.000000000e+00, v6  }
0x10e: {  	v38 =	vmul.f32 v9, v13;
	v19 =	vadd.f32 $6.000000000e+00, v19;
	v20 =	vadd.f32 $7.000000000e+00, v20  }
0x10f: {  	v2 =	vsel vm2, v2, v33;
	v33 =	vmul.f32 v9, v15;
	v1 =	vtrunc.f32 v1  }
0x110: {  	v21 =	vadd.f32 $8.000000000e+00, v21;
	v8 =	vmul.f32 $5.120000000e+02, v8;
	v10 =	vmul.f32 $5.120000000e+02, v10  }
0x111: {  	v17 =	vadd.f32 $1.000000000e+01, v17;
	v18 =	vmul.f32 $5.120000000e+02, v18;
	v45 =	vmul.f32 $5.120000000e+02, v6  }
0x112: {  	v2 =	vadd.f32 $1.000000000e+00, v2;
	v52 =	vmul.f32 $5.120000000e+02, v19;
	v20 =	vmul.f32 $5.120000000e+02, v20  }
0x113: {  	vm15 =	veq.s32 v3, $0x9;
	v21 =	vmul.f32 $5.120000000e+02, v21;
	v28 =	vmul.f32 $5.120000000e+02, v17  }
0x114: {  	vm13 =	veq.s32 v3, $0xC;
	v1 =	vcvt.f32.s32 v1;
	v2 =	vmul.f32 $5.120000000e+02, v2  }
0x115: {  	vm7 =	veq.s32 v3, $0xE;
	v8 =	vtrunc.f32 v8;
	v10 =	vtrunc.f32 v10  }
0x116: {  	v51 =	vsub.f32 $1.000000000e+00, v5;
	v18 =	vtrunc.f32 v18;
	v47 =	vtrunc.f32 v45  }
0x117: {  	v34 =	vsel vm15, $0x1, v0;
	v20 =	vtrunc.f32 v20;
	v21 =	vtrunc.f32 v21  }
0x118: {  	v41 =	vsub.f32 $1.000000000e+00, v38;
	v31 =	vtrunc.f32 v28;
	v8 =	vcvt.f32.s32 v8  }
0x119: {  	v36 =	vsub.f32 $1.000000000e+00, v33;
	v10 =	vcvt.f32.s32 v10;
	v18 =	vcvt.f32.s32 v18  }
0x11a: {  	v45 =	vsub.f32 $1.000000000e+00, v11;
	v48 =	vcvt.f32.s32 v47;
	v20 =	vcvt.f32.s32 v20  }
0x11b: {  	vm3 =	vlt.s32 v1, $0x1FF;
	v21 =	vcvt.f32.s32 v21;
	v2 =	vtrunc.f32 v2  }
0x11c: {  	v47 =	vsub.f32 $1.000000000e+00, v7;
	v1 =	vnsel vm3, $0x1FF, v1;
	v2 =	vcvt.f32.s32 v2  }
0x11d: {  	v1 =	vshll.u32 v1, $0x1;
	vm5 =	vlt.s32 v8, $0x5FF;
	vm8 =	vlt.s32 v10, $0x7FF  }
0x11e: {  	vm10 =	vlt.s32 v18, $0x9FF;
	vm11 =	vlt.s32 v48, $0xBFF;
	vm9 =	vlt.s32 v21, $0x11FF  }
0x11f: {  	v1 =	vor.u32 v37, v1;
	v8 =	vnsel vm5, $0x5FF, v8;
	v10 =	vnsel vm8, $0x7FF, v10  }
0x120: {  	v18 =	vnsel vm10, $0x9FF, v18;
	v53 =	vnsel vm11, $0xBFF, v48;
	vm8 =	vlt.s32 v20, $0xFFF  }
0x121: {  	v21 =	vnsel vm9, $0x11FF, v21;
	vm11 =	veq.s32 v3, $0xB;
	v37 =	vsel vm4, $0x1, v0  }
0x122: {  	v48 =	vsel vm7, $0x1, v0;
	vm14 =	vlt.s32 v2, $0x3FF;
	v8 =	vshll.u32 v8, $0x1  }
0x123: {  	v10 =	vshll.u32 v10, $0x1;
	v49 =	vshll.u32 v18, $0x1;
	v19 =	vshll.u32 v53, $0x1  }
0x124: {  	v18 =	vtrunc.f32 v52;
	v20 =	vnsel vm8, $0xFFF, v20;
	v21 =	vshll.u32 v21, $0x1  }
0x125: {  	v43 =	vsel vm11, $0x1, v0;
	v2 =	vnsel vm14, $0x3FF, v2;
	v8 =	vor.u32 v42, v8  }
0x126: {  	v6 =	vor.u32 v44, v10;
	v10 =	vor.u32 v50, v49;
	v18 =	vcvt.f32.s32 v18  }
0x127: {  	v12 =	vor.u32 v57, v19;
	v19 =	vsel vm15, v59, v58;
	v20 =	vshll.u32 v20, $0x1  }
0x128: {  	v30 =	vor.u32 v63, v21;
	v21 =	vsel vm11, v32, v26;
	v42 =	vsub.f32 $1.000000000e+00, v14  }
0x129: {  	v44 =	vsel vm13, $0x1, v0;
	v50 =	vsub.f32 $1.000000000e+00, v4;
	v2 =	vshll.u32 v2, $0x1  }
0x12a: {  	v19 =	vadd.f32 $9.000000000e+00, v19;
	v29 =	vor.u32 v62, v20;
	v20 =	vcvt.f32.s32 v31  }
0x12b: {  	v21 =	vadd.f32 $1.100000000e+01, v21;
	v2 =	vor.u32 v39, v2;
	vm14 =	vlt.s32 v18, $0xDFF  }
0x12c: {  	v14 =	vsel vm7, v42, v14;
	v18 =	vnsel vm14, $0xDFF, v18;
	v19 =	vmul.f32 $5.120000000e+02, v19  }
0x12d: {  	vm12 =	vlt.s32 v20, $0x15FF;
	v21 =	vmul.f32 $5.120000000e+02, v21;
	vm14 =	veq.s32 v3, $0xD  }
0x12e: {  	v14 =	vadd.f32 $1.400000000e+01, v14;
	v18 =	vshll.u32 v18, $0x1;
	v35 =	vnsel vm12, $0x15FF, v20  }
0x12f: {  	v20 =	vsel vm13, v36, v33;
	v46 =	vsel vm14, $0x1, v0;
	vm12 =	veq.s32 v3, $0x10  }
0x130: {  	vm13 =	veq.s32 v3, $0x11;
	v19 =	vtrunc.f32 v19;
	v18 =	vor.u32 v60, v18  }
0x131: {  	v21 =	vtrunc.f32 v21;
	v20 =	vadd.f32 $1.200000000e+01, v20;
	v14 =	vmul.f32 $5.120000000e+02, v14  }
0x132: {  	v7 =	vsel vm12, v47, v7;
	v4 =	vsel vm13, v50, v4;
	v55 =	vsel vm12, $0x1, v0  }
0x133: {  	v58 =	vsel vm13, $0x1, v0;
	v19 =	vcvt.f32.s32 v19;
	v40 =	vcvt.f32.s32 v21  }
0x134: {  	v21 =	vsel vm14, v41, v38;
	v7 =	vadd.f32 $1.600000000e+01, v7;
	vm14 =	veq.s32 v3, $0x12  }
0x135: {  	v4 =	vadd.f32 $1.700000000e+01, v4;
	v20 =	vmul.f32 $5.120000000e+02, v20;
	v21 =	vadd.f32 $1.300000000e+01, v21  }
0x136: {  	v14 =	vtrunc.f32 v14;
	v5 =	vsel vm14, v51, v5;
	vm10 =	vlt.s32 v19, $0x13FF  }
0x137: {  	vm15 =	vlt.s32 v40, $0x17FF;
	v14 =	vcvt.f32.s32 v14;
	v5 =	vadd.f32 $1.800000000e+01, v5  }
0x138: {  	v4 =	vmul.f32 $5.120000000e+02, v4;
	v19 =	vnsel vm10, $0x13FF, v19;
	v20 =	vtrunc.f32 v20  }
0x139: {  	v21 =	vmul.f32 $5.120000000e+02, v21;
	vm10 =	veq.s32 v3, $0xF;
	v3 =	vmul.f32 $5.120000000e+02, v7  }
0x13a: {  	(xrf1) =	vunique.msk.u32 $0xffff, v1;
	v19 =	vshll.u32 v19, $0x1;
	v20 =	vcvt.f32.s32 v20;
	vm11 =	vlt.s32 v14, $0x1DFF  }
0x13b: {  	(xrf1) =	vunique.msk.u32 $0xffff, v2;
	v11 =	vsel vm10, v45, v11;
	v5 =	vmul.f32 $5.120000000e+02, v5;
	v54 =	vsel vm10, $0x1, v0  }
0x13c: {  	(xrf1) =	vunique.msk.u32 $0xffff, v8;
	v4 =	vtrunc.f32 v4;
	v15 =	vor.u32 v34, v19;
	v19 =	vshll.u32 v35, $0x1  }
0x13d: {  	(xrf1) =	vunique.msk.u32 $0xffff, v6;
	v21 =	vtrunc.f32 v21;
	v14 =	vnsel vm11, $0x1DFF, v14;
	v11 =	vadd.f32 $1.500000000e+01, v11  }
0x13e: {  	(xrf1) =	vunique.msk.u32 $0xffff, v10;
	v3 =	vtrunc.f32 v3;
	v4 =	vcvt.f32.s32 v4;
	v39 =	vor.u32 v37, v19  }
0x13f: {  	(xrf1) =	vunique.msk.u32 $0xffff, v12;
	v19 =	vnsel vm15, $0x17FF, v40;
	vm8 =	vlt.s32 v20, $0x19FF;
	v21 =	vcvt.f32.s32 v21  }
0x140: {  	(xrf1) =	vunique.msk.u32 $0xffff, v18;
	v14 =	vshll.u32 v14, $0x1;
	v3 =	vcvt.f32.s32 v3;
	v11 =	vmul.f32 $5.120000000e+02, v11  }
0x141: {  	(xrf1) =	vunique.msk.u32 $0xffff, v29;
	v5 =	vtrunc.f32 v5;
	v19 =	vshll.u32 v19, $0x1;
	v20 =	vnsel vm8, $0x19FF, v20  }
0x142: {  	(xrf1) =	vunique.msk.u32 $0xffff, v30;
	v53 =	vor.u32 v48, v14;
	v5 =	vcvt.f32.s32 v5;
	v49 =	vtrunc.f32 v11  }
0x143: {  	(xrf1) =	vunique.msk.u32 $0xffff, v15;
	v19 =	vor.u32 v43, v19;
	vm9 =	vlt.s32 v21, $0x1BFF;
	v9 =	vcvt.f32.s32 v49  }
0x144: {  	(xrf1) =	vunique.msk.u32 $0xffff, v39;
	v20 =	vshll.u32 v20, $0x1;
	vm8 =	vlt.s32 v3, $0x21FF;
	v21 =	vnsel vm9, $0x1BFF, v21  }
0x145: {  	v20 =	vor.u32 v44, v20;
	(xrf1) =	vunique.msk.u32 $0xffff, v19;
	v21 =	vshll.u32 v21, $0x1;
	vm15 =	vlt.s32 v9, $0x1FFF  }
0x146: {  	v3 =	vnsel vm8, $0x21FF, v3;
	(xrf1) =	vunique.msk.u32 $0xffff, v20;
	v52 =	vor.u32 v46, v21;
	v9 =	vnsel vm15, $0x1FFF, v9  }
0x147: {  	vm9 =	vlt.s32 v4, $0x23FF;
	vm11 =	vlt.s32 v5, $0x25FF;
	(xrf1) =	vunique.msk.u32 $0xffff, v52;
	v9 =	vshll.u32 v9, $0x1  }
0x148: {  	_, v56, vm10 =	vpop (xrf1);
	v3 =	vshll.u32 v3, $0x1;
	v4 =	vnsel vm9, $0x23FF, v4;
	(xrf1) =	vunique.msk.u32 $0xffff, v53;
	v9 =	vor.u32 v54, v9  }
0x149: {  	v5 =	vnsel vm11, $0x25FF, v5;
	v3 =	vor.u32 v55, v3;
	_, v57, vm12 =	vpop (xrf1);
	v4 =	vshll.u32 v4, $0x1;
	(xrf1) =	vunique.msk.u32 $0xffff, v9  }
0x14a: {  	v60 =	vsel vm14, $0x1, v0;
	v5 =	vshll.u32 v5, $0x1;
	_, v59, vm13 =	vpop (xrf1);
	v4 =	vor.u32 v58, v4;
	(xrf1) =	vunique.msk.u32 $0xffff, v3  }
0x14b: {  	v5 =	vor.u32 v60, v5;
	_, v61, vm14 =	vpop (xrf1);
	(xrf1) =	vunique.msk.u32 $0xffff, v4  }
0x14c: {  	_, v62, vm15 =	vpop (xrf1);
	(xrf1) =	vunique.msk.u32 $0xffff, v5  }
0x14d: {  	_, v63, vm5 =	vpop (xrf1)  }
0x14e: {  	[tilespmem:v1+s20+$0x0] =	vst.idx.add.s32.msk vm10, v56;
	_, v1, vm3 =	vpop (xrf1)  }
0x14f: {  	[tilespmem:v2+s21+$0x0] =	vst.idx.add.s32.msk vm12, v57;
	_, v2, vm4 =	vpop (xrf1)  }
0x150: {  	[tilespmem:v8+s20+$0x0] =	vst.idx.add.s32.msk vm13, v59;
	_, v8, vm0 =	vpop (xrf1)  }
0x151: {  	[tilespmem:v6+s21+$0x0] =	vst.idx.add.s32.msk vm14, v61;
	_, v6, vm1 =	vpop (xrf1)  }
0x152: {  	[tilespmem:v10+s20+$0x0] =	vst.idx.add.s32.msk vm15, v62;
	_, v10, vm2 =	vpop (xrf1)  }
0x153: {  	[tilespmem:v12+s21+$0x0] =	vst.idx.add.s32.msk vm5, v63;
	_, v12, vm5 =	vpop (xrf1)  }
0x154: {  	[tilespmem:v18+s20+$0x0] =	vst.idx.add.s32.msk vm3, v1;
	_, v1, vm3 =	vpop (xrf1)  }
0x155: {  	[tilespmem:v29+s21+$0x0] =	vst.idx.add.s32.msk vm4, v2;
	_, v2, vm4 =	vpop (xrf1)  }
0x156: {  	[tilespmem:v30+s20+$0x0] =	vst.idx.add.s32.msk vm0, v8;
	_, v8, vm0 =	vpop (xrf1)  }
0x157: {  	[tilespmem:v15+s21+$0x0] =	vst.idx.add.s32.msk vm1, v6;
	_, v6, vm1 =	vpop (xrf1)  }
0x158: {  	[tilespmem:v39+s20+$0x0] =	vst.idx.add.s32.msk vm2, v10;
	_, v10, vm2 =	vpop (xrf1)  }
0x159: {  	[tilespmem:v19+s21+$0x0] =	vst.idx.add.s32.msk vm5, v12;
	_, v12, vm5 =	vpop (xrf1)  }
0x15a: {  	[tilespmem:v20+s20+$0x0] =	vst.idx.add.s32.msk vm3, v1;
	_, v1, vm3 =	vpop (xrf1)  }
0x15b: {  	p1 =	sne.s32 s28, $0x1FC0;
	[tilespmem:v52+s21+$0x0] =	vst.idx.add.s32.msk vm4, v2  }
.Ltmp4:
0x15c: {  	[tilespmem:v53+s20+$0x0] =	vst.idx.add.s32.msk vm0, v8;
	(pc) =	sbr.rel @p1 .LBB2_7-.Ltmp4, $4  }
0x15d: {  	[tilespmem:v9+s21+$0x0] =	vst.idx.add.s32.msk vm1, v6  }
0x15e: {  	[tilespmem:v3+s20+$0x0] =	vst.idx.add.s32.msk vm2, v10  }
0x15f: {  	[tilespmem:v4+s21+$0x0] =	vst.idx.add.s32.msk vm5, v12  }
0x160: {  	s28 =	sadd.s32 $0x40, s28;
	[tilespmem:v5+s20+$0x0] =	vst.idx.add.s32.msk vm3, v1  }
.Ltmp5:
0x161: {  	(pc) =	sbr.rel @p0 .LBB2_10-.Ltmp5, $1  }
0x162: {  	_ =	sdelay $0x3  }
0x163: {  	s0 =	sadd.s32 $0x1800, s26  }
0x164: {  	s26 =	sadd.s32 s0, s5  }
.Ltmp6:
0x165: {  	s0 =	sadd.s32 s6, s0;
	s26 =	sshrl.u32 s26, $0x3;
	(pc) =	sbr.rel .LBB2_4-.Ltmp6, $4  }
0x166: {  	s0 =	sshrl.u32 s0, $0x3;
	s26 =	sadd.s32 s3, s26  }
0x167: {  	[tilespmem:s17], [sflag:$0x2] =	stream.strided.gather [hbm4b:s26+s14], $0x9800, s15, s14, $0x38;
	[tilespmem:$0x1D800] =	vst v63  }
0x168: {  	s25 =	sadd.s32 $0x1, s25;
	s0 =	sadd.s32 s4, s0  }
0x169: {  	[tilespmem:s18], [sflag:$0x2] =	stream.linear.gather [hbm4b:s0+s2], $0x800, $0x38;
	[tilespmem:$0x1D800] =	vst v63  }
.LBB2_11:
0x16a: {  	_ =	sfence.sel $0x180000  }
0x16b: {  	[bflag:$0x0] =	sbarrier.arrive $0xFFFF  }
0x16c: {  	_ =	strace $0x9000004A  }
0x16d: {  	[bflag:$0x2] =	sbarrier.arrive $0xFFFF  }
0x16e: {  	p0 =	sne.s32 s1, $0x0;
	s0 =	rddreg [dreg:$0x1]  }
0x16f: {  	s0 =	sadd.s32 @!p0 $0x100000, s0  }
0x170: {  	[sflag:s0] =	ssyncadd.tile.s32 @!p0 $0x1;
	_ =	shalt  }
.Lfunc_end2:
_tile_overlayer_lowered:
.L_overlay_start_2:
0x171: {  	(tag) =	ssettag $0x2  }
0x172: {  	s0 =	rddreg [dreg:$0x0];
	s2 =	stileid.u32  }
0x173: {  	s1 =	rddreg [dreg:$0x1];
	p0 =	sne.s32 s2, $0x0  }
0x174: {  	s3 =	rddreg [dreg:$0x2];
	[bflag:$0x3] =	sbarrier.arrive $0xFFFF;
	s2 =	simm.s32 @!p0 $0x1C03  }
0x175: {  	[timem:s3], [sflag:s2] =	dma.local @!p0 [hbm:s0], s1  }
0x176: {  	s0 =	simm.s32 @!p0 $0x3  }
0x177: {  	_ =	swait.ge @!p0 [sflag:s0], s1  }
0x178: {  	s1 =	ssub.s32 @!p0 $0x0, s1;
	[sflag:s0] =	ssyncset.done @!p0 $0x0  }
0x179: {  	[sflag:s0] =	ssyncadd.s32 @!p0 s1  }
0x17a: {  	[bflag:$0x3] =	sbarrier.arrive $0xFFFF  }
0x17b: {  	_ =	shalt  }

// kernel: sparse-core-data-format-call.cloned.1.call-start
scs
called_computation_lowered:
.L_overlay_start_0:
0x0: {  	s2 =	sld [smem:$0x3FD9]  }
0x1: {  	s3 =	sld [smem:$0x3FFE];
	_ =	sdelay $0x1  }
0x2: {  	s1 =	srdreg.scid  }
0x3: {  	s0 =	sand.u32 $0x1, s1  }
0x4: {  	s18 =	sshll.u32 s0, $0xA;
	s2 =	sadd.s32 s3, s2  }
0x5: {  	s2 =	sadd.s32 s2, s18  }
0x6: {  	[smem:$0x3FC6] =	sst s2  }
0x7: {  	_ = 	snop  }
0x8: {  	s2 =	sld [smem:$0x3FC9];
	(tm) =	ssettm $0x1  }
0x9: {  	s19 =	sld [smem:$0x3FFB];
	_ =	sdelay $0x3  }
0xa: {  	_ =	strace s19  }
0xb: {  	s3 =	sld [smem:$0x3FFC];
	_ =	sdelay $0x3  }
0xc: {  	_ =	strace s3  }
0xd: {  	s3 =	sld [smem:$0x3FFD];
	_ =	sdelay $0x3  }
0xe: {  	_ =	strace s3  }
0xf: {  	_ =	strace $0x8FFFFFFF  }
0x10: {  	s20 =	sld [smem:$0x3FDB];
	_ =	sdelay $0x1  }
0x11: {  	s4 =	simm.s32 $_scs_section_size  }
0x12: {  	s5 =	simm.s32 $_size__tile_overlayer_lowered;
	s6 =	simm.s32 $_tile_overlayer_lowered  }
0x13: {  	s23 =	simm.s32 $0x1BFF;
	s22 =	sshll.u32 s6, $0x1;
	s3 =	sadd.s32 s4, s20  }
0x14: {  	s7 =	simm.s32 $0x0;
	s21 =	sshll.u32 s5, $0x1;
	s5 =	sadd.s32 s22, s3  }
0x15: {  	[timem:s7], [sflag:s23] =	dma.local [hbm:s5], s21  }
0x16: {  	_ =	swait.ge [sflag:s23], s21  }
0x17: {  	s4 =	ssub.s32 $0x0, s21;
	[sflag:s23] =	ssyncset.done $0x0  }
0x18: {  	[sflag:s23] =	ssyncadd.s32 s4;
	_ =	sdelay $0x1  }
0x19: {  	s24 =	simm.s32 $0x1B8B  }
0x1a: {  	_ =	swait.ge [sflag:s24], $0x1  }
0x1b: {  	[sflag:s24] =	ssyncset.done $0x0  }
0x1c: {  	s26 =	simm.s32 $0x1B8E;
	s25 =	sld [smem:$0x3FFE];
	[sflag:s24] =	ssyncadd.s32 $0xFFFFFFFF  }
0x1d: {  	s27 =	simm.s32 $execute0_lowered;
	[smem:$0x3FD2] =	sst s26  }
0x1e: {  	s5 =	sshll.u32 s27, $0x1;
	_ =	strace $0x80000046;
	[dreg:$0x1] =	wrdreg $0xFFFFFFFF  }
0x1f: {  	s28 =	simm.s32 $_size_execute0_lowered;
	s3 =	sadd.s32 s3, s5;
	[dreg:$0x0] =	wrdreg $0x0  }
0x20: {  	s5 =	sshll.u32 s28, $0x1;
	[dreg:$0x2] =	wrdreg s3  }
0x21: {  	[dreg:$0x3] =	wrdreg s5  }
0x22: {  	[dreg:$0x4] =	wrdreg $0xC0  }
0x23: {  	_ =	task [dreg:s7], $0x5FFFF  }
0x24: {  	[dreg:$0x1] =	wrdreg $0xFFFFFFFF  }
0x25: {  	[dreg:$0x0] =	wrdreg $0x60  }
0x26: {  	[dreg:$0x2] =	wrdreg s2  }
0x27: {  	[dreg:$0x3] =	wrdreg s25  }
0x28: {  	[dreg:$0x4] =	wrdreg $0x9  }
0x29: {  	_ =	task.clear_ibuf [dreg:s7], $0x5FFFF;
	_ =	strace $0x90000046  }
0x2a: {  	s29 =	simm.s32 $0x9;
	_ =	strace $0x80000048  }
0x2b: {  	_ =	swait.ge [sflag:s29], $0x1  }
0x2c: {  	[sflag:s29] =	ssyncadd.s32 $0xFFFFFFFF  }
0x2d: {  	_ =	strace $0x90000048  }
0x2e: {  	_ =	sfence  }
0x2f: {  	s30 =	sld [smem:$0x0];
	_ =	sdelay $0x2  }
0x30: {  	s31 =	sshll.u32 s1, $0xD;
	s1 =	sshrl.u32 s1, $0x2  }
0x31: {  	s3 =	sand.u32 $0x4000, s31;
	s1 =	sadd.s32 s1, s30  }
0x32: {  	s0 =	sor.u32 s3, s0;
	s1 =	sshll.u32 s1, $0x11  }
0x33: {  	s0 =	sor.u32 s1, s0  }
0x34: {  	s0 =	sadd.s32 $0x8F2B, s0  }
0x35: {  	[sflag:s0] =	ssyncadd.remote.s32 $0x1  }
0x36: {  	_ =	sfence.sel $0xFFFF  }
0x37: {  	[dreg:$0x0] =	wrdreg $0xFFFFFFFF;
	(pc) =	sbr.abs _section_cstart, $3  }
0x38: {  	[dreg:$0x1] =	wrdreg $0xFFFFFFFF  }
0x39: {  	_ =	task.clear_ibuf [dreg:s7], $0x2FFFF;
	_ =	strace $0x9FFFFFFF  }
0x3a: {  	(tm) =	ssettm $0x7FFFFFFF  }
0x3b: {  	_ =	shalt  }
tec
execute0_lowered:
.L_overlay_start_1:
0x0: {  	(tag) =	ssettag $0x1  }
0x1: {  	s0 =	srdreg.scid  }
0x2: {  	s1 =	sshll.u32 s0, $0x4  }
0x3: {  	s2 =	rddreg [dreg:$0x0];
	s0 =	stileid.u32;
	s1 =	sand.u32 $0x10, s1  }
0x4: {  	s4 =	rddreg [dreg:$0x1];
	s7 =	simm.s32 $0x1;
	s1 =	sor.u32 s0, s1  }
0x5: {  	s8 =	simm.s32 $0x2;
	s9 =	simm.s32 $0x0;
	s3 =	sshll.u32 s1, $0x2  }
0x6: {  	s12 =	simm.s32 $0x0;
	s11 =	simm.s32 $0x0;
	s6 =	ssub.s32 $0x1300, s3  }
.Ltmp0:
0x7: {  	s4 =	sadd.s32 $0xA00, s4;
	s5 =	sand.u32 $0x7C, s6;
	(pc) =	sbr.rel .LBB1_1-.Ltmp0, $4  }
0x8: {  	s1 =	rddreg [dreg:$0x2];
	_ =	strace $0x80000047;
	p0 =	sne.s32 s5, $0x0  }
0x9: {  	s6 =	sshrl.u32 s6, $0x7;
	s5 =	simm.s32 $0x1;
	s7 =	simm.s32 @!p0 $0x0  }
0xa: {  	s10 =	smov.u32 s3;
	[sflag:s5] =	ssyncpa.u1 $0x0;
	s6 =	sadd.s32 s7, s6  }
0xb: {  	[sflag:s8] =	ssyncpa.u1 $0x0;
	s8 =	simm.s32 $0x0;
	s7 =	sadd.s32 $0x1, s6  }
.LBB1_9:
0xc: {  	s14 =	sadd.s32 $0x80, s10  }
0xd: {  	p1 =	sgt.s32 s14, $0x12FF  }
0xe: {  	s14 =	smov.u32 @p1 s3;
	p1 =	sne.s32 s11, s7  }
.Ltmp1:
0xf: {  	p0 =	slt.u32 s11, $0x2;
	(pc) =	sbr.rel @!p1 .LBB1_10-.Ltmp1, $4  }
0x10: {  	s13 =	simm.s32 @!p0 $0x2  }
0x11: {  	s15 =	sadd.s32 $0x1, s11;
	_ =	swait.ge @!p0 [sflag:s13], $0x4000  }
0x12: {  	s12 =	smov.u32 s10;
	s9 =	sadd.s32 $0x4000, s9;
	[sflag:s13] =	ssyncset.done @!p0 $0x0  }
0x13: {  	s11 =	smov.u32 s15;
	s10 =	smov.u32 s14;
	[sflag:s13] =	ssyncadd.s32 @!p0 $0xFFFFC000  }
.LBB1_1:
0x14: {  	p0 =	sge.u32 s11, s6  }
0x15: {  	s13 =	sxor.u32 @!p0 $0xFFFFFFFF, s11  }
0x16: {  	s31 =	sadd.s32 $0xFFFFFFFF, s11;
	s14 =	sshll.u32 @!p0 s10, $0x9;
	s13 =	sshll.u32 @!p0 s13, $0xE  }
0x17: {  	s15 =	simm.s32 @!p0 $0x0;
	s14 =	sadd.s32 @!p0 s2, s14;
	s13 =	sand.u32 @!p0 $0x4000, s13  }
0x18: {  	[tilespmem:s13], [sflag:$0x1] =	stream.linear.gather @!p0 [hbm4b:s14+s15], $0x4000, $0x38;
	[tilespmem:$0x10000] =	vst v63  }
0x19: {  	p0 =	sge.u32 s31, s6  }
.Ltmp2:
0x1a: {  	_ = 	snop;
	(pc) =	sbr.rel @p0 .LBB1_9-.Ltmp2, $1  }
0x1b: {  	_ =	sdelay $0x3  }
0x1c: {  	s14 =	sand.u32 $0x4000, s9  }
0x1d: {  	_ =	swait.ge [sflag:s5], $0x4000;
	s15 =	sshll.u32 s11, $0xE;
	s16 =	simm.s32 $0x0  }
0x1e: {  	s13 =	sor.u32 $0x40, s14;
	[sflag:s5] =	ssyncset.done $0x0;
	s15 =	sand.u32 $0x4000, s15  }
0x1f: {  	s14 =	sor.u32 $0x8040, s14;
	[sflag:s5] =	ssyncadd.s32 $0xFFFFC000;
	s15 =	sor.u32 $0x8000, s15  }
.LBB1_3:
0x20: {  	s17 =	smov.u32 s14;
	s18 =	smov.u32 s13;
	s19 =	simm.s32 $0x0  }
.LBB1_4:
0x21: {  	v0 =	vmov s17;
	v2 =	vld [tilespmem:s18+$0x30]  }
0x22: {  	v4 =	vld [tilespmem:s18+$0xFFFFFFD0]  }
0x23: {  	v6 =	vld [tilespmem:s18+$0xFFFFFFE0]  }
0x24: {  	v7 =	vld [tilespmem:s18+$0xFFFFFFF0]  }
0x25: {  	s20 =	simm.s32 $0x0;
	v1 =	vld [tilespmem:s18+$0x0]  }
0x26: {  	v3 =	vld [tilespmem:s18+$0x10];
	[tilespmem:v0+s20+$0x30 ss:$0x1] =	vst.idx.msk $0xffff, v2  }
0x27: {  	v5 =	vld [tilespmem:s18+$0x20];
	[tilespmem:v0+s20+$0xFFFFFFD0 ss:$0x1] =	vst.idx.msk $0xffff, v4  }
0x28: {  	s21 =	sadd.s32 $0x80, s18;
	v2 =	vld [tilespmem:s18+$0xFFFFFFC0];
	[tilespmem:v0+s20+$0xFFFFFFE0 ss:$0x1] =	vst.idx.msk $0xffff, v6  }
0x29: {  	s22 =	simm.s32 $0x800;
	s23 =	simm.s32 $0x1000;
	v4 =	vld [tilespmem:s21+$0x30];
	[tilespmem:v0+s20+$0xFFFFFFF0 ss:$0x1] =	vst.idx.msk $0xffff, v7  }
.LBB1_5:
0x2a: {  	p0 =	sne.s32 s23, $0x3800;
	v6 =	vld [tilespmem:s21+$0xFFFFFFD0];
	[tilespmem:v0+s20+$0x0 ss:$0x1] =	vst.idx.msk $0xffff, v1  }
0x2b: {  	v7 =	vld [tilespmem:s21+$0xFFFFFFE0];
	[tilespmem:v0+s20+$0x10 ss:$0x1] =	vst.idx.msk $0xffff, v3  }
0x2c: {  	v8 =	vld [tilespmem:s21+$0xFFFFFFF0];
	[tilespmem:v0+s20+$0x20 ss:$0x1] =	vst.idx.msk $0xffff, v5  }
.Ltmp3:
0x2d: {  	v1 =	vld [tilespmem:s21+$0x0];
	[tilespmem:v0+s20+$0xFFFFFFC0 ss:$0x1] =	vst.idx.msk $0xffff, v2;
	s20 =	sshra.s32 s22, $0x2;
	s22 =	smov.u32 s23;
	(pc) =	sbr.rel @p0 .LBB1_5-.Ltmp3, $4  }
0x2e: {  	v3 =	vld [tilespmem:s21+$0x10];
	[tilespmem:v0+s20+$0x30 ss:$0x1] =	vst.idx.msk $0xffff, v4  }
0x2f: {  	[tilespmem:v0+s20+$0xFFFFFFD0 ss:$0x1] =	vst.idx.msk $0xffff, v6;
	v5 =	vld [tilespmem:s21+$0x20]  }
0x30: {  	v2 =	vld [tilespmem:s21+$0xFFFFFFC0];
	[tilespmem:v0+s20+$0xFFFFFFE0 ss:$0x1] =	vst.idx.msk $0xffff, v7;
	s21 =	sadd.s32 $0x80, s21  }
0x31: {  	s23 =	sadd.s32 $0x800, s23;
	v4 =	vld [tilespmem:s21+$0x30];
	[tilespmem:v0+s20+$0xFFFFFFF0 ss:$0x1] =	vst.idx.msk $0xffff, v8  }
0x32: {  	_ =	sdelay $0x3  }
0x33: {  	v6 =	vld [tilespmem:s21+$0xFFFFFFD0];
	[tilespmem:v0+s20+$0x0 ss:$0x1] =	vst.idx.msk $0xffff, v1  }
0x34: {  	v58 =	vld [tilespmem:s21+$0xFFFFFFE0];
	[tilespmem:v0+s20+$0x10 ss:$0x1] =	vst.idx.msk $0xffff, v3  }
0x35: {  	v59 =	vld [tilespmem:s21+$0xFFFFFFF0];
	[tilespmem:v0+s20+$0x20 ss:$0x1] =	vst.idx.msk $0xffff, v5  }
0x36: {  	s22 =	sshra.s32 s22, $0x2;
	v60 =	vld [tilespmem:s21+$0x0];
	[tilespmem:v0+s20+$0xFFFFFFC0 ss:$0x1] =	vst.idx.msk $0xffff, v2  }
0x37: {  	v61 =	vld [tilespmem:s21+$0x10];
	[tilespmem:v0+s22+$0x30 ss:$0x1] =	vst.idx.msk $0xffff, v4  }
0x38: {  	v62 =	vld [tilespmem:s21+$0x20];
	s19 =	sadd.s32 $0x1, s19;
	[tilespmem:v0+s22+$0xFFFFFFD0 ss:$0x1] =	vst.idx.msk $0xffff, v6  }
0x39: {  	v63 =	vld [tilespmem:s21+$0xFFFFFFC0];
	p0 =	sne.s32 s19, $0x4;
	[tilespmem:v0+s22+$0xFFFFFFE0 ss:$0x1] =	vst.idx.msk $0xffff, v58  }
.Ltmp4:
0x3a: {  	[tilespmem:v0+s22+$0xFFFFFFF0 ss:$0x1] =	vst.idx.msk $0xffff, v59;
	(pc) =	sbr.rel @p0 .LBB1_4-.Ltmp4, $4  }
0x3b: {  	[tilespmem:v0+s22+$0x0 ss:$0x1] =	vst.idx.msk $0xffff, v60  }
0x3c: {  	[tilespmem:v0+s22+$0x10 ss:$0x1] =	vst.idx.msk $0xffff, v61  }
0x3d: {  	[tilespmem:v0+s22+$0x20 ss:$0x1] =	vst.idx.msk $0xffff, v62  }
0x3e: {  	s18 =	sadd.s32 $0x400, s18;
	s17 =	sadd.s32 $0x80, s17;
	[tilespmem:v0+s22+$0xFFFFFFC0 ss:$0x1] =	vst.idx.msk $0xffff, v63  }
0x3f: {  	s16 =	sadd.s32 $0x1, s16  }
0x40: {  	p0 =	sne.s32 s16, $0x4  }
.Ltmp5:
0x41: {  	_ = 	snop;
	(pc) =	sbr.rel @p0 .LBB1_3-.Ltmp5, $2  }
0x42: {  	_ =	sdelay $0x2  }
0x43: {  	s13 =	sadd.s32 $0x1000, s13;
	s14 =	sadd.s32 $0x1000, s14  }
.Ltmp6:
0x44: {  	(pc) =	sbr.rel .LBB1_9-.Ltmp6, $4  }
0x45: {  	_ = 	snop  }
0x46: {  	s12 =	sshll.u32 s12, $0x9  }
0x47: {  	s12 =	sadd.s32 s4, s12  }
0x48: {  	[hbm4b:s12+s8] =	stream.linear.scatter [tilespmem:s15], [sflag:$0x2], $0x4000, $0x38;
	[tilespmem:$0x10000] =	vst v63  }
.LBB1_10:
0x49: {  	_ =	sfence.sel $0x180000  }
0x4a: {  	s2 =	simm.s32 $0x1;
	[bflag:$0x0] =	sbarrier.arrive $0xFFFF  }
0x4b: {  	s31 =	simm.s32 $0x2;
	[sflag:s2] =	ssyncpa.u1 $0x1  }
0x4c: {  	[sflag:s31] =	ssyncpa.u1 $0x1  }
0x4d: {  	p0 =	sne.s32 s0, $0x0;
	_ =	strace $0x90000047  }
0x4e: {  	s0 =	sadd.s32 @!p0 $0x100000, s1;
	[bflag:$0x2] =	sbarrier.arrive $0xFFFF  }
0x4f: {  	[sflag:s0] =	ssyncadd.tile.s32 @!p0 $0x1;
	_ =	shalt  }
.Lfunc_end1:
_tile_overlayer_lowered:
.L_overlay_start_2:
0x50: {  	(tag) =	ssettag $0x2  }
0x51: {  	s0 =	rddreg [dreg:$0x0];
	s2 =	stileid.u32  }
0x52: {  	s1 =	rddreg [dreg:$0x1];
	p0 =	sne.s32 s2, $0x0  }
0x53: {  	s3 =	rddreg [dreg:$0x2];
	[bflag:$0x3] =	sbarrier.arrive $0xFFFF;
	s2 =	simm.s32 @!p0 $0x1C01  }
0x54: {  	[timem:s3], [sflag:s2] =	dma.local @!p0 [hbm:s0], s1  }
0x55: {  	s0 =	simm.s32 @!p0 $0x1  }
0x56: {  	_ =	swait.ge @!p0 [sflag:s0], s1  }
0x57: {  	s1 =	ssub.s32 @!p0 $0x0, s1;
	[sflag:s0] =	ssyncset.done @!p0 $0x0  }
0x58: {  	[sflag:s0] =	ssyncadd.s32 @!p0 s1  }
0x59: {  	[bflag:$0x3] =	sbarrier.arrive $0xFFFF  }
0x5a: {  	_ =	shalt  }

</sc_bundles>
